<compile_context>
chip_gen: v7x
topology: tpu7x:2x2x1
jax: 0.10.2.dev20260603
libtpu: 0.0.44.dev20260713+nightly
codegen_flags: <defaults>
</compile_context>

<pallas_src>
import jax
import jax.numpy as jnp
from jax.experimental import pallas as pl

_BN = 1000
_BE = 4000


def _ln_body(x_ref, g_ref, b_ref, o_ref):
    xv = x_ref[...]
    mu = jnp.mean(xv, axis=1, keepdims=True)
    var = jnp.mean((xv - mu) ** 2, axis=1, keepdims=True)
    o_ref[...] = (xv - mu) / jnp.sqrt(var + 1e-5) * g_ref[...] + b_ref[...]


def _edge_body(xs_ref, xr_ref, el_ref, rv_ref, tv_ref, acat_ref, b1c_ref,
               w2bd_ref, b2r_ref, bcat_ref, tb1c_ref, t2bd_ref, tb2r_ref,
               rdls_ref, rtb_ref, rtw_ref, mb_ref, ms_ref,
               lg_ref, mix_ref, dx_ref):
    dx = xs_ref[...] - xr_ref[...]
    dx_ref[...] = dx
    rlog = jnp.dot(dx, rv_ref[...], preferred_element_type=jnp.float32)
    tlog = jnp.dot(dx, tv_ref[...], preferred_element_type=jnp.float32)
    h1 = jax.nn.silu(jnp.dot(dx, acat_ref[...],
                             preferred_element_type=jnp.float32) + b1c_ref[...])
    dec = jax.nn.softplus(jnp.dot(h1, w2bd_ref[...],
                                  preferred_element_type=jnp.float32) + b2r_ref[...])
    h2 = jax.nn.silu(jnp.dot(dx, bcat_ref[...],
                             preferred_element_type=jnp.float32) + tb1c_ref[...])
    tm = jnp.dot(h2, t2bd_ref[...], preferred_element_type=jnp.float32) + tb2r_ref[...]
    temp = jax.nn.softplus(rtb_ref[...] + rtw_ref[...] * tm) + 0.1
    el = el_ref[...]
    mix = jax.nn.sigmoid(mb_ref[...] + ms_ref[...] * el)
    dscale = jax.nn.softplus(rdls_ref[...])
    ddlog = jnp.log(jnp.exp(-dec * dscale * el) + 1e-9)
    lg_ref[...] = (mix * rlog + (1.0 - mix) * tlog) / temp + ddlog
    mix_ref[...] = mix


def _msg_body(dx_ref, lg_ref, mr_ref, dr_ref, mix_ref, rw_ref, tw_ref, o_ref):
    alpha = jnp.exp(lg_ref[...] - mr_ref[...]) / (dr_ref[...] + 1e-9)
    mix = mix_ref[...]
    a = alpha * mix
    b = alpha * (1.0 - mix)
    dx = dx_ref[...]
    H = rw_ref.shape[0]
    acc = jnp.zeros(dx.shape, jnp.float32)
    for h in range(H):
        acc = acc + a[:, h:h + 1] * jnp.dot(dx, rw_ref[h],
                                            preferred_element_type=jnp.float32)
        acc = acc + b[:, h:h + 1] * jnp.dot(dx, tw_ref[h],
                                            preferred_element_type=jnp.float32)
    o_ref[...] = acc


def _out_body(agg_ref, xn_ref, wo_ref, ls_ref, o_ref):
    out = jnp.nan_to_num(agg_ref[...])
    out = jnp.dot(out, wo_ref[...], preferred_element_type=jnp.float32)
    o_ref[...] = xn_ref[...] + out * ls_ref[...]


def _full(shape):
    nd = len(shape)
    return pl.BlockSpec(shape, lambda i, _nd=nd: (0,) * _nd)


def kernel(x, edge_index, edge_vec, edge_len, w_proj, radial_w, tangential_w,
           w_out, ln_gamma, ln_beta, radial_score, tangential_score,
           radial_distance_log_scale, radial_temp_bias, radial_temp_weight,
           mix_bias, mix_scale, decay_w1, decay_b1, decay_w2, decay_b2,
           temp_w1, temp_b1, temp_w2, temp_b2, layer_scale):
    N, F = x.shape
    E = edge_index.shape[1]
    H, _, FM = decay_w1.shape
    inv = 1.0 / jnp.sqrt(jnp.float32(F))
    sender = edge_index[0]
    receiver = edge_index[1]

    rv = jnp.einsum('hfg,hg->fh', radial_w, radial_score) * (inv * inv)
    tv = jnp.einsum('hfg,hg->fh', tangential_w, tangential_score) * (inv * inv)
    acat = (jnp.einsum('hfg,hgm->hfm', w_proj, decay_w1) * inv
            ).transpose(1, 0, 2).reshape(F, H * FM)
    bcat = (jnp.einsum('hfg,hgm->hfm', w_proj, temp_w1) * inv
            ).transpose(1, 0, 2).reshape(F, H * FM)
    b1c = decay_b1.reshape(1, H * FM)
    tb1c = temp_b1.reshape(1, H * FM)
    eye = jnp.eye(H, dtype=jnp.float32)
    w2bd = (decay_w2[:, :, 0:1] * eye[:, None, :]).reshape(H * FM, H)
    t2bd = (temp_w2[:, :, 0:1] * eye[:, None, :]).reshape(H * FM, H)
    b2r = decay_b2[:, 0].reshape(1, H)
    tb2r = temp_b2[:, 0].reshape(1, H)
    rdls = radial_distance_log_scale.reshape(1, H)
    rtb = radial_temp_bias.reshape(1, H)
    rtw = radial_temp_weight.reshape(1, H)
    mb = mix_bias.reshape(1, H)
    ms = mix_scale.reshape(1, H)

    xn = pl.pallas_call(
        _ln_body,
        grid=(N // _BN,),
        in_specs=[pl.BlockSpec((_BN, F), lambda i: (i, 0)),
                  _full((1, F)), _full((1, F))],
        out_specs=pl.BlockSpec((_BN, F), lambda i: (i, 0)),
        out_shape=jax.ShapeDtypeStruct((N, F), jnp.float32),
    )(x, ln_gamma.reshape(1, F), ln_beta.reshape(1, F))

    xs = jnp.take(xn, sender, axis=0)
    xr = jnp.take(xn, receiver, axis=0)
    el2 = edge_len.reshape(E, 1)

    eb = pl.BlockSpec((_BE, F), lambda i: (i, 0))
    e4 = pl.BlockSpec((_BE, H), lambda i: (i, 0))
    e1 = pl.BlockSpec((_BE, 1), lambda i: (i, 0))
    logits, mix, dx = pl.pallas_call(
        _edge_body,
        grid=(E // _BE,),
        in_specs=[eb, eb, e1,
                  _full((F, H)), _full((F, H)),
                  _full((F, H * FM)), _full((1, H * FM)),
                  _full((H * FM, H)), _full((1, H)),
                  _full((F, H * FM)), _full((1, H * FM)),
                  _full((H * FM, H)), _full((1, H)),
                  _full((1, H)), _full((1, H)), _full((1, H)),
                  _full((1, H)), _full((1, H))],
        out_specs=[e4, e4, eb],
        out_shape=[jax.ShapeDtypeStruct((E, H), jnp.float32),
                   jax.ShapeDtypeStruct((E, H), jnp.float32),
                   jax.ShapeDtypeStruct((E, F), jnp.float32)],
    )(xs, xr, el2, rv, tv, acat, b1c, w2bd, b2r, bcat, tb1c, t2bd, tb2r,
      rdls, rtb, rtw, mb, ms)

    m = jax.ops.segment_max(logits, receiver, num_segments=N)
    den = jax.ops.segment_sum(jnp.exp(logits - m[receiver]), receiver,
                              num_segments=N)
    mr = m[receiver]
    dr = den[receiver]

    msg = pl.pallas_call(
        _msg_body,
        grid=(E // _BE,),
        in_specs=[eb, e4, e4, e4, e4,
                  _full((H, F, F)), _full((H, F, F))],
        out_specs=eb,
        out_shape=jax.ShapeDtypeStruct((E, F), jnp.float32),
    )(dx, logits, mr, dr, mix, radial_w * (inv / H), tangential_w * (inv / H))

    agg = jax.ops.segment_sum(msg, receiver, num_segments=N)

    nb = pl.BlockSpec((_BN, F), lambda i: (i, 0))
    out = pl.pallas_call(
        _out_body,
        grid=(N // _BN,),
        in_specs=[nb, nb, _full((F, F)), _full((1, F))],
        out_specs=nb,
        out_shape=jax.ShapeDtypeStruct((N, F), jnp.float32),
    )(agg, xn, w_out * inv, layer_scale.reshape(1, F))
    return out

# --- scband reference (transcript-rebuilt; emitter-appended) ---
"""Pipeline reference for scband-dense-flash-attention-2465311228657 (READ-ONLY COPY).

The authoritative reference and input builder live on the scoring server;
editing this copy changes nothing except your own understanding.
"""

import jax, jax.numpy as jnp
import numpy as np

N = 10000
E = 160000
F = 128
H = 4
HID = 128
FM = F // 2

def setup_inputs(seed: int = 0):
    key = jax.random.key(seed)
    ks = jax.random.split(key, 30)
    s = 1.0 / np.sqrt(F)
    inp = {}
    inp["x"] = jax.random.normal(ks[0], (N, F), jnp.float32)
    inp["edge_index"] = jax.random.randint(ks[1], (2, E), 0, N, dtype=jnp.int32)
    inp["edge_vec"] = jax.random.normal(ks[2], (E, 3), jnp.float32)
    inp["edge_len"] = jax.random.uniform(ks[3], (E,), jnp.float32, 0.1, 5.0)
    inp["w_proj"] = jax.random.normal(ks[4], (H, F, F), jnp.float32) * s
    inp["radial_w"] = jax.random.normal(ks[5], (H, F, F), jnp.float32) * s
    inp["tangential_w"] = jax.random.normal(ks[6], (H, F, F), jnp.float32) * s
    inp["w_out"] = jax.random.normal(ks[7], (F, F), jnp.float32) * s
    inp["ln_gamma"] = jnp.ones((HID,), jnp.float32)
    inp["ln_beta"] = jnp.zeros((HID,), jnp.float32)
    inp["radial_score"] = jax.random.normal(ks[8], (H, F), jnp.float32) * s
    inp["tangential_score"] = jax.random.normal(ks[9], (H, F), jnp.float32) * s
    inp["radial_distance_log_scale"] = jnp.zeros((H,), jnp.float32)
    inp["radial_temp_bias"] = jnp.zeros((H,), jnp.float32)
    inp["radial_temp_weight"] = jnp.zeros((H,), jnp.float32)
    inp["mix_bias"] = jnp.zeros((H,), jnp.float32)
    inp["mix_scale"] = jnp.zeros((H,), jnp.float32)
    inp["decay_w1"] = jax.random.normal(ks[10], (H, F, FM), jnp.float32) * s
    inp["decay_b1"] = jnp.zeros((H, FM), jnp.float32)
    inp["decay_w2"] = jax.random.normal(ks[11], (H, FM, 1), jnp.float32) * (1.0 / np.sqrt(FM))
    inp["decay_b2"] = jnp.zeros((H, 1), jnp.float32)
    inp["temp_w1"] = jax.random.normal(ks[12], (H, F, FM), jnp.float32) * s
    inp["temp_b1"] = jnp.zeros((H, FM), jnp.float32)
    inp["temp_w2"] = jax.random.normal(ks[13], (H, FM, 1), jnp.float32) * (1.0 / np.sqrt(FM))
    inp["temp_b2"] = jnp.zeros((H, 1), jnp.float32)
    inp["layer_scale"] = jnp.full((F,), 0.01, jnp.float32)
    return inp

def reference(x, edge_index, edge_vec, edge_len, w_proj, radial_w, tangential_w, w_out, ln_gamma, ln_beta, radial_score, tangential_score, radial_distance_log_scale, radial_temp_bias, radial_temp_weight, mix_bias, mix_scale, decay_w1, decay_b1, decay_w2, decay_b2, temp_w1, temp_b1, temp_w2, temp_b2, layer_scale):
    sender = edge_index[0]
    receiver = edge_index[1]
    inv = 1.0 / jnp.sqrt(jnp.float32(F))
    scalars = x[:, :HID]
    mu = jnp.mean(scalars, axis=-1, keepdims=True)
    var = jnp.var(scalars, axis=-1, keepdims=True)
    sn = (scalars - mu) / jnp.sqrt(var + 1e-5) * ln_gamma + ln_beta
    xn = jnp.concatenate([sn, x[:, HID:]], axis=-1)
    energy = jnp.einsum('nf,hfg->hng', xn, w_proj) * inv
    radial = jnp.einsum('nf,hfg->hng', xn, radial_w) * inv
    tang = jnp.einsum('nf,hfg->hng', xn, tangential_w) * inv
    e_d = energy[:, sender] - energy[:, receiver]
    r_d = radial[:, sender] - radial[:, receiver]
    t_d = tang[:, sender] - tang[:, receiver]
    r_log = jnp.einsum('hef,hf->he', r_d, radial_score) * inv
    t_log = jnp.einsum('hef,hf->he', t_d, tangential_score) * inv
    h1 = jax.nn.silu(jnp.einsum('hef,hfm->hem', e_d, decay_w1) + decay_b1[:, None, :])
    decay = jax.nn.softplus((jnp.einsum('hem,hmo->heo', h1, decay_w2) + decay_b2[:, None, :])[..., 0])
    dist_scale = jax.nn.softplus(radial_distance_log_scale)
    dd = jnp.exp(-decay * dist_scale[:, None] * edge_len[None, :])
    h2 = jax.nn.silu(jnp.einsum('hef,hfm->hem', e_d, temp_w1) + temp_b1[:, None, :])
    tm = (jnp.einsum('hem,hmo->heo', h2, temp_w2) + temp_b2[:, None, :])[..., 0]
    temp = jax.nn.softplus(radial_temp_bias[:, None] + radial_temp_weight[:, None] * tm) + 0.1
    mix = jax.nn.sigmoid(mix_bias[:, None] + mix_scale[:, None] * edge_len[None, :])
    logits = (mix * r_log + (1.0 - mix) * t_log) / temp + jnp.log(dd + 1e-9)
    def seg_softmax(lg):
        m = jax.ops.segment_max(lg, receiver, num_segments=N)
        ex = jnp.exp(lg - m[receiver])
        sden = jax.ops.segment_sum(ex, receiver, num_segments=N)
        return ex / (sden[receiver] + 1e-9)
    alpha = jax.vmap(seg_softmax)(logits)
    msgs = mix[..., None] * r_d + (1.0 - mix)[..., None] * t_d
    weighted = alpha[..., None] * msgs
    agg = jax.vmap(lambda w: jax.ops.segment_sum(w, receiver, num_segments=N))(weighted)
    out = jnp.mean(agg, axis=0)
    out = jnp.nan_to_num(out)
    out = (out @ w_out) * inv
    out = out * layer_scale
    return xn + out

if __name__ == "__main__":
    import jax
    _d = setup_inputs()
    print(jax.jit(kernel)(*tuple(_d.values())))

</pallas_src>

<mosaic_0001>
module attributes {stable_mosaic.version = 14 : i64} {
  func.func @_ln_body(%arg0: i32, %arg1: memref<1000x128xf32, #tpu.memory_space<vmem>>, %arg2: memref<1x128xf32, #tpu.memory_space<vmem>>, %arg3: memref<1x128xf32, #tpu.memory_space<vmem>>, %arg4: memref<1000x128xf32, #tpu.memory_space<vmem>>) attributes {dimension_semantics = [#tpu.dimension_semantics<arbitrary>], iteration_bounds = array<i64: 10>, scalar_prefetch = 0 : i64, scratch_operands = 0 : i64, tpu.core_type = #tpu.core_type<tc>, window_params = [{transform_indices = @transform_0, window_bounds = array<i64: 1000, 128>}, {pipeline_mode = #tpu.pipeline_mode<synchronous>, transform_indices = @transform_1, window_bounds = array<i64: 1, 128>}, {pipeline_mode = #tpu.pipeline_mode<synchronous>, transform_indices = @transform_2, window_bounds = array<i64: 1, 128>}, {transform_indices = @transform_3, window_bounds = array<i64: 1000, 128>}]} {
    %get3A = arith.constant 0 : index
    %get3A_0 = arith.constant 0 : index
    %get3A_1 = vector.load %arg1[%get3A, %get3A_0] : memref<1000x128xf32, #tpu.memory_space<vmem>>, vector<1000x128xf32>
    %reduce_sum3A = arith.constant dense<0.000000e+00> : vector<1000xf32>
    %reduce_sum3A_2 = vector.multi_reduction <add>, %get3A_1, %reduce_sum3A [1] : vector<1000x128xf32> to vector<1000xf32>
    %broadcast_in_dim3A = vector.shape_cast %reduce_sum3A_2 : vector<1000xf32> to vector<1000x1xf32>
    %div3A = arith.constant 1.280000e+02 : f32
    %div3A_3 = vector.broadcast %div3A : f32 to vector<1000x1xf32>
    %div3A_4 = arith.divf %broadcast_in_dim3A, %div3A_3 : vector<1000x1xf32>
    %sub3A = vector.broadcast %div3A_4 : vector<1000x1xf32> to vector<1000x128xf32>
    %sub3A_5 = arith.subf %get3A_1, %sub3A : vector<1000x128xf32>
    %integer_pow3A = arith.mulf %sub3A_5, %sub3A_5 : vector<1000x128xf32>
    %reduce_sum3A_6 = arith.constant dense<0.000000e+00> : vector<1000xf32>
    %reduce_sum3A_7 = vector.multi_reduction <add>, %integer_pow3A, %reduce_sum3A_6 [1] : vector<1000x128xf32> to vector<1000xf32>
    %broadcast_in_dim3A_8 = vector.shape_cast %reduce_sum3A_7 : vector<1000xf32> to vector<1000x1xf32>
    %div3A_9 = arith.constant 1.280000e+02 : f32
    %div3A_10 = vector.broadcast %div3A_9 : f32 to vector<1000x1xf32>
    %div3A_11 = arith.divf %broadcast_in_dim3A_8, %div3A_10 : vector<1000x1xf32>
    %sub3A_12 = vector.broadcast %div3A_4 : vector<1000x1xf32> to vector<1000x128xf32>
    %sub3A_13 = arith.subf %get3A_1, %sub3A_12 : vector<1000x128xf32>
    %add3A = arith.constant 9.99999974E-6 : f32
    %add3A_14 = vector.broadcast %add3A : f32 to vector<1000x1xf32>
    %add3A_15 = arith.addf %div3A_11, %add3A_14 : vector<1000x1xf32>
    %sqrt3A = math.sqrt %add3A_15 : vector<1000x1xf32>
    %div3A_16 = vector.broadcast %sqrt3A : vector<1000x1xf32> to vector<1000x128xf32>
    %div3A_17 = arith.divf %sub3A_13, %div3A_16 : vector<1000x128xf32>
    %get3A_18 = arith.constant 0 : index
    %get3A_19 = arith.constant 0 : index
    %get3A_20 = vector.load %arg2[%get3A_18, %get3A_19] : memref<1x128xf32, #tpu.memory_space<vmem>>, vector<1x128xf32>
    %mul3A = vector.broadcast %get3A_20 : vector<1x128xf32> to vector<1000x128xf32>
    %mul3A_21 = arith.mulf %div3A_17, %mul3A : vector<1000x128xf32>
    %get3A_22 = arith.constant 0 : index
    %get3A_23 = arith.constant 0 : index
    %get3A_24 = vector.load %arg3[%get3A_22, %get3A_23] : memref<1x128xf32, #tpu.memory_space<vmem>>, vector<1x128xf32>
    %add3A_25 = vector.broadcast %get3A_24 : vector<1x128xf32> to vector<1000x128xf32>
    %add3A_26 = arith.addf %mul3A_21, %add3A_25 : vector<1000x128xf32>
    %swap3A = arith.constant 0 : index
    %swap3A_27 = arith.constant 0 : index
    %swap3A_28 = vector.load %arg4[%swap3A, %swap3A_27] : memref<1000x128xf32, #tpu.memory_space<vmem>>, vector<1000x128xf32>
    tpu.vector_store %arg4[%swap3A, %swap3A_27], %add3A_26 {strides = array<i32>} : memref<1000x128xf32, #tpu.memory_space<vmem>>, vector<1000x128xf32>,
    return
  }
  func.func @transform_0(%arg0: i32) -> (i32, i32) {
    %c0_i32 = arith.constant 0 : i32
    %c0_i32_0 = arith.constant 0 : i32
    return %arg0, %c0_i32 : i32, i32
  }
  func.func @transform_1(%arg0: i32) -> (i32, i32) {
    %c0_i32 = arith.constant 0 : i32
    %c0_i32_0 = arith.constant 0 : i32
    %c0_i32_1 = arith.constant 0 : i32
    return %c0_i32, %c0_i32_0 : i32, i32
  }
  func.func @transform_2(%arg0: i32) -> (i32, i32) {
    %c0_i32 = arith.constant 0 : i32
    %c0_i32_0 = arith.constant 0 : i32
    %c0_i32_1 = arith.constant 0 : i32
    return %c0_i32, %c0_i32_0 : i32, i32
  }
  func.func @transform_3(%arg0: i32) -> (i32, i32) {
    %c0_i32 = arith.constant 0 : i32
    %c0_i32_0 = arith.constant 0 : i32
    return %arg0, %c0_i32 : i32, i32
  }
}

module attributes {stable_mosaic.version = 14 : i64} {
  func.func @_edge_body(%arg0: i32, %arg1: memref<4000x128xf32, #tpu.memory_space<vmem>>, %arg2: memref<4000x128xf32, #tpu.memory_space<vmem>>, %arg3: memref<4000x1xf32, #tpu.memory_space<vmem>>, %arg4: memref<128x4xf32, #tpu.memory_space<vmem>>, %arg5: memref<128x4xf32, #tpu.memory_space<vmem>>, %arg6: memref<128x256xf32, #tpu.memory_space<vmem>>, %arg7: memref<1x256xf32, #tpu.memory_space<vmem>>, %arg8: memref<256x4xf32, #tpu.memory_space<vmem>>, %arg9: memref<1x4xf32, #tpu.memory_space<vmem>>, %arg10: memref<128x256xf32, #tpu.memory_space<vmem>>, %arg11: memref<1x256xf32, #tpu.memory_space<vmem>>, %arg12: memref<256x4xf32, #tpu.memory_space<vmem>>, %arg13: memref<1x4xf32, #tpu.memory_space<vmem>>, %arg14: memref<1x4xf32, #tpu.memory_space<vmem>>, %arg15: memref<1x4xf32, #tpu.memory_space<vmem>>, %arg16: memref<1x4xf32, #tpu.memory_space<vmem>>, %arg17: memref<1x4xf32, #tpu.memory_space<vmem>>, %arg18: memref<1x4xf32, #tpu.memory_space<vmem>>, %arg19: memref<4000x4xf32, #tpu.memory_space<vmem>>, %arg20: memref<4000x4xf32, #tpu.memory_space<vmem>>, %arg21: memref<4000x128xf32, #tpu.memory_space<vmem>>) attributes {dimension_semantics = [#tpu.dimension_semantics<arbitrary>], iteration_bounds = array<i64: 40>, scalar_prefetch = 0 : i64, scratch_operands = 0 : i64, tpu.core_type = #tpu.core_type<tc>, window_params = [{transform_indices = @transform_0, window_bounds = array<i64: 4000, 128>}, {transform_indices = @transform_1, window_bounds = array<i64: 4000, 128>}, {transform_indices = @transform_2, window_bounds = array<i64: 4000, 1>}, {pipeline_mode = #tpu.pipeline_mode<synchronous>, transform_indices = @transform_3, window_bounds = array<i64: 128, 4>}, {pipeline_mode = #tpu.pipeline_mode<synchronous>, transform_indices = @transform_4, window_bounds = array<i64: 128, 4>}, {pipeline_mode = #tpu.pipeline_mode<synchronous>, transform_indices = @transform_5, window_bounds = array<i64: 128, 256>}, {pipeline_mode = #tpu.pipeline_mode<synchronous>, transform_indices = @transform_6, window_bounds = array<i64: 1, 256>}, {pipeline_mode = #tpu.pipeline_mode<synchronous>, transform_indices = @transform_7, window_bounds = array<i64: 256, 4>}, {pipeline_mode = #tpu.pipeline_mode<synchronous>, transform_indices = @transform_8, window_bounds = array<i64: 1, 4>}, {pipeline_mode = #tpu.pipeline_mode<synchronous>, transform_indices = @transform_9, window_bounds = array<i64: 128, 256>}, {pipeline_mode = #tpu.pipeline_mode<synchronous>, transform_indices = @transform_10, window_bounds = array<i64: 1, 256>}, {pipeline_mode = #tpu.pipeline_mode<synchronous>, transform_indices = @transform_11, window_bounds = array<i64: 256, 4>}, {pipeline_mode = #tpu.pipeline_mode<synchronous>, transform_indices = @transform_12, window_bounds = array<i64: 1, 4>}, {pipeline_mode = #tpu.pipeline_mode<synchronous>, transform_indices = @transform_13, window_bounds = array<i64: 1, 4>}, {pipeline_mode = #tpu.pipeline_mode<synchronous>, transform_indices = @transform_14, window_bounds = array<i64: 1, 4>}, {pipeline_mode = #tpu.pipeline_mode<synchronous>, transform_indices = @transform_15, window_bounds = array<i64: 1, 4>}, {pipeline_mode = #tpu.pipeline_mode<synchronous>, transform_indices = @transform_16, window_bounds = array<i64: 1, 4>}, {pipeline_mode = #tpu.pipeline_mode<synchronous>, transform_indices = @transform_17, window_bounds = array<i64: 1, 4>}, {transform_indices = @transform_18, window_bounds = array<i64: 4000, 4>}, {transform_indices = @transform_19, window_bounds = array<i64: 4000, 4>}, {transform_indices = @transform_20, window_bounds = array<i64: 4000, 128>}]} {
    %get3A = arith.constant 0 : index
    %get3A_0 = arith.constant 0 : index
    %get3A_1 = vector.load %arg1[%get3A, %get3A_0] : memref<4000x128xf32, #tpu.memory_space<vmem>>, vector<4000x128xf32>
    %get3A_2 = arith.constant 0 : index
    %get3A_3 = arith.constant 0 : index
    %get3A_4 = vector.load %arg2[%get3A_2, %get3A_3] : memref<4000x128xf32, #tpu.memory_space<vmem>>, vector<4000x128xf32>
    %sub3A = arith.subf %get3A_1, %get3A_4 : vector<4000x128xf32>
    %swap3A = arith.constant 0 : index
    %swap3A_5 = arith.constant 0 : index
    %swap3A_6 = vector.load %arg21[%swap3A, %swap3A_5] : memref<4000x128xf32, #tpu.memory_space<vmem>>, vector<4000x128xf32>
    tpu.vector_store %arg21[%swap3A, %swap3A_5], %sub3A {strides = array<i32>} : memref<4000x128xf32, #tpu.memory_space<vmem>>, vector<4000x128xf32>,
    %get3A_7 = arith.constant 0 : index
    %get3A_8 = arith.constant 0 : index
    %get3A_9 = vector.load %arg4[%get3A_7, %get3A_8] : memref<128x4xf32, #tpu.memory_space<vmem>>, vector<128x4xf32>
    %dot_general3A = arith.constant dense<0.000000e+00> : vector<4000x4xf32>
    %dot_general3A_10 = tpu.matmul %sub3A, %get3A_9, %dot_general3A {dimension_numbers = #tpu.dot_dimension_numbers<[1], [0], [0], [1], [0, 0, 1, 1], [], []>, transpose_lhs_hint = false} : vector<4000x128xf32>, vector<128x4xf32>, vector<4000x4xf32> -> vector<4000x4xf32>
    %get3A_11 = arith.constant 0 : index
    %get3A_12 = arith.constant 0 : index
    %get3A_13 = vector.load %arg5[%get3A_11, %get3A_12] : memref<128x4xf32, #tpu.memory_space<vmem>>, vector<128x4xf32>
    %dot_general3A_14 = arith.constant dense<0.000000e+00> : vector<4000x4xf32>
    %dot_general3A_15 = tpu.matmul %sub3A, %get3A_13, %dot_general3A_14 {dimension_numbers = #tpu.dot_dimension_numbers<[1], [0], [0], [1], [0, 0, 1, 1], [], []>, transpose_lhs_hint = false} : vector<4000x128xf32>, vector<128x4xf32>, vector<4000x4xf32> -> vector<4000x4xf32>
    %get3A_16 = arith.constant 0 : index
    %get3A_17 = arith.constant 0 : index
    %get3A_18 = vector.load %arg6[%get3A_16, %get3A_17] : memref<128x256xf32, #tpu.memory_space<vmem>>, vector<128x256xf32>
    %dot_general3A_19 = arith.constant dense<0.000000e+00> : vector<4000x256xf32>
    %dot_general3A_20 = tpu.matmul %sub3A, %get3A_18, %dot_general3A_19 {dimension_numbers = #tpu.dot_dimension_numbers<[1], [0], [0], [1], [0, 0, 1, 1], [], []>, transpose_lhs_hint = false} : vector<4000x128xf32>, vector<128x256xf32>, vector<4000x256xf32> -> vector<4000x256xf32>
    %get3A_21 = arith.constant 0 : index
    %get3A_22 = arith.constant 0 : index
    %get3A_23 = vector.load %arg7[%get3A_21, %get3A_22] : memref<1x256xf32, #tpu.memory_space<vmem>>, vector<1x256xf32>
    %add3A = vector.broadcast %get3A_23 : vector<1x256xf32> to vector<4000x256xf32>
    %add3A_24 = arith.addf %dot_general3A_20, %add3A : vector<4000x256xf32>
    %logistic3A = arith.negf %add3A_24 : vector<4000x256xf32>
    %logistic3A_25 = math.exp %logistic3A : vector<4000x256xf32>
    %logistic3A_26 = arith.constant 1.000000e+00 : f32
    %logistic3A_27 = vector.broadcast %logistic3A_26 : f32 to vector<4000x256xf32>
    %logistic3A_28 = arith.addf %logistic3A_27, %logistic3A_25 : vector<4000x256xf32>
    %logistic3A_29 = arith.divf %logistic3A_27, %logistic3A_28 : vector<4000x256xf32>
    %mul3A = arith.mulf %add3A_24, %logistic3A_29 : vector<4000x256xf32>
    %get3A_30 = arith.constant 0 : index
    %get3A_31 = arith.constant 0 : index
    %get3A_32 = vector.load %arg8[%get3A_30, %get3A_31] : memref<256x4xf32, #tpu.memory_space<vmem>>, vector<256x4xf32>
    %dot_general3A_33 = arith.constant dense<0.000000e+00> : vector<4000x4xf32>
    %dot_general3A_34 = tpu.matmul %mul3A, %get3A_32, %dot_general3A_33 {dimension_numbers = #tpu.dot_dimension_numbers<[1], [0], [0], [1], [0, 0, 1, 1], [], []>, transpose_lhs_hint = false} : vector<4000x256xf32>, vector<256x4xf32>, vector<4000x4xf32> -> vector<4000x4xf32>
    %get3A_35 = arith.constant 0 : index
    %get3A_36 = arith.constant 0 : index
    %get3A_37 = vector.load %arg9[%get3A_35, %get3A_36] : memref<1x4xf32, #tpu.memory_space<vmem>>, vector<1x4xf32>
    %add3A_38 = vector.broadcast %get3A_37 : vector<1x4xf32> to vector<4000x4xf32>
    %add3A_39 = arith.addf %dot_general3A_34, %add3A_38 : vector<4000x4xf32>
    %custom_jvp_call3A = arith.constant 0.000000e+00 : f32
    %max3A = vector.broadcast %custom_jvp_call3A : f32 to vector<4000x4xf32>
    %max3A_40 = arith.maximumf %add3A_39, %max3A : vector<4000x4xf32>
    %sub3A_41 = vector.broadcast %custom_jvp_call3A : f32 to vector<4000x4xf32>
    %sub3A_42 = arith.subf %add3A_39, %sub3A_41 : vector<4000x4xf32>
    %ne3A = arith.cmpf one, %sub3A_42, %sub3A_42 : vector<4000x4xf32>
    %add3A_43 = vector.broadcast %custom_jvp_call3A : f32 to vector<4000x4xf32>
    %add3A_44 = arith.addf %add3A_39, %add3A_43 : vector<4000x4xf32>
    %abs3A = math.absf %sub3A_42 : vector<4000x4xf32>
    %neg3A = arith.constant 0.000000e+00 : f32
    %neg3A_45 = vector.broadcast %neg3A : f32 to vector<4000x4xf32>
    %neg3A_46 = arith.subf %neg3A_45, %abs3A : vector<4000x4xf32>
    %exp3A = math.exp %neg3A_46 : vector<4000x4xf32>
    %log1p3A = math.log1p %exp3A : vector<4000x4xf32>
    %add3A_47 = arith.addf %max3A_40, %log1p3A : vector<4000x4xf32>
    %select_n3A = arith.select %ne3A, %add3A_44, %add3A_47 : vector<4000x4xi1>, vector<4000x4xf32>
    %get3A_48 = arith.constant 0 : index
    %get3A_49 = arith.constant 0 : index
    %get3A_50 = vector.load %arg10[%get3A_48, %get3A_49] : memref<128x256xf32, #tpu.memory_space<vmem>>, vector<128x256xf32>
    %dot_general3A_51 = arith.constant dense<0.000000e+00> : vector<4000x256xf32>
    %dot_general3A_52 = tpu.matmul %sub3A, %get3A_50, %dot_general3A_51 {dimension_numbers = #tpu.dot_dimension_numbers<[1], [0], [0], [1], [0, 0, 1, 1], [], []>, transpose_lhs_hint = false} : vector<4000x128xf32>, vector<128x256xf32>, vector<4000x256xf32> -> vector<4000x256xf32>
    %get3A_53 = arith.constant 0 : index
    %get3A_54 = arith.constant 0 : index
    %get3A_55 = vector.load %arg11[%get3A_53, %get3A_54] : memref<1x256xf32, #tpu.memory_space<vmem>>, vector<1x256xf32>
    %add3A_56 = vector.broadcast %get3A_55 : vector<1x256xf32> to vector<4000x256xf32>
    %add3A_57 = arith.addf %dot_general3A_52, %add3A_56 : vector<4000x256xf32>
    %logistic3A_58 = arith.negf %add3A_57 : vector<4000x256xf32>
    %logistic3A_59 = math.exp %logistic3A_58 : vector<4000x256xf32>
    %logistic3A_60 = arith.constant 1.000000e+00 : f32
    %logistic3A_61 = vector.broadcast %logistic3A_60 : f32 to vector<4000x256xf32>
    %logistic3A_62 = arith.addf %logistic3A_61, %logistic3A_59 : vector<4000x256xf32>
    %logistic3A_63 = arith.divf %logistic3A_61, %logistic3A_62 : vector<4000x256xf32>
    %mul3A_64 = arith.mulf %add3A_57, %logistic3A_63 : vector<4000x256xf32>
    %get3A_65 = arith.constant 0 : index
    %get3A_66 = arith.constant 0 : index
    %get3A_67 = vector.load %arg12[%get3A_65, %get3A_66] : memref<256x4xf32, #tpu.memory_space<vmem>>, vector<256x4xf32>
    %dot_general3A_68 = arith.constant dense<0.000000e+00> : vector<4000x4xf32>
    %dot_general3A_69 = tpu.matmul %mul3A_64, %get3A_67, %dot_general3A_68 {dimension_numbers = #tpu.dot_dimension_numbers<[1], [0], [0], [1], [0, 0, 1, 1], [], []>, transpose_lhs_hint = false} : vector<4000x256xf32>, vector<256x4xf32>, vector<4000x4xf32> -> vector<4000x4xf32>
    %get3A_70 = arith.constant 0 : index
    %get3A_71 = arith.constant 0 : index
    %get3A_72 = vector.load %arg13[%get3A_70, %get3A_71] : memref<1x4xf32, #tpu.memory_space<vmem>>, vector<1x4xf32>
    %add3A_73 = vector.broadcast %get3A_72 : vector<1x4xf32> to vector<4000x4xf32>
    %add3A_74 = arith.addf %dot_general3A_69, %add3A_73 : vector<4000x4xf32>
    %get3A_75 = arith.constant 0 : index
    %get3A_76 = arith.constant 0 : index
    %get3A_77 = vector.load %arg15[%get3A_75, %get3A_76] : memref<1x4xf32, #tpu.memory_space<vmem>>, vector<1x4xf32>
    %get3A_78 = arith.constant 0 : index
    %get3A_79 = arith.constant 0 : index
    %get3A_80 = vector.load %arg16[%get3A_78, %get3A_79] : memref<1x4xf32, #tpu.memory_space<vmem>>, vector<1x4xf32>
    %mul3A_81 = vector.broadcast %get3A_80 : vector<1x4xf32> to vector<4000x4xf32>
    %mul3A_82 = arith.mulf %mul3A_81, %add3A_74 : vector<4000x4xf32>
    %add3A_83 = vector.broadcast %get3A_77 : vector<1x4xf32> to vector<4000x4xf32>
    %add3A_84 = arith.addf %add3A_83, %mul3A_82 : vector<4000x4xf32>
    %custom_jvp_call3A_85 = arith.constant 0.000000e+00 : f32
    %max3A_86 = vector.broadcast %custom_jvp_call3A_85 : f32 to vector<4000x4xf32>
    %max3A_87 = arith.maximumf %add3A_84, %max3A_86 : vector<4000x4xf32>
    %sub3A_88 = vector.broadcast %custom_jvp_call3A_85 : f32 to vector<4000x4xf32>
    %sub3A_89 = arith.subf %add3A_84, %sub3A_88 : vector<4000x4xf32>
    %ne3A_90 = arith.cmpf one, %sub3A_89, %sub3A_89 : vector<4000x4xf32>
    %add3A_91 = vector.broadcast %custom_jvp_call3A_85 : f32 to vector<4000x4xf32>
    %add3A_92 = arith.addf %add3A_84, %add3A_91 : vector<4000x4xf32>
    %abs3A_93 = math.absf %sub3A_89 : vector<4000x4xf32>
    %neg3A_94 = arith.constant 0.000000e+00 : f32
    %neg3A_95 = vector.broadcast %neg3A_94 : f32 to vector<4000x4xf32>
    %neg3A_96 = arith.subf %neg3A_95, %abs3A_93 : vector<4000x4xf32>
    %exp3A_97 = math.exp %neg3A_96 : vector<4000x4xf32>
    %log1p3A_98 = math.log1p %exp3A_97 : vector<4000x4xf32>
    %add3A_99 = arith.addf %max3A_87, %log1p3A_98 : vector<4000x4xf32>
    %select_n3A_100 = arith.select %ne3A_90, %add3A_92, %add3A_99 : vector<4000x4xi1>, vector<4000x4xf32>
    %add3A_101 = arith.constant 1.000000e-01 : f32
    %add3A_102 = vector.broadcast %add3A_101 : f32 to vector<4000x4xf32>
    %add3A_103 = arith.addf %select_n3A_100, %add3A_102 : vector<4000x4xf32>
    %get3A_104 = arith.constant 0 : index
    %get3A_105 = arith.constant 0 : index
    %get3A_106 = vector.load %arg3[%get3A_104, %get3A_105] : memref<4000x1xf32, #tpu.memory_space<vmem>>, vector<4000x1xf32>
    %get3A_107 = arith.constant 0 : index
    %get3A_108 = arith.constant 0 : index
    %get3A_109 = vector.load %arg17[%get3A_107, %get3A_108] : memref<1x4xf32, #tpu.memory_space<vmem>>, vector<1x4xf32>
    %get3A_110 = arith.constant 0 : index
    %get3A_111 = arith.constant 0 : index
    %get3A_112 = vector.load %arg18[%get3A_110, %get3A_111] : memref<1x4xf32, #tpu.memory_space<vmem>>, vector<1x4xf32>
    %mul3A_113 = vector.broadcast %get3A_112 : vector<1x4xf32> to vector<4000x4xf32>
    %mul3A_114 = vector.broadcast %get3A_106 : vector<4000x1xf32> to vector<4000x4xf32>
    %mul3A_115 = arith.mulf %mul3A_113, %mul3A_114 : vector<4000x4xf32>
    %add3A_116 = vector.broadcast %get3A_109 : vector<1x4xf32> to vector<4000x4xf32>
    %add3A_117 = arith.addf %add3A_116, %mul3A_115 : vector<4000x4xf32>
    %logistic3A_118 = arith.negf %add3A_117 : vector<4000x4xf32>
    %logistic3A_119 = math.exp %logistic3A_118 : vector<4000x4xf32>
    %logistic3A_120 = arith.constant 1.000000e+00 : f32
    %logistic3A_121 = vector.broadcast %logistic3A_120 : f32 to vector<4000x4xf32>
    %logistic3A_122 = arith.addf %logistic3A_121, %logistic3A_119 : vector<4000x4xf32>
    %logistic3A_123 = arith.divf %logistic3A_121, %logistic3A_122 : vector<4000x4xf32>
    %get3A_124 = arith.constant 0 : index
    %get3A_125 = arith.constant 0 : index
    %get3A_126 = vector.load %arg14[%get3A_124, %get3A_125] : memref<1x4xf32, #tpu.memory_space<vmem>>, vector<1x4xf32>
    %custom_jvp_call3A_127 = arith.constant 0.000000e+00 : f32
    %max3A_128 = vector.broadcast %custom_jvp_call3A_127 : f32 to vector<1x4xf32>
    %max3A_129 = arith.maximumf %get3A_126, %max3A_128 : vector<1x4xf32>
    %sub3A_130 = vector.broadcast %custom_jvp_call3A_127 : f32 to vector<1x4xf32>
    %sub3A_131 = arith.subf %get3A_126, %sub3A_130 : vector<1x4xf32>
    %ne3A_132 = arith.cmpf one, %sub3A_131, %sub3A_131 : vector<1x4xf32>
    %add3A_133 = vector.broadcast %custom_jvp_call3A_127 : f32 to vector<1x4xf32>
    %add3A_134 = arith.addf %get3A_126, %add3A_133 : vector<1x4xf32>
    %abs3A_135 = math.absf %sub3A_131 : vector<1x4xf32>
    %neg3A_136 = arith.constant 0.000000e+00 : f32
    %neg3A_137 = vector.broadcast %neg3A_136 : f32 to vector<1x4xf32>
    %neg3A_138 = arith.subf %neg3A_137, %abs3A_135 : vector<1x4xf32>
    %exp3A_139 = math.exp %neg3A_138 : vector<1x4xf32>
    %log1p3A_140 = math.log1p %exp3A_139 : vector<1x4xf32>
    %add3A_141 = arith.addf %max3A_129, %log1p3A_140 : vector<1x4xf32>
    %select_n3A_142 = arith.select %ne3A_132, %add3A_134, %add3A_141 : vector<1x4xi1>, vector<1x4xf32>
    %neg3A_143 = arith.constant 0.000000e+00 : f32
    %neg3A_144 = vector.broadcast %neg3A_143 : f32 to vector<4000x4xf32>
    %neg3A_145 = arith.subf %neg3A_144, %select_n3A : vector<4000x4xf32>
    %mul3A_146 = vector.broadcast %select_n3A_142 : vector<1x4xf32> to vector<4000x4xf32>
    %mul3A_147 = arith.mulf %neg3A_145, %mul3A_146 : vector<4000x4xf32>
    %mul3A_148 = vector.broadcast %get3A_106 : vector<4000x1xf32> to vector<4000x4xf32>
    %mul3A_149 = arith.mulf %mul3A_147, %mul3A_148 : vector<4000x4xf32>
    %exp3A_150 = math.exp %mul3A_149 : vector<4000x4xf32>
    %add3A_151 = arith.constant 9.99999971E-10 : f32
    %add3A_152 = vector.broadcast %add3A_151 : f32 to vector<4000x4xf32>
    %add3A_153 = arith.addf %exp3A_150, %add3A_152 : vector<4000x4xf32>
    %log3A = math.log %add3A_153 : vector<4000x4xf32>
    %mul3A_154 = arith.mulf %logistic3A_123, %dot_general3A_10 : vector<4000x4xf32>
    %sub3A_155 = arith.constant 1.000000e+00 : f32
    %sub3A_156 = vector.broadcast %sub3A_155 : f32 to vector<4000x4xf32>
    %sub3A_157 = arith.subf %sub3A_156, %logistic3A_123 : vector<4000x4xf32>
    %mul3A_158 = arith.mulf %sub3A_157, %dot_general3A_15 : vector<4000x4xf32>
    %add3A_159 = arith.addf %mul3A_154, %mul3A_158 : vector<4000x4xf32>
    %div3A = arith.divf %add3A_159, %add3A_103 : vector<4000x4xf32>
    %add3A_160 = arith.addf %div3A, %log3A : vector<4000x4xf32>
    %swap3A_161 = arith.constant 0 : index
    %swap3A_162 = arith.constant 0 : index
    %swap3A_163 = vector.load %arg19[%swap3A_161, %swap3A_162] : memref<4000x4xf32, #tpu.memory_space<vmem>>, vector<4000x4xf32>
    tpu.vector_store %arg19[%swap3A_161, %swap3A_162], %add3A_160 {strides = array<i32>} : memref<4000x4xf32, #tpu.memory_space<vmem>>, vector<4000x4xf32>,
    %swap3A_164 = arith.constant 0 : index
    %swap3A_165 = arith.constant 0 : index
    %swap3A_166 = vector.load %arg20[%swap3A_164, %swap3A_165] : memref<4000x4xf32, #tpu.memory_space<vmem>>, vector<4000x4xf32>
    tpu.vector_store %arg20[%swap3A_164, %swap3A_165], %logistic3A_123 {strides = array<i32>} : memref<4000x4xf32, #tpu.memory_space<vmem>>, vector<4000x4xf32>,
    return
  }
  func.func @transform_0(%arg0: i32) -> (i32, i32) {
    %c0_i32 = arith.constant 0 : i32
    %c0_i32_0 = arith.constant 0 : i32
    return %arg0, %c0_i32 : i32, i32
  }
  func.func @transform_1(%arg0: i32) -> (i32, i32) {
    %c0_i32 = arith.constant 0 : i32
    %c0_i32_0 = arith.constant 0 : i32
    return %arg0, %c0_i32 : i32, i32
  }
  func.func @transform_2(%arg0: i32) -> (i32, i32) {
    %c0_i32 = arith.constant 0 : i32
    %c0_i32_0 = arith.constant 0 : i32
    return %arg0, %c0_i32 : i32, i32
  }
  func.func @transform_3(%arg0: i32) -> (i32, i32) {
    %c0_i32 = arith.constant 0 : i32
    %c0_i32_0 = arith.constant 0 : i32
    %c0_i32_1 = arith.constant 0 : i32
    return %c0_i32, %c0_i32_0 : i32, i32
  }
  func.func @transform_4(%arg0: i32) -> (i32, i32) {
    %c0_i32 = arith.constant 0 : i32
    %c0_i32_0 = arith.constant 0 : i32
    %c0_i32_1 = arith.constant 0 : i32
    return %c0_i32, %c0_i32_0 : i32, i32
  }
  func.func @transform_5(%arg0: i32) -> (i32, i32) {
    %c0_i32 = arith.constant 0 : i32
    %c0_i32_0 = arith.constant 0 : i32
    %c0_i32_1 = arith.constant 0 : i32
    return %c0_i32, %c0_i32_0 : i32, i32
  }
  func.func @transform_6(%arg0: i32) -> (i32, i32) {
    %c0_i32 = arith.constant 0 : i32
    %c0_i32_0 = arith.constant 0 : i32
    %c0_i32_1 = arith.constant 0 : i32
    return %c0_i32, %c0_i32_0 : i32, i32
  }
  func.func @transform_7(%arg0: i32) -> (i32, i32) {
    %c0_i32 = arith.constant 0 : i32
    %c0_i32_0 = arith.constant 0 : i32
    %c0_i32_1 = arith.constant 0 : i32
    return %c0_i32, %c0_i32_0 : i32, i32
  }
  func.func @transform_8(%arg0: i32) -> (i32, i32) {
    %c0_i32 = arith.constant 0 : i32
    %c0_i32_0 = arith.constant 0 : i32
    %c0_i32_1 = arith.constant 0 : i32
    return %c0_i32, %c0_i32_0 : i32, i32
  }
  func.func @transform_9(%arg0: i32) -> (i32, i32) {
    %c0_i32 = arith.constant 0 : i32
    %c0_i32_0 = arith.constant 0 : i32
    %c0_i32_1 = arith.constant 0 : i32
    return %c0_i32, %c0_i32_0 : i32, i32
  }
  func.func @transform_10(%arg0: i32) -> (i32, i32) {
    %c0_i32 = arith.constant 0 : i32
    %c0_i32_0 = arith.constant 0 : i32
    %c0_i32_1 = arith.constant 0 : i32
    return %c0_i32, %c0_i32_0 : i32, i32
  }
  func.func @transform_11(%arg0: i32) -> (i32, i32) {
    %c0_i32 = arith.constant 0 : i32
    %c0_i32_0 = arith.constant 0 : i32
    %c0_i32_1 = arith.constant 0 : i32
    return %c0_i32, %c0_i32_0 : i32, i32
  }
  func.func @transform_12(%arg0: i32) -> (i32, i32) {
    %c0_i32 = arith.constant 0 : i32
    %c0_i32_0 = arith.constant 0 : i32
    %c0_i32_1 = arith.constant 0 : i32
    return %c0_i32, %c0_i32_0 : i32, i32
  }
  func.func @transform_13(%arg0: i32) -> (i32, i32) {
    %c0_i32 = arith.constant 0 : i32
    %c0_i32_0 = arith.constant 0 : i32
    %c0_i32_1 = arith.constant 0 : i32
    return %c0_i32, %c0_i32_0 : i32, i32
  }
  func.func @transform_14(%arg0: i32) -> (i32, i32) {
    %c0_i32 = arith.constant 0 : i32
    %c0_i32_0 = arith.constant 0 : i32
    %c0_i32_1 = arith.constant 0 : i32
    return %c0_i32, %c0_i32_0 : i32, i32
  }
  func.func @transform_15(%arg0: i32) -> (i32, i32) {
    %c0_i32 = arith.constant 0 : i32
    %c0_i32_0 = arith.constant 0 : i32
    %c0_i32_1 = arith.constant 0 : i32
    return %c0_i32, %c0_i32_0 : i32, i32
  }
  func.func @transform_16(%arg0: i32) -> (i32, i32) {
    %c0_i32 = arith.constant 0 : i32
    %c0_i32_0 = arith.constant 0 : i32
    %c0_i32_1 = arith.constant 0 : i32
    return %c0_i32, %c0_i32_0 : i32, i32
  }
  func.func @transform_17(%arg0: i32) -> (i32, i32) {
    %c0_i32 = arith.constant 0 : i32
    %c0_i32_0 = arith.constant 0 : i32
    %c0_i32_1 = arith.constant 0 : i32
    return %c0_i32, %c0_i32_0 : i32, i32
  }
  func.func @transform_18(%arg0: i32) -> (i32, i32) {
    %c0_i32 = arith.constant 0 : i32
    %c0_i32_0 = arith.constant 0 : i32
    return %arg0, %c0_i32 : i32, i32
  }
  func.func @transform_19(%arg0: i32) -> (i32, i32) {
    %c0_i32 = arith.constant 0 : i32
    %c0_i32_0 = arith.constant 0 : i32
    return %arg0, %c0_i32 : i32, i32
  }
  func.func @transform_20(%arg0: i32) -> (i32, i32) {
    %c0_i32 = arith.constant 0 : i32
    %c0_i32_0 = arith.constant 0 : i32
    return %arg0, %c0_i32 : i32, i32
  }
}

module attributes {stable_mosaic.version = 14 : i64} {
  func.func @_msg_body(%arg0: i32, %arg1: memref<4000x128xf32, #tpu.memory_space<vmem>>, %arg2: memref<4000x4xf32, #tpu.memory_space<vmem>>, %arg3: memref<4000x4xf32, #tpu.memory_space<vmem>>, %arg4: memref<4000x4xf32, #tpu.memory_space<vmem>>, %arg5: memref<4000x4xf32, #tpu.memory_space<vmem>>, %arg6: memref<4x128x128xf32, #tpu.memory_space<vmem>>, %arg7: memref<4x128x128xf32, #tpu.memory_space<vmem>>, %arg8: memref<4000x128xf32, #tpu.memory_space<vmem>>) attributes {dimension_semantics = [#tpu.dimension_semantics<arbitrary>], iteration_bounds = array<i64: 40>, scalar_prefetch = 0 : i64, scratch_operands = 0 : i64, tpu.core_type = #tpu.core_type<tc>, window_params = [{transform_indices = @transform_0, window_bounds = array<i64: 4000, 128>}, {transform_indices = @transform_1, window_bounds = array<i64: 4000, 4>}, {transform_indices = @transform_2, window_bounds = array<i64: 4000, 4>}, {transform_indices = @transform_3, window_bounds = array<i64: 4000, 4>}, {transform_indices = @transform_4, window_bounds = array<i64: 4000, 4>}, {pipeline_mode = #tpu.pipeline_mode<synchronous>, transform_indices = @transform_5, window_bounds = array<i64: 4, 128, 128>}, {pipeline_mode = #tpu.pipeline_mode<synchronous>, transform_indices = @transform_6, window_bounds = array<i64: 4, 128, 128>}, {transform_indices = @transform_7, window_bounds = array<i64: 4000, 128>}]} {
    %get3A = arith.constant 0 : index
    %get3A_0 = arith.constant 0 : index
    %get3A_1 = vector.load %arg2[%get3A, %get3A_0] : memref<4000x4xf32, #tpu.memory_space<vmem>>, vector<4000x4xf32>
    %get3A_2 = arith.constant 0 : index
    %get3A_3 = arith.constant 0 : index
    %get3A_4 = vector.load %arg3[%get3A_2, %get3A_3] : memref<4000x4xf32, #tpu.memory_space<vmem>>, vector<4000x4xf32>
    %sub3A = arith.subf %get3A_1, %get3A_4 : vector<4000x4xf32>
    %exp3A = math.exp %sub3A : vector<4000x4xf32>
    %get3A_5 = arith.constant 0 : index
    %get3A_6 = arith.constant 0 : index
    %get3A_7 = vector.load %arg4[%get3A_5, %get3A_6] : memref<4000x4xf32, #tpu.memory_space<vmem>>, vector<4000x4xf32>
    %add3A = arith.constant 9.99999971E-10 : f32
    %add3A_8 = vector.broadcast %add3A : f32 to vector<4000x4xf32>
    %add3A_9 = arith.addf %get3A_7, %add3A_8 : vector<4000x4xf32>
    %div3A = arith.divf %exp3A, %add3A_9 : vector<4000x4xf32>
    %get3A_10 = arith.constant 0 : index
    %get3A_11 = arith.constant 0 : index
    %get3A_12 = vector.load %arg5[%get3A_10, %get3A_11] : memref<4000x4xf32, #tpu.memory_space<vmem>>, vector<4000x4xf32>
    %mul3A = arith.mulf %div3A, %get3A_12 : vector<4000x4xf32>
    %sub3A_13 = arith.constant 1.000000e+00 : f32
    %sub3A_14 = vector.broadcast %sub3A_13 : f32 to vector<4000x4xf32>
    %sub3A_15 = arith.subf %sub3A_14, %get3A_12 : vector<4000x4xf32>
    %mul3A_16 = arith.mulf %div3A, %sub3A_15 : vector<4000x4xf32>
    %get3A_17 = arith.constant 0 : index
    %get3A_18 = arith.constant 0 : index
    %get3A_19 = vector.load %arg1[%get3A_17, %get3A_18] : memref<4000x128xf32, #tpu.memory_space<vmem>>, vector<4000x128xf32>
    %broadcast_in_dim3A = arith.constant 0.000000e+00 : f32
    %broadcast_in_dim3A_20 = vector.broadcast %broadcast_in_dim3A : f32 to vector<4000x128xf32>
    %slice3A = vector.extract_strided_slice %mul3A {offsets = [0, 0], sizes = [4000, 1], strides = [1, 1]} : vector<4000x4xf32> to vector<4000x1xf32>
    %get3A_21 = arith.constant 0 : index
    %get3A_22 = arith.constant 0 : index
    %get3A_23 = arith.constant 0 : index
    %get3A_24 = vector.load %arg6[%get3A_21, %get3A_22, %get3A_23] : memref<4x128x128xf32, #tpu.memory_space<vmem>>, vector<1x128x128xf32>
    %get3A_25 = vector.shape_cast %get3A_24 : vector<1x128x128xf32> to vector<128x128xf32>
    %dot_general3A = arith.constant dense<0.000000e+00> : vector<4000x128xf32>
    %dot_general3A_26 = tpu.matmul %get3A_19, %get3A_25, %dot_general3A {dimension_numbers = #tpu.dot_dimension_numbers<[1], [0], [0], [1], [0, 0, 1, 1], [], []>, transpose_lhs_hint = false} : vector<4000x128xf32>, vector<128x128xf32>, vector<4000x128xf32> -> vector<4000x128xf32>
    %mul3A_27 = vector.broadcast %slice3A : vector<4000x1xf32> to vector<4000x128xf32>
    %mul3A_28 = arith.mulf %mul3A_27, %dot_general3A_26 : vector<4000x128xf32>
    %add3A_29 = arith.addf %broadcast_in_dim3A_20, %mul3A_28 : vector<4000x128xf32>
    %slice3A_30 = vector.extract_strided_slice %mul3A_16 {offsets = [0, 0], sizes = [4000, 1], strides = [1, 1]} : vector<4000x4xf32> to vector<4000x1xf32>
    %get3A_31 = arith.constant 0 : index
    %get3A_32 = arith.constant 0 : index
    %get3A_33 = arith.constant 0 : index
    %get3A_34 = vector.load %arg7[%get3A_31, %get3A_32, %get3A_33] : memref<4x128x128xf32, #tpu.memory_space<vmem>>, vector<1x128x128xf32>
    %get3A_35 = vector.shape_cast %get3A_34 : vector<1x128x128xf32> to vector<128x128xf32>
    %dot_general3A_36 = arith.constant dense<0.000000e+00> : vector<4000x128xf32>
    %dot_general3A_37 = tpu.matmul %get3A_19, %get3A_35, %dot_general3A_36 {dimension_numbers = #tpu.dot_dimension_numbers<[1], [0], [0], [1], [0, 0, 1, 1], [], []>, transpose_lhs_hint = false} : vector<4000x128xf32>, vector<128x128xf32>, vector<4000x128xf32> -> vector<4000x128xf32>
    %mul3A_38 = vector.broadcast %slice3A_30 : vector<4000x1xf32> to vector<4000x128xf32>
    %mul3A_39 = arith.mulf %mul3A_38, %dot_general3A_37 : vector<4000x128xf32>
    %add3A_40 = arith.addf %add3A_29, %mul3A_39 : vector<4000x128xf32>
    %slice3A_41 = vector.extract_strided_slice %mul3A {offsets = [0, 1], sizes = [4000, 1], strides = [1, 1]} : vector<4000x4xf32> to vector<4000x1xf32>
    %get3A_42 = arith.constant 1 : index
    %get3A_43 = arith.constant 0 : index
    %get3A_44 = arith.constant 0 : index
    %get3A_45 = vector.load %arg6[%get3A_42, %get3A_43, %get3A_44] : memref<4x128x128xf32, #tpu.memory_space<vmem>>, vector<1x128x128xf32>
    %get3A_46 = vector.shape_cast %get3A_45 : vector<1x128x128xf32> to vector<128x128xf32>
    %dot_general3A_47 = arith.constant dense<0.000000e+00> : vector<4000x128xf32>
    %dot_general3A_48 = tpu.matmul %get3A_19, %get3A_46, %dot_general3A_47 {dimension_numbers = #tpu.dot_dimension_numbers<[1], [0], [0], [1], [0, 0, 1, 1], [], []>, transpose_lhs_hint = false} : vector<4000x128xf32>, vector<128x128xf32>, vector<4000x128xf32> -> vector<4000x128xf32>
    %mul3A_49 = vector.broadcast %slice3A_41 : vector<4000x1xf32> to vector<4000x128xf32>
    %mul3A_50 = arith.mulf %mul3A_49, %dot_general3A_48 : vector<4000x128xf32>
    %add3A_51 = arith.addf %add3A_40, %mul3A_50 : vector<4000x128xf32>
    %slice3A_52 = vector.extract_strided_slice %mul3A_16 {offsets = [0, 1], sizes = [4000, 1], strides = [1, 1]} : vector<4000x4xf32> to vector<4000x1xf32>
    %get3A_53 = arith.constant 1 : index
    %get3A_54 = arith.constant 0 : index
    %get3A_55 = arith.constant 0 : index
    %get3A_56 = vector.load %arg7[%get3A_53, %get3A_54, %get3A_55] : memref<4x128x128xf32, #tpu.memory_space<vmem>>, vector<1x128x128xf32>
    %get3A_57 = vector.shape_cast %get3A_56 : vector<1x128x128xf32> to vector<128x128xf32>
    %dot_general3A_58 = arith.constant dense<0.000000e+00> : vector<4000x128xf32>
    %dot_general3A_59 = tpu.matmul %get3A_19, %get3A_57, %dot_general3A_58 {dimension_numbers = #tpu.dot_dimension_numbers<[1], [0], [0], [1], [0, 0, 1, 1], [], []>, transpose_lhs_hint = false} : vector<4000x128xf32>, vector<128x128xf32>, vector<4000x128xf32> -> vector<4000x128xf32>
    %mul3A_60 = vector.broadcast %slice3A_52 : vector<4000x1xf32> to vector<4000x128xf32>
    %mul3A_61 = arith.mulf %mul3A_60, %dot_general3A_59 : vector<4000x128xf32>
    %add3A_62 = arith.addf %add3A_51, %mul3A_61 : vector<4000x128xf32>
    %slice3A_63 = vector.extract_strided_slice %mul3A {offsets = [0, 2], sizes = [4000, 1], strides = [1, 1]} : vector<4000x4xf32> to vector<4000x1xf32>
    %get3A_64 = arith.constant 2 : index
    %get3A_65 = arith.constant 0 : index
    %get3A_66 = arith.constant 0 : index
    %get3A_67 = vector.load %arg6[%get3A_64, %get3A_65, %get3A_66] : memref<4x128x128xf32, #tpu.memory_space<vmem>>, vector<1x128x128xf32>
    %get3A_68 = vector.shape_cast %get3A_67 : vector<1x128x128xf32> to vector<128x128xf32>
    %dot_general3A_69 = arith.constant dense<0.000000e+00> : vector<4000x128xf32>
    %dot_general3A_70 = tpu.matmul %get3A_19, %get3A_68, %dot_general3A_69 {dimension_numbers = #tpu.dot_dimension_numbers<[1], [0], [0], [1], [0, 0, 1, 1], [], []>, transpose_lhs_hint = false} : vector<4000x128xf32>, vector<128x128xf32>, vector<4000x128xf32> -> vector<4000x128xf32>
    %mul3A_71 = vector.broadcast %slice3A_63 : vector<4000x1xf32> to vector<4000x128xf32>
    %mul3A_72 = arith.mulf %mul3A_71, %dot_general3A_70 : vector<4000x128xf32>
    %add3A_73 = arith.addf %add3A_62, %mul3A_72 : vector<4000x128xf32>
    %slice3A_74 = vector.extract_strided_slice %mul3A_16 {offsets = [0, 2], sizes = [4000, 1], strides = [1, 1]} : vector<4000x4xf32> to vector<4000x1xf32>
    %get3A_75 = arith.constant 2 : index
    %get3A_76 = arith.constant 0 : index
    %get3A_77 = arith.constant 0 : index
    %get3A_78 = vector.load %arg7[%get3A_75, %get3A_76, %get3A_77] : memref<4x128x128xf32, #tpu.memory_space<vmem>>, vector<1x128x128xf32>
    %get3A_79 = vector.shape_cast %get3A_78 : vector<1x128x128xf32> to vector<128x128xf32>
    %dot_general3A_80 = arith.constant dense<0.000000e+00> : vector<4000x128xf32>
    %dot_general3A_81 = tpu.matmul %get3A_19, %get3A_79, %dot_general3A_80 {dimension_numbers = #tpu.dot_dimension_numbers<[1], [0], [0], [1], [0, 0, 1, 1], [], []>, transpose_lhs_hint = false} : vector<4000x128xf32>, vector<128x128xf32>, vector<4000x128xf32> -> vector<4000x128xf32>
    %mul3A_82 = vector.broadcast %slice3A_74 : vector<4000x1xf32> to vector<4000x128xf32>
    %mul3A_83 = arith.mulf %mul3A_82, %dot_general3A_81 : vector<4000x128xf32>
    %add3A_84 = arith.addf %add3A_73, %mul3A_83 : vector<4000x128xf32>
    %slice3A_85 = vector.extract_strided_slice %mul3A {offsets = [0, 3], sizes = [4000, 1], strides = [1, 1]} : vector<4000x4xf32> to vector<4000x1xf32>
    %get3A_86 = arith.constant 3 : index
    %get3A_87 = arith.constant 0 : index
    %get3A_88 = arith.constant 0 : index
    %get3A_89 = vector.load %arg6[%get3A_86, %get3A_87, %get3A_88] : memref<4x128x128xf32, #tpu.memory_space<vmem>>, vector<1x128x128xf32>
    %get3A_90 = vector.shape_cast %get3A_89 : vector<1x128x128xf32> to vector<128x128xf32>
    %dot_general3A_91 = arith.constant dense<0.000000e+00> : vector<4000x128xf32>
    %dot_general3A_92 = tpu.matmul %get3A_19, %get3A_90, %dot_general3A_91 {dimension_numbers = #tpu.dot_dimension_numbers<[1], [0], [0], [1], [0, 0, 1, 1], [], []>, transpose_lhs_hint = false} : vector<4000x128xf32>, vector<128x128xf32>, vector<4000x128xf32> -> vector<4000x128xf32>
    %mul3A_93 = vector.broadcast %slice3A_85 : vector<4000x1xf32> to vector<4000x128xf32>
    %mul3A_94 = arith.mulf %mul3A_93, %dot_general3A_92 : vector<4000x128xf32>
    %add3A_95 = arith.addf %add3A_84, %mul3A_94 : vector<4000x128xf32>
    %slice3A_96 = vector.extract_strided_slice %mul3A_16 {offsets = [0, 3], sizes = [4000, 1], strides = [1, 1]} : vector<4000x4xf32> to vector<4000x1xf32>
    %get3A_97 = arith.constant 3 : index
    %get3A_98 = arith.constant 0 : index
    %get3A_99 = arith.constant 0 : index
    %get3A_100 = vector.load %arg7[%get3A_97, %get3A_98, %get3A_99] : memref<4x128x128xf32, #tpu.memory_space<vmem>>, vector<1x128x128xf32>
    %get3A_101 = vector.shape_cast %get3A_100 : vector<1x128x128xf32> to vector<128x128xf32>
    %dot_general3A_102 = arith.constant dense<0.000000e+00> : vector<4000x128xf32>
    %dot_general3A_103 = tpu.matmul %get3A_19, %get3A_101, %dot_general3A_102 {dimension_numbers = #tpu.dot_dimension_numbers<[1], [0], [0], [1], [0, 0, 1, 1], [], []>, transpose_lhs_hint = false} : vector<4000x128xf32>, vector<128x128xf32>, vector<4000x128xf32> -> vector<4000x128xf32>
    %mul3A_104 = vector.broadcast %slice3A_96 : vector<4000x1xf32> to vector<4000x128xf32>
    %mul3A_105 = arith.mulf %mul3A_104, %dot_general3A_103 : vector<4000x128xf32>
    %add3A_106 = arith.addf %add3A_95, %mul3A_105 : vector<4000x128xf32>
    %swap3A = arith.constant 0 : index
    %swap3A_107 = arith.constant 0 : index
    %swap3A_108 = vector.load %arg8[%swap3A, %swap3A_107] : memref<4000x128xf32, #tpu.memory_space<vmem>>, vector<4000x128xf32>
    tpu.vector_store %arg8[%swap3A, %swap3A_107], %add3A_106 {strides = array<i32>} : memref<4000x128xf32, #tpu.memory_space<vmem>>, vector<4000x128xf32>,
    return
  }
  func.func @transform_0(%arg0: i32) -> (i32, i32) {
    %c0_i32 = arith.constant 0 : i32
    %c0_i32_0 = arith.constant 0 : i32
    return %arg0, %c0_i32 : i32, i32
  }
  func.func @transform_1(%arg0: i32) -> (i32, i32) {
    %c0_i32 = arith.constant 0 : i32
    %c0_i32_0 = arith.constant 0 : i32
    return %arg0, %c0_i32 : i32, i32
  }
  func.func @transform_2(%arg0: i32) -> (i32, i32) {
    %c0_i32 = arith.constant 0 : i32
    %c0_i32_0 = arith.constant 0 : i32
    return %arg0, %c0_i32 : i32, i32
  }
  func.func @transform_3(%arg0: i32) -> (i32, i32) {
    %c0_i32 = arith.constant 0 : i32
    %c0_i32_0 = arith.constant 0 : i32
    return %arg0, %c0_i32 : i32, i32
  }
  func.func @transform_4(%arg0: i32) -> (i32, i32) {
    %c0_i32 = arith.constant 0 : i32
    %c0_i32_0 = arith.constant 0 : i32
    return %arg0, %c0_i32 : i32, i32
  }
  func.func @transform_5(%arg0: i32) -> (i32, i32, i32) {
    %c0_i32 = arith.constant 0 : i32
    %c0_i32_0 = arith.constant 0 : i32
    %c0_i32_1 = arith.constant 0 : i32
    %c0_i32_2 = arith.constant 0 : i32
    return %c0_i32, %c0_i32_0, %c0_i32_1 : i32, i32, i32
  }
  func.func @transform_6(%arg0: i32) -> (i32, i32, i32) {
    %c0_i32 = arith.constant 0 : i32
    %c0_i32_0 = arith.constant 0 : i32
    %c0_i32_1 = arith.constant 0 : i32
    %c0_i32_2 = arith.constant 0 : i32
    return %c0_i32, %c0_i32_0, %c0_i32_1 : i32, i32, i32
  }
  func.func @transform_7(%arg0: i32) -> (i32, i32) {
    %c0_i32 = arith.constant 0 : i32
    %c0_i32_0 = arith.constant 0 : i32
    return %arg0, %c0_i32 : i32, i32
  }
}

module attributes {stable_mosaic.version = 14 : i64} {
  func.func @_out_body(%arg0: i32, %arg1: memref<1000x128xf32, #tpu.memory_space<vmem>>, %arg2: memref<1000x128xf32, #tpu.memory_space<vmem>>, %arg3: memref<128x128xf32, #tpu.memory_space<vmem>>, %arg4: memref<1x128xf32, #tpu.memory_space<vmem>>, %arg5: memref<1000x128xf32, #tpu.memory_space<vmem>>) attributes {dimension_semantics = [#tpu.dimension_semantics<arbitrary>], iteration_bounds = array<i64: 10>, scalar_prefetch = 0 : i64, scratch_operands = 0 : i64, tpu.core_type = #tpu.core_type<tc>, window_params = [{transform_indices = @transform_0, window_bounds = array<i64: 1000, 128>}, {transform_indices = @transform_1, window_bounds = array<i64: 1000, 128>}, {pipeline_mode = #tpu.pipeline_mode<synchronous>, transform_indices = @transform_2, window_bounds = array<i64: 128, 128>}, {pipeline_mode = #tpu.pipeline_mode<synchronous>, transform_indices = @transform_3, window_bounds = array<i64: 1, 128>}, {transform_indices = @transform_4, window_bounds = array<i64: 1000, 128>}]} {
    %get3A = arith.constant 0 : index
    %get3A_0 = arith.constant 0 : index
    %get3A_1 = vector.load %arg1[%get3A, %get3A_0] : memref<1000x128xf32, #tpu.memory_space<vmem>>, vector<1000x128xf32>
    %ne3A = arith.cmpf one, %get3A_1, %get3A_1 : vector<1000x128xf32>
    %jit3A = arith.constant 0.000000e+00 : f32
    %broadcast_in_dim3A = vector.broadcast %jit3A : f32 to vector<1000x128xf32>
    %select_n3A = arith.select %ne3A, %broadcast_in_dim3A, %get3A_1 : vector<1000x128xi1>, vector<1000x128xf32>
    %eq3A = arith.constant 0x7F800000 : f32
    %eq3A_2 = vector.broadcast %eq3A : f32 to vector<1000x128xf32>
    %eq3A_3 = arith.cmpf oeq, %select_n3A, %eq3A_2 : vector<1000x128xf32>
    %jit3A_4 = arith.constant 3.40282347E+38 : f32
    %broadcast_in_dim3A_5 = vector.broadcast %jit3A_4 : f32 to vector<1000x128xf32>
    %select_n3A_6 = arith.select %eq3A_3, %broadcast_in_dim3A_5, %select_n3A : vector<1000x128xi1>, vector<1000x128xf32>
    %eq3A_7 = arith.constant 0xFF800000 : f32
    %eq3A_8 = vector.broadcast %eq3A_7 : f32 to vector<1000x128xf32>
    %eq3A_9 = arith.cmpf oeq, %select_n3A_6, %eq3A_8 : vector<1000x128xf32>
    %jit3A_10 = arith.constant -3.40282347E+38 : f32
    %broadcast_in_dim3A_11 = vector.broadcast %jit3A_10 : f32 to vector<1000x128xf32>
    %select_n3A_12 = arith.select %eq3A_9, %broadcast_in_dim3A_11, %select_n3A_6 : vector<1000x128xi1>, vector<1000x128xf32>
    %get3A_13 = arith.constant 0 : index
    %get3A_14 = arith.constant 0 : index
    %get3A_15 = vector.load %arg3[%get3A_13, %get3A_14] : memref<128x128xf32, #tpu.memory_space<vmem>>, vector<128x128xf32>
    %dot_general3A = arith.constant dense<0.000000e+00> : vector<1000x128xf32>
    %dot_general3A_16 = tpu.matmul %select_n3A_12, %get3A_15, %dot_general3A {dimension_numbers = #tpu.dot_dimension_numbers<[1], [0], [0], [1], [0, 0, 1, 1], [], []>, transpose_lhs_hint = false} : vector<1000x128xf32>, vector<128x128xf32>, vector<1000x128xf32> -> vector<1000x128xf32>
    %get3A_17 = arith.constant 0 : index
    %get3A_18 = arith.constant 0 : index
    %get3A_19 = vector.load %arg2[%get3A_17, %get3A_18] : memref<1000x128xf32, #tpu.memory_space<vmem>>, vector<1000x128xf32>
    %get3A_20 = arith.constant 0 : index
    %get3A_21 = arith.constant 0 : index
    %get3A_22 = vector.load %arg4[%get3A_20, %get3A_21] : memref<1x128xf32, #tpu.memory_space<vmem>>, vector<1x128xf32>
    %mul3A = vector.broadcast %get3A_22 : vector<1x128xf32> to vector<1000x128xf32>
    %mul3A_23 = arith.mulf %dot_general3A_16, %mul3A : vector<1000x128xf32>
    %add3A = arith.addf %get3A_19, %mul3A_23 : vector<1000x128xf32>
    %swap3A = arith.constant 0 : index
    %swap3A_24 = arith.constant 0 : index
    %swap3A_25 = vector.load %arg5[%swap3A, %swap3A_24] : memref<1000x128xf32, #tpu.memory_space<vmem>>, vector<1000x128xf32>
    tpu.vector_store %arg5[%swap3A, %swap3A_24], %add3A {strides = array<i32>} : memref<1000x128xf32, #tpu.memory_space<vmem>>, vector<1000x128xf32>,
    return
  }
  func.func @transform_0(%arg0: i32) -> (i32, i32) {
    %c0_i32 = arith.constant 0 : i32
    %c0_i32_0 = arith.constant 0 : i32
    return %arg0, %c0_i32 : i32, i32
  }
  func.func @transform_1(%arg0: i32) -> (i32, i32) {
    %c0_i32 = arith.constant 0 : i32
    %c0_i32_0 = arith.constant 0 : i32
    return %arg0, %c0_i32 : i32, i32
  }
  func.func @transform_2(%arg0: i32) -> (i32, i32) {
    %c0_i32 = arith.constant 0 : i32
    %c0_i32_0 = arith.constant 0 : i32
    %c0_i32_1 = arith.constant 0 : i32
    return %c0_i32, %c0_i32_0 : i32, i32
  }
  func.func @transform_3(%arg0: i32) -> (i32, i32) {
    %c0_i32 = arith.constant 0 : i32
    %c0_i32_0 = arith.constant 0 : i32
    %c0_i32_1 = arith.constant 0 : i32
    return %c0_i32, %c0_i32_0 : i32, i32
  }
  func.func @transform_4(%arg0: i32) -> (i32, i32) {
    %c0_i32 = arith.constant 0 : i32
    %c0_i32_0 = arith.constant 0 : i32
    return %arg0, %c0_i32 : i32, i32
  }
}

</mosaic_0001>

<sc_bundles>
// kernel: scatter_offload_async_start.1
scs
__scs_entry_jumppad:
0x0: {  	(pc) =	sbr.rel $0x88, $3  }
0x1: {  	(tag) =	ssettag $0x0;
	lr =	simm.s32 $0x1  }
0x2: {  	[smem:$0x3F88] =	sst lr;
	_ =	strace $0xD0000000  }
0x3: {  	_ = 	snop  }
0x4: {  	_ = 	snop  }
0x5: {  	_ = 	snop  }
0x6: {  	_ = 	snop  }
0x7: {  	_ = 	snop  }
__scs_overlays_trampoline_lowered:
0x8: {  	[smem:$0x3F97] =	sst s0  }
0x9: {  	[smem:$0x3F98] =	sst s1  }
0xa: {  	[smem:$0x3F99] =	sst s2  }
0xb: {  	[smem:$0x3F9A] =	sst s3  }
0xc: {  	[smem:$0x3F9B] =	sst s4  }
0xd: {  	[smem:$0x3F9C] =	sst s5  }
0xe: {  	[smem:$0x3F9D] =	sst s6  }
0xf: {  	[smem:$0x3F9E] =	sst s7  }
0x10: {  	[smem:$0x3F9F] =	sst s8  }
0x11: {  	[smem:$0x3FA0] =	sst s9;
	s0 =	simm.s32 @!p0 $0x0  }
0x12: {  	s1 =	sld [smem:$0x3F86];
	s0 =	simm.s32 @p0 $0x1  }
0x13: {  	[smem:$0x3FA1] =	sst s0;
	s0 =	simm.s32 @!p1 $0x0  }
0x14: {  	s2 =	sld [smem:$0x3F85];
	s0 =	simm.s32 @p1 $0x1  }
0x15: {  	[smem:$0x3FA2] =	sst s0;
	s0 =	simm.s32 @!p2 $0x0  }
0x16: {  	s3 =	sld [smem:$0x3FDB];
	s0 =	simm.s32 @p2 $0x1  }
0x17: {  	s4 =	simm.s32 $0x1BF5;
	[smem:$0x3FA4] =	sst s0  }
0x18: {  	s0 =	sld [smem:$0x3F87];
	_ =	swait.ge [sflag:s4], $0x0  }
0x19: {  	s7 =	sld [smem:$0x3F88]  }
0x1a: {  	s8 =	sadd.s32 $0xFFFFE003, lr  }
0x1b: {  	s9 =	sadd.s32 $0xFFFFFEF7, lr;
	s5 =	simm.s32 $0xFFFFFFFF;
	p2 =	slt.u32 s8, $0xFFFFF086  }
0x1c: {  	p1 =	slt.u32 s9, $0xF7A;
	s5 =	simm.s32 @!p2 $0x0  }
0x1d: {  	s5 =	simm.s32 @p1 $0x1;
	p0 =	seq.s32 s7, s2  }
0x1e: {  	s7 =	smul.u32 @!p0 $0xF7A, s2;
	p2 =	seq.s32 @!p0 s5, $0x0  }
0x1f: {  	s9 =	smul.u32 $0xF7A, s1;
	s8 =	simm.s32 @!p0 $0x1BF5;
	p2 =	por !p2, p0  }
0x20: {  	[sflag:s8] =	ssyncset.s32 @!p0 $0xFFFFF086;
	s6 =	sadd.s32 @!p0 s3, s7;
	s7 =	simm.s32 @!p0 $0x108  }
0x21: {  	s3 =	sadd.s32 s3, s9;
	s6 =	sadd.s32 @!p0 $0x88, s6;
	s7 =	simm.s32 @p2 $0x1082  }
0x22: {  	[simem:s7], [sflag:s8] =	dma.local @!p0 [hbm:s6], $0xF7A  }
0x23: {  	s9 =	sor.u32 $0xD0000000, s2;
	s6 =	simm.s32 $0x108;
	_ =	swait.ge @!p0 [sflag:s8], $0x0  }
0x24: {  	s3 =	sadd.s32 $0x88, s3;
	s6 =	simm.s32 @!p1 $0x1082;
	[sflag:s4] =	ssyncset.s32 $0xFFFFF086  }
0x25: {  	[simem:s6], [sflag:s4] =	dma.local [hbm:s3], $0xF7A  }
0x26: {  	[smem:$0x3F88] =	sst s1;
	(tag) =	ssettag s2;
	_ =	strace s9  }
0x27: {  	s1 =	sld [smem:$0x3F98]  }
0x28: {  	s2 =	sld [smem:$0x3F99]  }
0x29: {  	s4 =	sld [smem:$0x3F9B]  }
0x2a: {  	p0 =	seq.s32 s5, $0x0;
	s5 =	sld [smem:$0x3F9C]  }
0x2b: {  	s6 =	sld [smem:$0x3F9D]  }
0x2c: {  	s7 =	sld [smem:$0x3F9E]  }
0x2d: {  	s3 =	simm.s32 $0x108;
	s8 =	sld [smem:$0x3F9F]  }
0x2e: {  	s3 =	simm.s32 @!p0 $0x1082;
	s9 =	sld [smem:$0x3FA0]  }
0x2f: {  	lr =	sadd.s32 s0, s3;
	s0 =	sld [smem:$0x3F97]  }
0x30: {  	s3 =	sld [smem:$0x3F9A]  }
0x31: {  	[smem:$0x3FA3] =	sst s10  }
0x32: {  	s10 =	sld [smem:$0x3FA1];
	_ =	sdelay $0x3  }
0x33: {  	p0 =	seq.s32 s10, $0x1;
	s10 =	sld [smem:$0x3FA3];
	_ =	sdelay $0x3  }
0x34: {  	[smem:$0x3FA3] =	sst s10  }
0x35: {  	s10 =	sld [smem:$0x3FA2];
	_ =	sdelay $0x3  }
0x36: {  	p1 =	seq.s32 s10, $0x1;
	s10 =	sld [smem:$0x3FA3];
	_ =	sdelay $0x3  }
0x37: {  	[smem:$0x3FA3] =	sst s10  }
0x38: {  	s10 =	sld [smem:$0x3FA4]  }
0x39: {  	_ = 	snop;
	(pc) =	sbr.ind lr, $3  }
0x3a: {  	_ = 	snop  }
0x3b: {  	_ = 	snop  }
0x3c: {  	p2 =	seq.s32 s10, $0x1;
	s10 =	sld [smem:$0x3FA3]  }
0x3d: {  	_ =	shalt  }
0x3e: {  	_ =	shalt  }
0x3f: {  	_ =	shalt  }
0x40: {  	_ =	shalt  }
0x41: {  	_ =	shalt  }
0x42: {  	_ =	shalt  }
0x43: {  	_ =	shalt  }
0x44: {  	_ =	shalt  }
0x45: {  	_ =	shalt  }
0x46: {  	_ =	shalt  }
0x47: {  	_ =	shalt  }
0x48: {  	_ =	shalt  }
0x49: {  	_ =	shalt  }
0x4a: {  	_ =	shalt  }
0x4b: {  	_ =	shalt  }
0x4c: {  	_ =	shalt  }
0x4d: {  	_ =	shalt  }
0x4e: {  	_ =	shalt  }
0x4f: {  	_ =	shalt  }
0x50: {  	_ =	shalt  }
0x51: {  	_ =	shalt  }
0x52: {  	_ =	shalt  }
0x53: {  	_ =	shalt  }
0x54: {  	_ =	shalt  }
0x55: {  	_ =	shalt  }
0x56: {  	_ =	shalt  }
0x57: {  	_ =	shalt  }
0x58: {  	_ =	shalt  }
0x59: {  	_ =	shalt  }
0x5a: {  	_ =	shalt  }
0x5b: {  	_ =	shalt  }
0x5c: {  	_ =	shalt  }
0x5d: {  	_ =	shalt  }
0x5e: {  	_ =	shalt  }
0x5f: {  	_ =	shalt  }
0x60: {  	_ =	shalt  }
0x61: {  	_ =	shalt  }
0x62: {  	_ =	shalt  }
0x63: {  	_ =	shalt  }
0x64: {  	_ =	shalt  }
0x65: {  	_ =	shalt  }
0x66: {  	_ =	shalt  }
0x67: {  	_ =	shalt  }
0x68: {  	_ =	shalt  }
0x69: {  	_ =	shalt  }
0x6a: {  	_ =	shalt  }
0x6b: {  	_ =	shalt  }
0x6c: {  	_ =	shalt  }
0x6d: {  	_ =	shalt  }
0x6e: {  	_ =	shalt  }
0x6f: {  	_ =	shalt  }
0x70: {  	_ =	shalt  }
0x71: {  	_ =	shalt  }
0x72: {  	_ =	shalt  }
0x73: {  	_ =	shalt  }
0x74: {  	_ =	shalt  }
0x75: {  	_ =	shalt  }
0x76: {  	_ =	shalt  }
0x77: {  	_ =	shalt  }
0x78: {  	_ =	shalt  }
0x79: {  	_ =	shalt  }
0x7a: {  	_ =	shalt  }
0x7b: {  	_ =	shalt  }
0x7c: {  	_ =	shalt  }
0x7d: {  	_ =	shalt  }
0x7e: {  	_ =	shalt  }
0x7f: {  	_ =	shalt  }
0x80: {  	_ =	shalt  }
0x81: {  	_ =	shalt  }
0x82: {  	_ =	shalt  }
0x83: {  	_ =	shalt  }
0x84: {  	_ =	shalt  }
0x85: {  	_ =	shalt  }
0x86: {  	_ =	shalt  }
0x87: {  	_ =	shalt  }
.Lfunc_end0:
.L_simem_size_0:
called_computation.1_lowered:
.L_overlay_start_0:
0x88: {  	s2 =	sld [smem:$0x3FD9]  }
0x89: {  	s3 =	sld [smem:$0x3FFE];
	_ =	sdelay $0x1  }
0x8a: {  	s1 =	srdreg.scid  }
0x8b: {  	s0 =	sand.u32 $0x1, s1  }
0x8c: {  	s16 =	sshll.u32 s0, $0xA;
	s2 =	sadd.s32 s3, s2  }
0x8d: {  	s2 =	sadd.s32 s2, s16  }
0x8e: {  	[smem:$0x3FAF] =	sst s2  }
0x8f: {  	_ = 	snop  }
0x90: {  	s2 =	sld [smem:$0x3FD0];
	(tm) =	ssettm $0x1  }
0x91: {  	s17 =	sld [smem:$0x3FFB];
	_ =	sdelay $0x3  }
0x92: {  	_ =	strace s17  }
0x93: {  	s3 =	sld [smem:$0x3FFC];
	_ =	sdelay $0x3  }
0x94: {  	_ =	strace s3  }
0x95: {  	s3 =	sld [smem:$0x3FFD];
	_ =	sdelay $0x3  }
0x96: {  	_ =	strace s3  }
0x97: {  	_ =	strace $0x8FFFFFFF  }
0x98: {  	s18 =	sld [smem:$0x3FDB];
	_ =	sdelay $0x1  }
0x99: {  	s4 =	simm.s32 $_scs_section_size  }
0x9a: {  	s5 =	simm.s32 $_size__tile_overlayer_lowered;
	s6 =	simm.s32 $_tile_overlayer_lowered  }
0x9b: {  	s21 =	simm.s32 $0x1BFF;
	s20 =	sshll.u32 s6, $0x1;
	s3 =	sadd.s32 s4, s18  }
0x9c: {  	s7 =	simm.s32 $0x0;
	s19 =	sshll.u32 s5, $0x1;
	s5 =	sadd.s32 s20, s3  }
0x9d: {  	[timem:s7], [sflag:s21] =	dma.local [hbm:s5], s19  }
0x9e: {  	_ =	swait.ge [sflag:s21], s19  }
0x9f: {  	s4 =	ssub.s32 $0x0, s19;
	[sflag:s21] =	ssyncset.done $0x0  }
0xa0: {  	[sflag:s21] =	ssyncadd.s32 s4;
	_ =	sdelay $0x1  }
0xa1: {  	s22 =	simm.s32 $0x1B8B  }
0xa2: {  	_ =	swait.ge [sflag:s22], $0x1  }
0xa3: {  	[sflag:s22] =	ssyncset.done $0x0  }
0xa4: {  	s23 =	sld [smem:$0x3FFE];
	[sflag:s22] =	ssyncadd.s32 $0xFFFFFFFF  }
0xa5: {  	s25 =	simm.s32 $0x1B8E;
	s24 =	sld [smem:$0x0]  }
0xa6: {  	s26 =	simm.s32 $execute0_lowered;
	[smem:$0x3FD2] =	sst s25  }
0xa7: {  	s6 =	sshll.u32 s26, $0x1;
	_ =	strace $0x80000049;
	[dreg:$0x1] =	wrdreg $0xFFFFFFFF  }
0xa8: {  	s28 =	simm.s32 $_size_execute0_lowered;
	s3 =	sadd.s32 s3, s6;
	[dreg:$0x0] =	wrdreg $0x0  }
0xa9: {  	s6 =	sshll.u32 s28, $0x1;
	[dreg:$0x2] =	wrdreg s3  }
0xaa: {  	[dreg:$0x3] =	wrdreg s6  }
0xab: {  	[dreg:$0x4] =	wrdreg $0xC0  }
0xac: {  	_ =	task [dreg:s7], $0x5FFFF  }
0xad: {  	[dreg:$0x1] =	wrdreg $0xFFFFFFFF  }
0xae: {  	[dreg:$0x0] =	wrdreg $0x60  }
0xaf: {  	[dreg:$0x2] =	wrdreg s2  }
0xb0: {  	[dreg:$0x3] =	wrdreg s23  }
0xb1: {  	[dreg:$0x4] =	wrdreg s1  }
0xb2: {  	[dreg:$0x5] =	wrdreg s24  }
0xb3: {  	[dreg:$0x6] =	wrdreg $0x9  }
0xb4: {  	_ =	task.clear_ibuf [dreg:s7], $0x7FFFF;
	_ =	strace $0x90000049  }
0xb5: {  	s29 =	simm.s32 $0x9;
	_ =	strace $0x8000004B  }
0xb6: {  	_ =	swait.ge [sflag:s29], $0x1  }
0xb7: {  	[sflag:s29] =	ssyncadd.s32 $0xFFFFFFFF  }
0xb8: {  	_ =	strace $0x9000004B  }
0xb9: {  	_ =	sfence  }
0xba: {  	s30 =	sld [smem:$0x0];
	_ =	sdelay $0x2  }
0xbb: {  	s31 =	sshll.u32 s1, $0xD;
	s1 =	sshrl.u32 s1, $0x2  }
0xbc: {  	s3 =	sand.u32 $0x4000, s31;
	s1 =	sadd.s32 s1, s30  }
0xbd: {  	s0 =	sor.u32 s3, s0;
	s1 =	sshll.u32 s1, $0x11  }
0xbe: {  	s0 =	sor.u32 s1, s0  }
0xbf: {  	s0 =	sadd.s32 $0x8F2B, s0  }
0xc0: {  	[sflag:s0] =	ssyncadd.remote.s32 $0x1  }
0xc1: {  	_ =	sfence.sel $0xFFFF  }
0xc2: {  	[dreg:$0x0] =	wrdreg $0xFFFFFFFF;
	(pc) =	sbr.abs _section_cstart, $3  }
0xc3: {  	[dreg:$0x1] =	wrdreg $0xFFFFFFFF  }
0xc4: {  	_ =	task.clear_ibuf [dreg:s7], $0x2FFFF;
	_ =	strace $0x9FFFFFFF  }
0xc5: {  	(tm) =	ssettm $0x7FFFFFFF  }
tec
execute0_lowered:
.L_overlay_start_1:
0x0: {  	(tag) =	ssettag $0x1  }
0x1: {  	s1 =	rddreg [dreg:$0x0]  }
0x2: {  	s11 =	rddreg [dreg:$0x1]  }
0x3: {  	s3 =	rddreg [dreg:$0x2];
	_ =	strace $0x8000004A;
	s12 =	simm.s32 $0x1  }
0x4: {  	v0 =	vimm.s32 $0x0;
	[sflag:s12] =	ssyncpa.u1 $0x0  }
0x5: {  	[tilespmem:$0x28] =	vst v0  }
0x6: {  	[tilespmem:$0x38] =	vst v0  }
0x7: {  	[tilespmem:$0x48] =	vst v0  }
0x8: {  	[tilespmem:$0x58] =	vst v0  }
0x9: {  	[tilespmem:$0x68] =	vst v0  }
0xa: {  	[tilespmem:$0x78] =	vst v0  }
0xb: {  	[tilespmem:$0x88] =	vst v0  }
0xc: {  	[tilespmem:$0x98] =	vst v0  }
0xd: {  	[tilespmem:$0xA8] =	vst v0  }
0xe: {  	[tilespmem:$0xB8] =	vst v0  }
0xf: {  	[tilespmem:$0xC8] =	vst v0  }
0x10: {  	[tilespmem:$0xD8] =	vst v0  }
0x11: {  	[tilespmem:$0xE8] =	vst v0  }
0x12: {  	[tilespmem:$0xF8] =	vst v0  }
0x13: {  	[tilespmem:$0x108] =	vst v0  }
0x14: {  	[tilespmem:$0x118] =	vst v0  }
0x15: {  	[tilespmem:$0x128] =	vst v0  }
0x16: {  	[tilespmem:$0x138] =	vst v0  }
0x17: {  	[tilespmem:$0x148] =	vst v0  }
0x18: {  	[tilespmem:$0x158] =	vst v0  }
0x19: {  	[tilespmem:$0x168] =	vst v0  }
0x1a: {  	[tilespmem:$0x178] =	vst v0  }
0x1b: {  	[tilespmem:$0x188] =	vst v0  }
0x1c: {  	[tilespmem:$0x198] =	vst v0  }
0x1d: {  	[tilespmem:$0x1A8] =	vst v0  }
0x1e: {  	[tilespmem:$0x1B8] =	vst v0  }
0x1f: {  	[tilespmem:$0x1C8] =	vst v0  }
0x20: {  	[tilespmem:$0x1D8] =	vst v0  }
0x21: {  	[tilespmem:$0x1E8] =	vst v0  }
0x22: {  	[tilespmem:$0x1F8] =	vst v0  }
0x23: {  	[tilespmem:$0x208] =	vst v0  }
0x24: {  	[tilespmem:$0x218] =	vst v0  }
0x25: {  	[tilespmem:$0x228] =	vst v0  }
0x26: {  	[tilespmem:$0x238] =	vst v0  }
0x27: {  	[tilespmem:$0x248] =	vst v0  }
0x28: {  	[tilespmem:$0x258] =	vst v0  }
0x29: {  	[tilespmem:$0x268] =	vst v0  }
0x2a: {  	[tilespmem:$0x278] =	vst v0  }
0x2b: {  	[tilespmem:$0x288] =	vst v0  }
0x2c: {  	[tilespmem:$0x298] =	vst v0  }
0x2d: {  	[tilespmem:$0x2A8] =	vst v0  }
0x2e: {  	[tilespmem:$0x2B8] =	vst v0  }
0x2f: {  	[tilespmem:$0x2C8] =	vst v0  }
0x30: {  	[tilespmem:$0x2D8] =	vst v0  }
0x31: {  	[tilespmem:$0x2E8] =	vst v0  }
0x32: {  	[tilespmem:$0x2F8] =	vst v0  }
0x33: {  	[tilespmem:$0x308] =	vst v0  }
0x34: {  	[tilespmem:$0x318] =	vst v0  }
0x35: {  	[tilespmem:$0x328] =	vst v0  }
0x36: {  	[tilespmem:$0x338] =	vst v0  }
0x37: {  	[tilespmem:$0x348] =	vst v0  }
0x38: {  	[tilespmem:$0x358] =	vst v0  }
0x39: {  	[tilespmem:$0x368] =	vst v0  }
0x3a: {  	[tilespmem:$0x378] =	vst v0  }
0x3b: {  	[tilespmem:$0x388] =	vst v0  }
0x3c: {  	[tilespmem:$0x398] =	vst v0  }
0x3d: {  	[tilespmem:$0x3A8] =	vst v0  }
0x3e: {  	[tilespmem:$0x3B8] =	vst v0  }
0x3f: {  	[tilespmem:$0x3C8] =	vst v0  }
0x40: {  	[tilespmem:$0x3D8] =	vst v0  }
0x41: {  	[tilespmem:$0x3E8] =	vst v0  }
0x42: {  	[tilespmem:$0x3F8] =	vst v0  }
0x43: {  	[tilespmem:$0x408] =	vst v0  }
0x44: {  	[tilespmem:$0x418] =	vst v0  }
0x45: {  	[tilespmem:$0x428] =	vst v0  }
0x46: {  	[tilespmem:$0x438] =	vst v0  }
0x47: {  	[tilespmem:$0x448] =	vst v0  }
0x48: {  	[tilespmem:$0x458] =	vst v0  }
0x49: {  	[tilespmem:$0x468] =	vst v0  }
0x4a: {  	[tilespmem:$0x478] =	vst v0  }
0x4b: {  	[tilespmem:$0x488] =	vst v0  }
0x4c: {  	[tilespmem:$0x498] =	vst v0  }
0x4d: {  	[tilespmem:$0x4A8] =	vst v0  }
0x4e: {  	[tilespmem:$0x4B8] =	vst v0  }
0x4f: {  	[tilespmem:$0x4C8] =	vst v0  }
0x50: {  	[tilespmem:$0x4D8] =	vst v0  }
0x51: {  	[tilespmem:$0x4E8] =	vst v0  }
0x52: {  	[tilespmem:$0x4F8] =	vst v0  }
0x53: {  	[tilespmem:$0x508] =	vst v0  }
0x54: {  	[tilespmem:$0x518] =	vst v0  }
0x55: {  	[tilespmem:$0x528] =	vst v0  }
0x56: {  	[tilespmem:$0x538] =	vst v0  }
0x57: {  	[tilespmem:$0x548] =	vst v0  }
0x58: {  	[tilespmem:$0x558] =	vst v0  }
0x59: {  	[tilespmem:$0x568] =	vst v0  }
0x5a: {  	[tilespmem:$0x578] =	vst v0  }
0x5b: {  	[tilespmem:$0x588] =	vst v0  }
0x5c: {  	[tilespmem:$0x598] =	vst v0  }
0x5d: {  	[tilespmem:$0x5A8] =	vst v0  }
0x5e: {  	[tilespmem:$0x5B8] =	vst v0  }
0x5f: {  	[tilespmem:$0x5C8] =	vst v0  }
0x60: {  	[tilespmem:$0x5D8] =	vst v0  }
0x61: {  	[tilespmem:$0x5E8] =	vst v0  }
0x62: {  	[tilespmem:$0x5F8] =	vst v0  }
0x63: {  	[tilespmem:$0x608] =	vst v0  }
0x64: {  	[tilespmem:$0x618] =	vst v0  }
0x65: {  	[tilespmem:$0x628] =	vst v0  }
0x66: {  	[tilespmem:$0x638] =	vst v0  }
0x67: {  	[tilespmem:$0x648] =	vst v0  }
0x68: {  	[tilespmem:$0x658] =	vst v0  }
0x69: {  	[tilespmem:$0x668] =	vst v0  }
0x6a: {  	[tilespmem:$0x678] =	vst v0  }
0x6b: {  	[tilespmem:$0x688] =	vst v0  }
0x6c: {  	[tilespmem:$0x698] =	vst v0  }
0x6d: {  	[tilespmem:$0x6A8] =	vst v0  }
0x6e: {  	[tilespmem:$0x6B8] =	vst v0  }
0x6f: {  	[tilespmem:$0x6C8] =	vst v0  }
0x70: {  	[tilespmem:$0x6D8] =	vst v0  }
0x71: {  	[tilespmem:$0x6E8] =	vst v0  }
0x72: {  	[tilespmem:$0x6F8] =	vst v0  }
0x73: {  	[tilespmem:$0x708] =	vst v0  }
0x74: {  	[tilespmem:$0x718] =	vst v0  }
0x75: {  	[tilespmem:$0x728] =	vst v0  }
0x76: {  	[tilespmem:$0x738] =	vst v0  }
0x77: {  	[tilespmem:$0x748] =	vst v0  }
0x78: {  	[tilespmem:$0x758] =	vst v0  }
0x79: {  	[tilespmem:$0x768] =	vst v0  }
0x7a: {  	[tilespmem:$0x778] =	vst v0  }
0x7b: {  	[tilespmem:$0x788] =	vst v0  }
0x7c: {  	[tilespmem:$0x798] =	vst v0  }
0x7d: {  	[tilespmem:$0x7A8] =	vst v0  }
0x7e: {  	[tilespmem:$0x7B8] =	vst v0  }
0x7f: {  	[tilespmem:$0x7C8] =	vst v0  }
0x80: {  	[tilespmem:$0x7D8] =	vst v0  }
0x81: {  	[tilespmem:$0x7E8] =	vst v0  }
0x82: {  	[tilespmem:$0x7F8] =	vst v0  }
0x83: {  	[tilespmem:$0x808] =	vst v0  }
0x84: {  	[tilespmem:$0x818] =	vst v0  }
0x85: {  	[tilespmem:$0x828] =	vst v0  }
0x86: {  	[tilespmem:$0x838] =	vst v0  }
0x87: {  	[tilespmem:$0x848] =	vst v0  }
0x88: {  	[tilespmem:$0x858] =	vst v0  }
0x89: {  	[tilespmem:$0x868] =	vst v0  }
0x8a: {  	[tilespmem:$0x878] =	vst v0  }
0x8b: {  	[tilespmem:$0x888] =	vst v0  }
0x8c: {  	[tilespmem:$0x898] =	vst v0  }
0x8d: {  	[tilespmem:$0x8A8] =	vst v0  }
0x8e: {  	[tilespmem:$0x8B8] =	vst v0  }
0x8f: {  	[tilespmem:$0x8C8] =	vst v0  }
0x90: {  	[tilespmem:$0x8D8] =	vst v0  }
0x91: {  	[tilespmem:$0x8E8] =	vst v0  }
0x92: {  	[tilespmem:$0x8F8] =	vst v0  }
0x93: {  	[tilespmem:$0x908] =	vst v0  }
0x94: {  	[tilespmem:$0x918] =	vst v0  }
0x95: {  	[tilespmem:$0x928] =	vst v0  }
0x96: {  	[tilespmem:$0x938] =	vst v0  }
0x97: {  	[tilespmem:$0x948] =	vst v0  }
0x98: {  	[tilespmem:$0x958] =	vst v0  }
0x99: {  	[tilespmem:$0x968] =	vst v0  }
0x9a: {  	[tilespmem:$0x978] =	vst v0  }
0x9b: {  	[tilespmem:$0x988] =	vst v0  }
0x9c: {  	[tilespmem:$0x998] =	vst v0  }
0x9d: {  	[tilespmem:$0x9A8] =	vst v0  }
0x9e: {  	[tilespmem:$0x9B8] =	vst v0  }
0x9f: {  	[tilespmem:$0x9C8] =	vst v0  }
0xa0: {  	[tilespmem:$0x9D8] =	vst v0  }
0xa1: {  	[tilespmem:$0x9E8] =	vst v0  }
0xa2: {  	[tilespmem:$0x9F8] =	vst v0  }
0xa3: {  	[tilespmem:$0xA08] =	vst v0  }
0xa4: {  	[tilespmem:$0xA18] =	vst v0  }
0xa5: {  	[tilespmem:$0xA28] =	vst v0  }
0xa6: {  	[tilespmem:$0xA38] =	vst v0  }
0xa7: {  	[tilespmem:$0xA48] =	vst v0  }
0xa8: {  	[tilespmem:$0xA58] =	vst v0  }
0xa9: {  	[tilespmem:$0xA68] =	vst v0  }
0xaa: {  	[tilespmem:$0xA78] =	vst v0  }
0xab: {  	[tilespmem:$0xA88] =	vst v0  }
0xac: {  	[tilespmem:$0xA98] =	vst v0  }
0xad: {  	[tilespmem:$0xAA8] =	vst v0  }
0xae: {  	[tilespmem:$0xAB8] =	vst v0  }
0xaf: {  	[tilespmem:$0xAC8] =	vst v0  }
0xb0: {  	[tilespmem:$0xAD8] =	vst v0  }
0xb1: {  	[tilespmem:$0xAE8] =	vst v0  }
0xb2: {  	[tilespmem:$0xAF8] =	vst v0  }
0xb3: {  	[tilespmem:$0xB08] =	vst v0  }
0xb4: {  	[tilespmem:$0xB18] =	vst v0  }
0xb5: {  	[tilespmem:$0xB28] =	vst v0  }
0xb6: {  	[tilespmem:$0xB38] =	vst v0  }
0xb7: {  	[tilespmem:$0xB48] =	vst v0  }
0xb8: {  	[tilespmem:$0xB58] =	vst v0  }
0xb9: {  	[tilespmem:$0xB68] =	vst v0  }
0xba: {  	[tilespmem:$0xB78] =	vst v0  }
0xbb: {  	[tilespmem:$0xB88] =	vst v0  }
0xbc: {  	[tilespmem:$0xB98] =	vst v0  }
0xbd: {  	[tilespmem:$0xBA8] =	vst v0  }
0xbe: {  	[tilespmem:$0xBB8] =	vst v0  }
0xbf: {  	[tilespmem:$0xBC8] =	vst v0  }
0xc0: {  	[tilespmem:$0xBD8] =	vst v0  }
0xc1: {  	[tilespmem:$0xBE8] =	vst v0  }
0xc2: {  	[tilespmem:$0xBF8] =	vst v0  }
0xc3: {  	[tilespmem:$0xC08] =	vst v0  }
0xc4: {  	[tilespmem:$0xC18] =	vst v0  }
0xc5: {  	[tilespmem:$0xC28] =	vst v0  }
0xc6: {  	[tilespmem:$0xC38] =	vst v0  }
0xc7: {  	[tilespmem:$0xC48] =	vst v0  }
0xc8: {  	[tilespmem:$0xC58] =	vst v0  }
0xc9: {  	[tilespmem:$0xC68] =	vst v0  }
0xca: {  	[tilespmem:$0xC78] =	vst v0  }
0xcb: {  	[tilespmem:$0xC88] =	vst v0  }
0xcc: {  	[tilespmem:$0xC98] =	vst v0  }
0xcd: {  	[tilespmem:$0xCA8] =	vst v0  }
0xce: {  	[tilespmem:$0xCB8] =	vst v0  }
0xcf: {  	[tilespmem:$0xCC8] =	vst v0  }
0xd0: {  	[tilespmem:$0xCD8] =	vst v0  }
0xd1: {  	[tilespmem:$0xCE8] =	vst v0  }
0xd2: {  	[tilespmem:$0xCF8] =	vst v0  }
0xd3: {  	[tilespmem:$0xD08] =	vst v0  }
0xd4: {  	[tilespmem:$0xD18] =	vst v0  }
0xd5: {  	[tilespmem:$0xD28] =	vst v0  }
0xd6: {  	[tilespmem:$0xD38] =	vst v0  }
0xd7: {  	[tilespmem:$0xD48] =	vst v0  }
0xd8: {  	[tilespmem:$0xD58] =	vst v0  }
0xd9: {  	[tilespmem:$0xD68] =	vst v0  }
0xda: {  	[tilespmem:$0xD78] =	vst v0  }
0xdb: {  	[tilespmem:$0xD88] =	vst v0  }
0xdc: {  	[tilespmem:$0xD98] =	vst v0  }
0xdd: {  	[tilespmem:$0xDA8] =	vst v0  }
0xde: {  	[tilespmem:$0xDB8] =	vst v0  }
0xdf: {  	[tilespmem:$0xDC8] =	vst v0  }
0xe0: {  	[tilespmem:$0xDD8] =	vst v0  }
0xe1: {  	[tilespmem:$0xDE8] =	vst v0  }
0xe2: {  	[tilespmem:$0xDF8] =	vst v0  }
0xe3: {  	[tilespmem:$0xE08] =	vst v0  }
0xe4: {  	[tilespmem:$0xE18] =	vst v0  }
0xe5: {  	[tilespmem:$0xE28] =	vst v0  }
0xe6: {  	[tilespmem:$0xE38] =	vst v0  }
0xe7: {  	[tilespmem:$0xE48] =	vst v0  }
0xe8: {  	[tilespmem:$0xE58] =	vst v0  }
0xe9: {  	[tilespmem:$0xE68] =	vst v0  }
0xea: {  	[tilespmem:$0xE78] =	vst v0  }
0xeb: {  	[tilespmem:$0xE88] =	vst v0  }
0xec: {  	[tilespmem:$0xE98] =	vst v0  }
0xed: {  	[tilespmem:$0xEA8] =	vst v0  }
0xee: {  	[tilespmem:$0xEB8] =	vst v0  }
0xef: {  	[tilespmem:$0xEC8] =	vst v0  }
0xf0: {  	[tilespmem:$0xED8] =	vst v0  }
0xf1: {  	[tilespmem:$0xEE8] =	vst v0  }
0xf2: {  	[tilespmem:$0xEF8] =	vst v0  }
0xf3: {  	[tilespmem:$0xF08] =	vst v0  }
0xf4: {  	[tilespmem:$0xF18] =	vst v0  }
0xf5: {  	[tilespmem:$0xF28] =	vst v0  }
0xf6: {  	[tilespmem:$0xF38] =	vst v0  }
0xf7: {  	[tilespmem:$0xF48] =	vst v0  }
0xf8: {  	[tilespmem:$0xF58] =	vst v0  }
0xf9: {  	[tilespmem:$0xF68] =	vst v0  }
0xfa: {  	[tilespmem:$0xF78] =	vst v0  }
0xfb: {  	[tilespmem:$0xF88] =	vst v0  }
0xfc: {  	[tilespmem:$0xF98] =	vst v0  }
0xfd: {  	[tilespmem:$0xFA8] =	vst v0  }
0xfe: {  	[tilespmem:$0xFB8] =	vst v0  }
0xff: {  	[tilespmem:$0xFC8] =	vst v0  }
0x100: {  	[tilespmem:$0xFD8] =	vst v0  }
0x101: {  	[tilespmem:$0xFE8] =	vst v0  }
0x102: {  	[tilespmem:$0xFF8] =	vst v0  }
0x103: {  	[tilespmem:$0x1028] =	vst v0  }
0x104: {  	[tilespmem:$0x10E8] =	vst v0  }
0x105: {  	[tilespmem:$0x1068] =	vst v0  }
0x106: {  	[tilespmem:$0x1058] =	vst v0  }
0x107: {  	[tilespmem:$0x1B28] =	vst v0  }
0x108: {  	[tilespmem:$0x1B18] =	vst v0  }
0x109: {  	[tilespmem:$0x1B08] =	vst v0  }
0x10a: {  	[tilespmem:$0x1AF8] =	vst v0  }
0x10b: {  	[tilespmem:$0x1AE8] =	vst v0  }
0x10c: {  	[tilespmem:$0x1AD8] =	vst v0  }
0x10d: {  	[tilespmem:$0x1AC8] =	vst v0  }
0x10e: {  	[tilespmem:$0x1AB8] =	vst v0  }
0x10f: {  	[tilespmem:$0x1AA8] =	vst v0  }
0x110: {  	[tilespmem:$0x1A98] =	vst v0  }
0x111: {  	[tilespmem:$0x1A88] =	vst v0  }
0x112: {  	[tilespmem:$0x1A78] =	vst v0  }
0x113: {  	[tilespmem:$0x1A68] =	vst v0  }
0x114: {  	[tilespmem:$0x1A58] =	vst v0  }
0x115: {  	[tilespmem:$0x1A48] =	vst v0  }
0x116: {  	[tilespmem:$0x1A38] =	vst v0  }
0x117: {  	[tilespmem:$0x1A28] =	vst v0  }
0x118: {  	[tilespmem:$0x1A18] =	vst v0  }
0x119: {  	[tilespmem:$0x1A08] =	vst v0  }
0x11a: {  	[tilespmem:$0x19F8] =	vst v0  }
0x11b: {  	[tilespmem:$0x19E8] =	vst v0  }
0x11c: {  	[tilespmem:$0x19D8] =	vst v0  }
0x11d: {  	[tilespmem:$0x19C8] =	vst v0  }
0x11e: {  	[tilespmem:$0x19B8] =	vst v0  }
0x11f: {  	[tilespmem:$0x19A8] =	vst v0  }
0x120: {  	[tilespmem:$0x1998] =	vst v0  }
0x121: {  	[tilespmem:$0x1988] =	vst v0  }
0x122: {  	[tilespmem:$0x1978] =	vst v0  }
0x123: {  	[tilespmem:$0x1968] =	vst v0  }
0x124: {  	[tilespmem:$0x1958] =	vst v0  }
0x125: {  	[tilespmem:$0x1948] =	vst v0  }
0x126: {  	[tilespmem:$0x1938] =	vst v0  }
0x127: {  	[tilespmem:$0x1928] =	vst v0  }
0x128: {  	[tilespmem:$0x1918] =	vst v0  }
0x129: {  	[tilespmem:$0x1908] =	vst v0  }
0x12a: {  	[tilespmem:$0x18F8] =	vst v0  }
0x12b: {  	[tilespmem:$0x18E8] =	vst v0  }
0x12c: {  	[tilespmem:$0x18D8] =	vst v0  }
0x12d: {  	[tilespmem:$0x18C8] =	vst v0  }
0x12e: {  	[tilespmem:$0x18B8] =	vst v0  }
0x12f: {  	[tilespmem:$0x18A8] =	vst v0  }
0x130: {  	[tilespmem:$0x1898] =	vst v0  }
0x131: {  	[tilespmem:$0x1888] =	vst v0  }
0x132: {  	[tilespmem:$0x1878] =	vst v0  }
0x133: {  	[tilespmem:$0x1868] =	vst v0  }
0x134: {  	[tilespmem:$0x1858] =	vst v0  }
0x135: {  	[tilespmem:$0x1848] =	vst v0  }
0x136: {  	[tilespmem:$0x1838] =	vst v0  }
0x137: {  	[tilespmem:$0x1828] =	vst v0  }
0x138: {  	[tilespmem:$0x1818] =	vst v0  }
0x139: {  	[tilespmem:$0x1808] =	vst v0  }
0x13a: {  	[tilespmem:$0x17F8] =	vst v0  }
0x13b: {  	[tilespmem:$0x17E8] =	vst v0  }
0x13c: {  	[tilespmem:$0x17D8] =	vst v0  }
0x13d: {  	[tilespmem:$0x17C8] =	vst v0  }
0x13e: {  	[tilespmem:$0x17B8] =	vst v0  }
0x13f: {  	[tilespmem:$0x17A8] =	vst v0  }
0x140: {  	[tilespmem:$0x1798] =	vst v0  }
0x141: {  	[tilespmem:$0x1788] =	vst v0  }
0x142: {  	[tilespmem:$0x1778] =	vst v0  }
0x143: {  	[tilespmem:$0x1768] =	vst v0  }
0x144: {  	[tilespmem:$0x1758] =	vst v0  }
0x145: {  	[tilespmem:$0x1748] =	vst v0  }
0x146: {  	[tilespmem:$0x1738] =	vst v0  }
0x147: {  	[tilespmem:$0x1728] =	vst v0  }
0x148: {  	[tilespmem:$0x1718] =	vst v0  }
0x149: {  	[tilespmem:$0x1708] =	vst v0  }
0x14a: {  	[tilespmem:$0x16F8] =	vst v0  }
0x14b: {  	[tilespmem:$0x16E8] =	vst v0  }
0x14c: {  	[tilespmem:$0x16D8] =	vst v0  }
0x14d: {  	[tilespmem:$0x16C8] =	vst v0  }
0x14e: {  	[tilespmem:$0x16B8] =	vst v0  }
0x14f: {  	[tilespmem:$0x16A8] =	vst v0  }
0x150: {  	[tilespmem:$0x1698] =	vst v0  }
0x151: {  	[tilespmem:$0x1688] =	vst v0  }
0x152: {  	[tilespmem:$0x1678] =	vst v0  }
0x153: {  	[tilespmem:$0x1668] =	vst v0  }
0x154: {  	[tilespmem:$0x1658] =	vst v0  }
0x155: {  	[tilespmem:$0x1648] =	vst v0  }
0x156: {  	[tilespmem:$0x1638] =	vst v0  }
0x157: {  	[tilespmem:$0x1628] =	vst v0  }
0x158: {  	[tilespmem:$0x1618] =	vst v0  }
0x159: {  	[tilespmem:$0x1608] =	vst v0  }
0x15a: {  	[tilespmem:$0x15F8] =	vst v0  }
0x15b: {  	[tilespmem:$0x15E8] =	vst v0  }
0x15c: {  	[tilespmem:$0x15D8] =	vst v0  }
0x15d: {  	[tilespmem:$0x15C8] =	vst v0  }
0x15e: {  	[tilespmem:$0x15B8] =	vst v0  }
0x15f: {  	[tilespmem:$0x15A8] =	vst v0  }
0x160: {  	[tilespmem:$0x1598] =	vst v0  }
0x161: {  	[tilespmem:$0x1588] =	vst v0  }
0x162: {  	[tilespmem:$0x1578] =	vst v0  }
0x163: {  	[tilespmem:$0x1568] =	vst v0  }
0x164: {  	[tilespmem:$0x1558] =	vst v0  }
0x165: {  	[tilespmem:$0x1548] =	vst v0  }
0x166: {  	[tilespmem:$0x1538] =	vst v0  }
0x167: {  	[tilespmem:$0x1528] =	vst v0  }
0x168: {  	[tilespmem:$0x1518] =	vst v0  }
0x169: {  	[tilespmem:$0x1508] =	vst v0  }
0x16a: {  	[tilespmem:$0x14F8] =	vst v0  }
0x16b: {  	[tilespmem:$0x14E8] =	vst v0  }
0x16c: {  	[tilespmem:$0x14D8] =	vst v0  }
0x16d: {  	[tilespmem:$0x14C8] =	vst v0  }
0x16e: {  	[tilespmem:$0x14B8] =	vst v0  }
0x16f: {  	[tilespmem:$0x14A8] =	vst v0  }
0x170: {  	[tilespmem:$0x1498] =	vst v0  }
0x171: {  	[tilespmem:$0x1488] =	vst v0  }
0x172: {  	[tilespmem:$0x1478] =	vst v0  }
0x173: {  	[tilespmem:$0x1468] =	vst v0  }
0x174: {  	[tilespmem:$0x1458] =	vst v0  }
0x175: {  	[tilespmem:$0x1448] =	vst v0  }
0x176: {  	[tilespmem:$0x1438] =	vst v0  }
0x177: {  	[tilespmem:$0x1428] =	vst v0  }
0x178: {  	[tilespmem:$0x1418] =	vst v0  }
0x179: {  	[tilespmem:$0x1408] =	vst v0  }
0x17a: {  	[tilespmem:$0x13F8] =	vst v0  }
0x17b: {  	[tilespmem:$0x13E8] =	vst v0  }
0x17c: {  	[tilespmem:$0x13D8] =	vst v0  }
0x17d: {  	[tilespmem:$0x13C8] =	vst v0  }
0x17e: {  	[tilespmem:$0x13B8] =	vst v0  }
0x17f: {  	[tilespmem:$0x13A8] =	vst v0  }
0x180: {  	[tilespmem:$0x1398] =	vst v0  }
0x181: {  	[tilespmem:$0x1388] =	vst v0  }
0x182: {  	[tilespmem:$0x1378] =	vst v0  }
0x183: {  	[tilespmem:$0x1368] =	vst v0  }
0x184: {  	[tilespmem:$0x1358] =	vst v0  }
0x185: {  	[tilespmem:$0x1348] =	vst v0  }
0x186: {  	[tilespmem:$0x1338] =	vst v0  }
0x187: {  	[tilespmem:$0x1328] =	vst v0  }
0x188: {  	[tilespmem:$0x1318] =	vst v0  }
0x189: {  	[tilespmem:$0x1308] =	vst v0  }
0x18a: {  	[tilespmem:$0x12F8] =	vst v0  }
0x18b: {  	[tilespmem:$0x12E8] =	vst v0  }
0x18c: {  	[tilespmem:$0x12D8] =	vst v0  }
0x18d: {  	[tilespmem:$0x12C8] =	vst v0  }
0x18e: {  	[tilespmem:$0x12B8] =	vst v0  }
0x18f: {  	[tilespmem:$0x12A8] =	vst v0  }
0x190: {  	[tilespmem:$0x1298] =	vst v0  }
0x191: {  	[tilespmem:$0x1288] =	vst v0  }
0x192: {  	[tilespmem:$0x1278] =	vst v0  }
0x193: {  	[tilespmem:$0x1268] =	vst v0  }
0x194: {  	[tilespmem:$0x1258] =	vst v0  }
0x195: {  	[tilespmem:$0x1248] =	vst v0  }
0x196: {  	[tilespmem:$0x1238] =	vst v0  }
0x197: {  	[tilespmem:$0x1228] =	vst v0  }
0x198: {  	[tilespmem:$0x1218] =	vst v0  }
0x199: {  	[tilespmem:$0x1208] =	vst v0  }
0x19a: {  	[tilespmem:$0x11F8] =	vst v0  }
0x19b: {  	[tilespmem:$0x11E8] =	vst v0  }
0x19c: {  	[tilespmem:$0x11D8] =	vst v0  }
0x19d: {  	[tilespmem:$0x11C8] =	vst v0  }
0x19e: {  	[tilespmem:$0x11B8] =	vst v0  }
0x19f: {  	[tilespmem:$0x11A8] =	vst v0  }
0x1a0: {  	[tilespmem:$0x1198] =	vst v0  }
0x1a1: {  	[tilespmem:$0x1188] =	vst v0  }
0x1a2: {  	[tilespmem:$0x1178] =	vst v0  }
0x1a3: {  	[tilespmem:$0x1168] =	vst v0  }
0x1a4: {  	[tilespmem:$0x1158] =	vst v0  }
0x1a5: {  	[tilespmem:$0x1148] =	vst v0  }
0x1a6: {  	[tilespmem:$0x1138] =	vst v0  }
0x1a7: {  	s4 =	stileid.u32;
	[tilespmem:$0x1128] =	vst v0  }
0x1a8: {  	s0 =	smul.u32 $0xB, s4;
	[tilespmem:$0x1118] =	vst v0  }
0x1a9: {  	s2 =	smin.u32 s4, $0xA;
	[tilespmem:$0x1108] =	vst v0  }
0x1aa: {  	[tilespmem:$0x10F8] =	vst v0;
	s0 =	sadd.s32 s2, s0  }
0x1ab: {  	p0 =	slt.u32 s4, $0xA;
	[tilespmem:$0x10C8] =	vst v0;
	s2 =	simm.s32 $0x1440;
	s6 =	smul.u32 $0x1B0, s0  }
0x1ac: {  	s2 =	simm.s32 @!p0 $0x1290;
	[tilespmem:$0x10D8] =	vst v0  }
0x1ad: {  	[tilespmem:$0x10B8] =	vst v0;
	s0 =	sadd.s32 s2, s6  }
0x1ae: {  	s5 =	simm.s32 $0x2;
	[tilespmem:$0x1038] =	vst v0;
	s7 =	smin.u32 s0, $0x13880  }
0x1af: {  	s8 =	simm.s32 $0x9;
	s10 =	simm.s32 $0xA;
	[tilespmem:$0x10A8] =	vst v0;
	s0 =	ssub.s32 s7, s6  }
0x1b0: {  	s30 =	simm.s32 $0xB;
	s16 =	simm.s32 $0x0;
	[tilespmem:$0x1098] =	vst v0;
	p0 =	sgt.s32 s0, $0x0  }
0x1b1: {  	p4 =	por $0x0, $0x0;
	s17 =	simm.s32 $0xC;
	[tilespmem:$0x1088] =	vst v0;
	s0 =	simm.s32 @!p0 $0x0  }
0x1b2: {  	s21 =	simm.s32 $0x0;
	s18 =	simm.s32 $0x0;
	[tilespmem:$0x1078] =	vst v0;
	s28 =	smulhi.u32 $0x4BDA12F7, s0  }
0x1b3: {  	s20 =	simm.s32 $0x0;
	s3 =	sand.u32 $0x1, s3;
	s31 =	sshll.u32 s4, $0x5;
	[tilespmem:$0x1048] =	vst v0  }
0x1b4: {  	s2 =	sshrl.u32 s28, $0x7;
	[tilespmem:$0x1018] =	vst v0;
	[dreg:$0x6] =	wrdreg s3;
	s3 =	smul.u32 $0x2710, s3  }
0x1b5: {  	[tilespmem:$0x1008] =	vst v0;
	[sflag:s5] =	ssyncpa.u1 $0x0;
	v0 =	vimm.s32 $0xFFFFFFFF;
	[dreg:$0x5] =	wrdreg s31;
	s29 =	smul.u32 $0x1B0, s2  }
.Ltmp0:
0x1b6: {  	[tilespmem:$0x3648] =	vst v0;
	[sflag:s8] =	ssyncpa.u1 $0x0;
	s3 =	sadd.s32 s3, s11;
	(pc) =	sbr.rel .LBB2_1-.Ltmp0, $4  }
0x1b7: {  	[sflag:s10] =	ssyncpa.u1 $0x0;
	s11 =	sadd.s32 $0x2A7A00, s11;
	p0 =	sne.s32 s0, s29  }
0x1b8: {  	[sflag:s30] =	ssyncpa.u1 $0x0;
	s14 =	sadd.s32 $0x784A00, s3;
	s12 =	simm.s32 @!p0 $0x0  }
0x1b9: {  	s15 =	sadd.s32 $0x5800, s3;
	s19 =	smov.u32 s6;
	s12 =	sadd.s32 s12, s2  }
0x1ba: {  	v0 =	vlaneseq.u32;
	[dreg:$0x7] =	wrdreg s6;
	p0 =	por $0x1, $0x1;
	s4 =	sadd.s32 $0x1, s12  }
.LBB2_18:
0x1bb: {  	s0 =	simm.s32 $0x2  }
0x1bc: {  	_ =	swait.ge [sflag:s0], $0x0  }
0x1bd: {  	[sflag:s0] =	ssyncset.done $0x0;
	s0 =	simm.s32 $0x0  }
.LBB2_19:
0x1be: {  	_ =	swait.ge [sflag:s17], s0  }
0x1bf: {  	s31 =	ssub.s32 $0x0, s0;
	v1 =	vmov s23;
	vm0 =	veq.s32 v0, $0x0;
	[sflag:s17] =	ssyncset.done $0x0  }
0x1c0: {  	vm15 =	veq.s32 v0, $0x2;
	v1 =	vsel vm0, s28, v1;
	[sflag:s17] =	ssyncadd.s32 s31  }
0x1c1: {  	v1 =	vsel vm15, s21, v1;
	[sflag:s17] =	ssyncpa.u1 $0x1  }
0x1c2: {  	[tilespmem:$0x3648] =	vst v1  }
.LBB2_20:
0x1c3: {  	s0 =	sadd.s32 $0x1B0, s19  }
0x1c4: {  	s2 =	smov.u32 s6;
	p1 =	slt.s32 s0, s7  }
0x1c5: {  	s2 =	smov.u32 @p1 s0;
	p1 =	sne.s32 s20, s4  }
.Ltmp1:
0x1c6: {  	_ = 	snop;
	(pc) =	sbr.rel @!p1 .LBB2_21-.Ltmp1, $4  }
0x1c7: {  	_ = 	snop  }
0x1c8: {  	s21 =	smov.u32 s18  }
0x1c9: {  	s31 =	sadd.s32 $0x1, s20;
	s18 =	smov.u32 s19;
	p0 =	por !p0, !p0  }
0x1ca: {  	p4 =	por !p4, !p4;
	s20 =	smov.u32 s31;
	s19 =	smov.u32 s2  }
.LBB2_1:
0x1cb: {  	p2 =	sge.u32 s20, s12  }
0x1cc: {  	s0 =	smulhi.u32 @!p2 $0xAAAAAAAB, s20  }
0x1cd: {  	s2 =	smov.u32 s19;
	p3 =	sgt.s32 @!p2 s19, $0x136D0  }
0x1ce: {  	s3 =	sshra.s32 @!p2 s19, $0x1F;
	p3 =	por !p3, p2;
	s0 =	sshrl.u32 @!p2 s0, $0x1  }
0x1cf: {  	s3 =	sand.u32 @!p2 s3, s19;
	s2 =	simm.s32 @p3 $0x136D0;
	s0 =	smul.u32 @!p2 $0x3, s0  }
0x1d0: {  	s2 =	ssub.s32 @!p2 s2, s3  }
0x1d1: {  	s23 =	sadd.s32 $0xFFFFFFFF, s20;
	s2 =	sadd.s32 @!p2 $0xFFFEC930, s2;
	s0 =	ssub.s32 @!p2 s20, s0  }
0x1d2: {  	s3 =	sshll.u32 @!p2 s2, $0x2;
	p3 =	sgt.s32 @!p2 s2, $0x1AF;
	s0 =	smul.u32 @!p2 $0x6C0, s0  }
0x1d3: {  	s5 =	sand.u32 @!p2 $0x7, s19;
	s2 =	ssub.s32 @!p2 $0x6C0, s3;
	p3 =	por !p3, p2  }
0x1d4: {  	s3 =	sshrl.u32 @!p2 s19, $0x3;
	s2 =	sshrl.u32 @!p2 s2, $0x2;
	s0 =	sshrl.u32 @!p2 s0, $0x2  }
0x1d5: {  	s3 =	sadd.s32 @!p2 s3, s14;
	s2 =	simm.s32 @!p3 $0x0;
	s0 =	sadd.s32 @!p2 $0x3888, s0  }
0x1d6: {  	[tilespmem:s0], [sflag:$0xA] =	stream.linear.gather @!p2 [hbm4b:s3+s5], s2, $0x38;
	[tilespmem:$0x1F0F8] =	vst v63  }
0x1d7: {  	p2 =	sge.u32 s23, s12  }
0x1d8: {  	p3 =	sgt.s32 @!p2 s18, $0x136D0  }
0x1d9: {  	s0 =	smov.u32 s18;
	s2 =	sshra.s32 @!p2 s18, $0x1F;
	p3 =	por !p3, p2  }
0x1da: {  	s2 =	sand.u32 @!p2 s2, s18;
	s0 =	simm.s32 @p3 $0x136D0  }
0x1db: {  	s0 =	ssub.s32 @!p2 s0, s2  }
0x1dc: {  	s0 =	sadd.s32 @!p2 $0xFFFEC930, s0  }
0x1dd: {  	s2 =	sshll.u32 @!p2 s0, $0x2  }
0x1de: {  	p3 =	sgt.s32 @!p2 s0, $0x1AF;
	s0 =	ssub.s32 @!p2 $0x6C0, s2  }
0x1df: {  	s22 =	ssub.s32 @!p2 $0x13880, s18;
	p3 =	por !p3, p2;
	s0 =	sshrl.u32 @!p2 s0, $0x2  }
0x1e0: {  	s2 =	sand.u32 @!p2 $0x1, s23;
	s0 =	simm.s32 @!p3 $0x0;
	p3 =	slt.s32 @!p2 s22, $0x1  }
0x1e1: {  	s3 =	simm.s32 @!p2 $0xA;
	s2 =	smul.u32 @!p2 $0x6C0, s2;
	p3 =	por p2, p3  }
.Ltmp2:
0x1e2: {  	_ =	swait.ge @!p2 [sflag:s3], s0;
	(pc) =	sbr.rel @p3 .LBB2_7-.Ltmp2, $4  }
0x1e3: {  	s5 =	ssub.s32 @!p2 $0x0, s0;
	[sflag:s3] =	ssyncset.done @!p2 $0x0  }
0x1e4: {  	s2 =	sshrl.u32 @!p2 s2, $0x2;
	[sflag:s3] =	ssyncadd.s32 @!p2 s5;
	s3 =	sshrl.u32 @!p2 s18, $0x3  }
0x1e5: {  	s2 =	sadd.s32 @!p2 $0x3D98, s2;
	s5 =	sand.u32 @!p2 $0x7, s18;
	s3 =	sadd.s32 @!p2 s3, s15  }
0x1e6: {  	[tilespmem:s2], [sflag:$0xB] =	stream.linear.gather @!p2 [hbm4b:s3+s5], s0, $0x38;
	[tilespmem:$0x1F0F8] =	vst v63  }
0x1e7: {  	s0 =	smulhi.u32 $0xAAAAAAAB, s23;
	_ =	sdelay $0x1  }
0x1e8: {  	s0 =	sshrl.u32 s0, $0x1  }
0x1e9: {  	s0 =	smul.u32 $0x3, s0;
	_ =	sdelay $0x1  }
0x1ea: {  	s0 =	ssub.s32 s23, s0  }
0x1eb: {  	s2 =	simm.s32 $0x1;
	s0 =	smul.u32 $0x6C0, s0  }
.Ltmp3:
0x1ec: {  	s2 =	simm.s32 @!p0 $0x0;
	(pc) =	sbr.rel .LBB2_4-.Ltmp3, $4  }
0x1ed: {  	s2 =	smul.u32 $0x36000, s2  }
0x1ee: {  	p3 =	slt.s32 @!p2 s22, $0x1B0;
	s0 =	sshrl.u32 s0, $0x2  }
0x1ef: {  	p2 =	por !p3, p2;
	s2 =	sshrl.u32 s2, $0x2;
	s0 =	sadd.s32 $0x3888, s0  }
0x1f0: {  	s24 =	simm.s32 $0x0;
	s22 =	simm.s32 @p2 $0x1B0;
	s23 =	sadd.s32 $0x40F8, s2;
	v1 =	vmov s0  }
.LBB2_3:
0x1f1: {  	p2 =	sge.s32 s24, s22  }
.Ltmp4:
0x1f2: {  	_ = 	snop;
	(pc) =	sbr.rel @p2 .LBB2_7-.Ltmp4, $2  }
0x1f3: {  	_ =	sdelay $0x2  }
0x1f4: {  	s23 =	sadd.s32 $0x800, s23  }
.LBB2_4:
0x1f5: {  	p2 =	sle.s32 s22, s24  }
.Ltmp5:
0x1f6: {  	_ = 	snop;
	(pc) =	sbr.rel @p2 .LBB2_3-.Ltmp5, $2  }
0x1f7: {  	_ =	sdelay $0x2  }
0x1f8: {  	s0 =	smov.u32 s24;
	s24 =	sadd.s32 $0x10, s24  }
0x1f9: {  	s2 =	ssub.s32 s22, s0  }
0x1fa: {  	p2 =	slt.s32 s2, $0x10  }
0x1fb: {  	s2 =	simm.s32 @!p2 $0x10  }
0x1fc: {  	v2 =	vmov s2  }
0x1fd: {  	vm0 =	vgt.s32 v2, v0;
	_ =	sdelay $0x5  }
0x1fe: {  	v2 =	vld.idx.msk [tilespmem:v1+s0+$0x0 ss:$0x1], vm0;
	_ =	sdelay $0x2  }
0x1ff: {  	p2 =	slt.s32 s24, s22;
	s2 =	smov.u32 s22  }
0x200: {  	s3 =	smov.u32 s23;
	s25 =	simm.s32 $0x0;
	s2 =	smov.u32 @p2 s24  }
.LBB2_6:
0x201: {  	(v2sf) =	vpush v2, s25;
	_ =	sdelay $0xc  }
0x202: {  	s25 =	sadd.s32 $0x1, s25  }
0x203: {  	s31 =	sadd.s32 s25, s0  }
0x204: {  	p2 =	slt.s32 s31, s2;
	s5 =	spop (v2sf)  }
.Ltmp6:
0x205: {  	s5 =	sshll.u32 s5, $0x4;
	(pc) =	sbr.rel @p2 .LBB2_6-.Ltmp6, $4  }
0x206: {  	s5 =	sand.u32 $0x1FFFFFF0, s5  }
0x207: {  	s5 =	sadd.s32 s11, s5  }
0x208: {  	[tilespmem:s3], [sflag:$0x9] =	stream.linear.gather [hbm4b:s5+s16], $0x4, $0x38;
	[tilespmem:$0x1F0F8] =	vst v63  }
0x209: {  	s3 =	sadd.s32 $0x80, s3  }
.Ltmp7:
0x20a: {  	_ = 	snop;
	(pc) =	sbr.rel .LBB2_3-.Ltmp7, $1  }
0x20b: {  	_ =	sdelay $0x3  }
.LBB2_7:
0x20c: {  	p2 =	slt.u32 s20, $0x2  }
.Ltmp8:
0x20d: {  	_ = 	snop;
	(pc) =	sbr.rel @p2 .LBB2_20-.Ltmp8, $1  }
0x20e: {  	_ =	sdelay $0x3  }
0x20f: {  	p2 =	sgt.s32 s21, $0x136D0  }
0x210: {  	s0 =	smov.u32 s21;
	s2 =	sshra.s32 s21, $0x1F;
	s3 =	ssub.s32 $0x13880, s21  }
0x211: {  	s0 =	simm.s32 @!p2 $0x136D0;
	s2 =	sand.u32 s2, s21;
	p2 =	slt.s32 s3, $0x1B0  }
0x212: {  	s0 =	ssub.s32 s0, s2;
	s3 =	simm.s32 @!p2 $0x1B0  }
0x213: {  	s0 =	sadd.s32 $0xFFFEC930, s0;
	s24 =	sshll.u32 s3, $0x2  }
0x214: {  	s28 =	simm.s32 $0x9;
	s25 =	sshll.u32 s0, $0x2;
	s2 =	sand.u32 $0x3FFFFFFC, s24  }
0x215: {  	p2 =	sgt.s32 s0, $0x1AF;
	s26 =	ssub.s32 $0x6C0, s25;
	_ =	swait.ge [sflag:s28], s2  }
0x216: {  	s2 =	ssub.s32 $0x0, s2;
	[sflag:s28] =	ssyncset.done $0x0;
	s0 =	sshrl.u32 s26, $0x2  }
0x217: {  	s30 =	simm.s32 $0xB;
	[sflag:s28] =	ssyncadd.s32 s2;
	s0 =	simm.s32 @p2 $0x0  }
0x218: {  	_ =	swait.ge [sflag:s30], s0  }
0x219: {  	s0 =	ssub.s32 $0x0, s0;
	[sflag:s30] =	ssyncset.done $0x0  }
0x21a: {  	[sflag:s30] =	ssyncadd.s32 s0  }
0x21b: {  	v1 =	vld [tilespmem:$0x3648];
	_ =	sdelay $0x4  }
0x21c: {  	(v2sf) =	vpush v1, $0x0  }
0x21d: {  	(v2sf) =	vpush v1, $0x1  }
0x21e: {  	(v2sf) =	vpush v1, $0x2;
	_ =	sdelay $0x3  }
0x21f: {  	s0 =	sadd.s32 $0x1B0, s21  }
0x220: {  	s2 =	ssub.s32 $0x27100, s21;
	p2 =	slt.s32 s7, s0  }
0x221: {  	s0 =	smov.u32 @p2 s7;
	p2 =	sgt.s32 s2, $0x0  }
0x222: {  	s25 =	ssub.s32 s0, s21;
	s2 =	simm.s32 @!p2 $0x0  }
0x223: {  	p2 =	slt.s32 s2, s25  }
0x224: {  	s25 =	smov.u32 @p2 s2  }
0x225: {  	s24 =	simm.s32 $0x1;
	p2 =	slt.s32 s25, $0x1  }
.Ltmp9:
0x226: {  	s24 =	simm.s32 @!p4 $0x0;
	(pc) =	sbr.rel @p2 .LBB2_12-.Ltmp9, $4  }
0x227: {  	s31 =	smul.u32 $0x6C0, s24  }
0x228: {  	s26 =	spop (v2sf)  }
0x229: {  	s0 =	sshrl.u32 s31, $0x2;
	s29 =	spop (v2sf)  }
0x22a: {  	s22 =	sadd.s32 $0x3D98, s0;
	s21 =	spop (v2sf)  }
0x22b: {  	s0 =	smin.u32 s25, $0x10  }
0x22c: {  	v1 =	vmov s0  }
0x22d: {  	p3 =	sgt.s32 s25, $0x10;
	vm1 =	vgt.u32 v1, v0  }
.Ltmp10:
0x22e: {  	_ = 	snop;
	(pc) =	sbr.rel @!p3 .LBB2_11-.Ltmp10, $2  }
0x22f: {  	_ =	sdelay $0x2  }
0x230: {  	s23 =	simm.s32 $0x10;
	s28 =	sadd.s32 $0xFFFFFFF0, s25;
	s0 =	smov.u32 s22;
	vm0 =	vmmov vm1  }
.LBB2_10:
0x231: {  	s2 =	smin.u32 s28, $0x10;
	s23 =	sadd.s32 $0x10, s23;
	v1 =	vld.msk [tilespmem:s0+$0x0 ss:$0x1], vm1  }
0x232: {  	v2 =	vmov s2;
	p3 =	slt.s32 s23, s25  }
0x233: {  	vm1 =	vgt.u32 v2, v0  }
.Ltmp11:
0x234: {  	(pc) =	sbr.rel @p3 .LBB2_10-.Ltmp11, $3  }
0x235: {  	_ =	sdelay $0x1  }
0x236: {  	v1 =	vshll.u32 v1, $0x4  }
0x237: {  	s28 =	sadd.s32 $0xFFFFFFF0, s28;
	[tilespmem:s0+$0x0] =	vst.msk vm0, v1;
	s0 =	sadd.s32 $0x10, s0;
	vm0 =	vmmov vm1  }
.LBB2_11:
0x238: {  	_ =	sdelay $0x4  }
0x239: {  	v1 =	vld.msk [tilespmem:s0+$0x0 ss:$0x1], vm1;
	_ =	sdelay $0x4  }
0x23a: {  	v1 =	vshll.u32 v1, $0x4  }
0x23b: {  	[tilespmem:s0+$0x0] =	vst.msk vm0, v1  }
.LBB2_12:
0x23c: {  	s0 =	sand.u32 $0x1, s20  }
0x23d: {  	s0 =	smul.u32 $0x1B0, s0  }
0x23e: {  	p3 =	sne.s32 s29, $0xFFFFFFFF  }
0x23f: {  	v1 =	vld.msk @!p3 [tilespmem:s0+$0x3D98], $0x1;
	_ =	sdelay $0x4  }
0x240: {  	(v2sf) =	vpush @!p3 v1, $0x0;
	_ =	sdelay $0xc  }
.Ltmp12:
0x241: {  	_ = 	snop;
	(pc) =	sbr.rel @p2 .LBB2_18-.Ltmp12, $4  }
0x242: {  	_ = 	snop  }
0x243: {  	s28 =	spop @!p3 (v2sf)  }
0x244: {  	s21 =	simm.s32 @!p3 $0x0;
	s23 =	smov.u32 s28  }
0x245: {  	[sflag:s17] =	ssyncpa.u1 $0x0;
	s28 =	smov.u32 @p3 s26;
	s23 =	smov.u32 @p3 s29  }
0x246: {  	v1 =	vld.msk [tilespmem:s22+$0x0], $0x1;
	_ =	sdelay $0x4  }
0x247: {  	(v2sf) =	vpush v1, $0x0;
	_ =	sdelay $0xe  }
0x248: {  	s0 =	simm.s32 @!p4 $0x0;
	s26 =	smul.u32 $0x36000, s24;
	s31 =	spop (v2sf)  }
0x249: {  	s29 =	ssub.s32 $0x0, s25;
	s0 =	simm.s32 @p4 $0x1;
	p2 =	seq.s32 s28, s31  }
0x24a: {  	s2 =	smov.u32 s28;
	[smem:$0x7FD] =	sst s0;
	p3 =	sgt.s32 @!p2 s28, $0x0  }
0x24b: {  	s0 =	sshrl.u32 s26, $0x2;
	s26 =	sadd.s32 $0x1, s29;
	p3 =	por !p3, p2  }
0x24c: {  	s2 =	simm.s32 @p3 $0x0;
	p3 =	seq.s32 s26, $0x0  }
.Ltmp13:
0x24d: {  	_ = 	snop;
	(pc) =	sbr.rel @p3 .LBB2_15-.Ltmp13, $4  }
0x24e: {  	s6 =	smov.u32 s4;
	s25 =	simm.s32 $0x0  }
0x24f: {  	s24 =	sadd.s32 $0x40F8, s0;
	s0 =	simm.s32 @!p2 $0x1;
	s3 =	smin.u32 @!p2 s2, $0x270FF  }
0x250: {  	s30 =	sadd.s32 $0x1, s22;
	s0 =	smov.u32 @p2 s25;
	s5 =	sand.u32 @!p2 $0x3FFF8, s3  }
0x251: {  	s2 =	simm.s32 @!p2 $0x1B38;
	s3 =	sand.u32 @!p2 $0x7, s3;
	s5 =	sadd.s32 @!p2 s1, s5  }
.LBB2_14:
0x252: {  	s4 =	smov.u32 s0  }
0x253: {  	[tilespmem:s2], [sflag:$0x2] =	stream.linear.gather @!p2 [hbm4b:s5+s3], $0x4, $0x38;
	[tilespmem:$0x1F0F8] =	vst v63  }
0x254: {  	s26 =	sadd.s32 $0x1, s26;
	s3 =	smov.u32 s31;
	v1 =	vld.msk [tilespmem:s30+$0x0], $0x1  }
0x255: {  	p3 =	seq.s32 s26, $0x0;
	_ =	sdelay $0x3  }
0x256: {  	(v2sf) =	vpush v1, $0x0;
	_ =	sdelay $0xe  }
0x257: {  	s31 =	spop (v2sf)  }
0x258: {  	p2 =	seq.s32 s3, s31  }
0x259: {  	p4 =	sgt.s32 @!p2 s3, $0x0;
	s2 =	sshll.u32 @!p2 s0, $0x6;
	s0 =	sadd.s32 @!p2 $0x1, s0  }
.Ltmp14:
0x25a: {  	p4 =	por !p4, p2;
	s2 =	sshra.s32 @!p2 s2, $0x2;
	(pc) =	sbr.rel @!p3 .LBB2_14-.Ltmp14, $4  }
0x25b: {  	s0 =	smov.u32 @p2 s4;
	s3 =	simm.s32 @p4 $0x0;
	s2 =	sadd.s32 @!p2 $0x1B38, s2  }
0x25c: {  	s3 =	smin.u32 @!p2 s3, $0x270FF  }
0x25d: {  	s4 =	sand.u32 @!p2 $0x3FFF8, s3;
	s3 =	sand.u32 @!p2 $0x7, s3  }
0x25e: {  	s30 =	sadd.s32 $0x1, s30;
	s5 =	sadd.s32 @!p2 s1, s4  }
.LBB2_15:
0x25f: {  	[tilespmem:s2], [sflag:$0x2] =	stream.linear.gather @!p2 [hbm4b:s5+s3], $0x4, $0x38;
	[tilespmem:$0x1F0F8] =	vst v63  }
0x260: {  	s0 =	sshll.u32 s0, $0x2  }
0x261: {  	s31 =	simm.s32 $0x2;
	s0 =	sand.u32 $0x3FFFFFFC, s0  }
0x262: {  	_ =	swait.ge [sflag:s31], s0  }
0x263: {  	s0 =	ssub.s32 $0x0, s0;
	[sflag:s31] =	ssyncset.done $0x0  }
0x264: {  	[sflag:s31] =	ssyncadd.s32 s0  }
0x265: {  	v1 =	vld.msk [tilespmem:s22+$0x0], $0x1;
	_ =	sdelay $0x4  }
0x266: {  	(v2sf) =	vpush v1, $0x0;
	_ =	sdelay $0xe  }
0x267: {  	s26 =	spop (v2sf)  }
0x268: {  	p2 =	sne.s32 s28, s26  }
0x269: {  	p4 =	sne.s32 @p2 s28, s23  }
0x26a: {  	p3 =	por !p4, !p2  }
0x26b: {  	s0 =	simm.s32 @!p3 $0x0  }
0x26c: {  	v1 =	vld.msk @!p3 [tilespmem:s0+$0x1B38], $0xf  }
0x26d: {  	p5 =	sgt.u32 @!p3 s28, $0x270FF  }
0x26e: {  	s2 =	sshll.u32 @!p3 s21, $0x6;
	p6 =	por @p2 p5, !p4  }
0x26f: {  	s2 =	sshra.s32 @!p3 s2, $0x2;
	p1 =	por p6, !p2;
	p6 =	por p4, !p2  }
0x270: {  	s3 =	sadd.s32 @!p3 $0x28, s2;
	s4 =	sand.u32 @!p1 $0x3FFF8, s28;
	s5 =	sshll.u32 @!p6 s21, $0x6  }
0x271: {  	s28 =	sand.u32 @!p1 $0x7, s28;
	[tilespmem:s2+$0x28] =	vst.add.f32.msk @!p3 $0xf, v1;
	s2 =	sadd.s32 @!p1 s1, s4;
	s4 =	sshra.s32 @!p6 s5, $0x2  }
0x272: {  	[hbm4b:s2+s28] =	stream.linear.scatter @!p1 [tilespmem:s3], [sflag:$0xC], $0x4, $0x38;
	[tilespmem:$0x1F0F8] =	vst v63  }
0x273: {  	s0 =	rddreg [dreg:$0x5];
	s2 =	sadd.s32 @!p6 $0x28, s4;
	s3 =	simm.s32 @!p6 $0x1  }
0x274: {  	[spmem:s0] =	stream.linear.scatter @!p6 [tilespmem:s2], [sflag:$0x1], $0x4, $0x38;
	[tilespmem:$0x1F0F8] =	vst v63  }
0x275: {  	s0 =	sadd.s32 @p2 $0x1, s21;
	_ =	swait.ge @!p6 [sflag:s3], $0x4  }
0x276: {  	s2 =	sshrl.u32 @p2 s0, $0x4;
	[sflag:s3] =	ssyncset.done @!p6 $0x0  }
0x277: {  	s2 =	smulhi.u32 @p2 $0x97B425F, s2;
	[sflag:s3] =	ssyncadd.s32 @!p6 $0xFFFFFFFC  }
0x278: {  	s28 =	sadd.s32 $0x1, s29;
	v1 =	vld.msk @p2 [tilespmem:s24+$0x0], $0xf  }
0x279: {  	p1 =	por @p2 !p5, !p4;
	p4 =	seq.s32 s28, $0x0;
	s2 =	smul.u32 @p2 $0x1B0, s2  }
.Ltmp15:
0x27a: {  	p1 =	por !p1, !p2;
	s3 =	simm.s32 @!p3 $0x0;
	(pc) =	sbr.rel @p4 .LBB2_17-.Ltmp15, $4  }
0x27b: {  	s4 =	sshll.u32 @!p2 s21, $0x6;
	s3 =	simm.s32 @!p1 $0x10;
	s0 =	ssub.s32 @p2 s0, s2  }
0x27c: {  	s29 =	simm.s32 $0x0;
	s3 =	sadd.s32 @!p3 $0x0, s3;
	s5 =	sshll.u32 @p2 s0, $0x4  }
0x27d: {  	s30 =	sshra.s32 @!p2 s4, $0x2;
	s2 =	simm.s32 @p2 $0x1;
	s3 =	smov.u32 @p3 s25;
	[tilespmem:s5+$0x28] =	vst.msk @p2 $0xf, v1  }
0x27e: {  	s21 =	smov.u32 @p2 s0;
	s29 =	smov.u32 @p2 s3;
	s25 =	smov.u32 @p2 s2;
	v1 =	vld.msk @!p2 [tilespmem:s24+$0x0], $0xf  }
.LBB2_16:
0x27f: {  	_ =	sdelay $0x3  }
0x280: {  	s22 =	sadd.s32 $0x1, s22;
	[tilespmem:s30+$0x28] =	vst.add.f32.msk @!p2 $0xf, v1  }
0x281: {  	v1 =	vld.msk [tilespmem:s22+$0x0], $0x1;
	_ =	sdelay $0x4  }
0x282: {  	(v2sf) =	vpush v1, $0x0;
	_ =	sdelay $0xe  }
0x283: {  	s0 =	smov.u32 s26;
	s26 =	spop (v2sf)  }
0x284: {  	p2 =	sne.s32 s0, s26  }
0x285: {  	p5 =	sne.s32 @p2 s0, s23  }
0x286: {  	s4 =	sshll.u32 @!p2 s21, $0x6;
	p4 =	por !p5, !p2  }
0x287: {  	s30 =	sshra.s32 @!p2 s4, $0x2;
	s4 =	sshll.u32 @!p4 s25, $0x6  }
0x288: {  	s4 =	sshra.s32 @!p4 s4, $0x2  }
0x289: {  	p1 =	sgt.u32 @!p4 s0, $0x270FF;
	v1 =	vld.msk @!p4 [tilespmem:s4+$0x1B38], $0xf  }
0x28a: {  	s31 =	sshll.u32 @!p4 s21, $0x6;
	p6 =	por @p2 p1, !p5;
	p1 =	por @p2 !p1, !p5  }
0x28b: {  	s8 =	simm.s32 @!p4 $0x0;
	s31 =	sshra.s32 @!p4 s31, $0x2;
	p1 =	por !p1, !p2  }
0x28c: {  	p5 =	por p5, !p2;
	s8 =	simm.s32 @!p1 $0x10;
	p1 =	por p6, !p2  }
0x28d: {  	s4 =	sadd.s32 @!p4 $0x28, s31;
	s13 =	sshll.u32 @!p5 s21, $0x6;
	s10 =	sand.u32 @!p1 $0x3FFF8, s0  }
0x28e: {  	s13 =	sshra.s32 @!p5 s13, $0x2;
	s0 =	sand.u32 @!p1 $0x7, s0;
	s10 =	sadd.s32 @!p1 s1, s10;
	[tilespmem:s31+$0x28] =	vst.add.f32.msk @!p4 $0xf, v1  }
0x28f: {  	[hbm4b:s10+s0] =	stream.linear.scatter @!p1 [tilespmem:s4], [sflag:$0xC], $0x4, $0x38;
	[tilespmem:$0x1F0F8] =	vst v63  }
0x290: {  	s2 =	rddreg [dreg:$0x5];
	s0 =	sadd.s32 @!p5 $0x28, s13;
	s4 =	simm.s32 @!p5 $0x1  }
0x291: {  	[spmem:s2] =	stream.linear.scatter @!p5 [tilespmem:s0], [sflag:$0x1], $0x4, $0x38;
	[tilespmem:$0x1F0F8] =	vst v63  }
0x292: {  	s3 =	sadd.s32 @p2 $0x1, s21;
	_ =	swait.ge @!p5 [sflag:s4], $0x4  }
0x293: {  	s5 =	sshrl.u32 @p2 s3, $0x4;
	[sflag:s4] =	ssyncset.done @!p5 $0x0  }
0x294: {  	s24 =	sadd.s32 $0x80, s24;
	s5 =	smulhi.u32 @p2 $0x97B425F, s5;
	[sflag:s4] =	ssyncadd.s32 @!p5 $0xFFFFFFFC  }
0x295: {  	s28 =	sadd.s32 $0x1, s28;
	v1 =	vld.msk @p2 [tilespmem:s24+$0x0], $0xf  }
0x296: {  	p3 =	seq.s32 s28, $0x0;
	s5 =	smul.u32 @p2 $0x1B0, s5  }
.Ltmp16:
0x297: {  	_ = 	snop;
	(pc) =	sbr.rel @!p3 .LBB2_16-.Ltmp16, $4  }
0x298: {  	s3 =	ssub.s32 @p2 s3, s5  }
0x299: {  	s8 =	sadd.s32 @!p4 s8, s29;
	s5 =	sshll.u32 @p2 s3, $0x4  }
0x29a: {  	s9 =	sadd.s32 @p2 $0x1, s25;
	s8 =	smov.u32 @p4 s29;
	[tilespmem:s5+$0x28] =	vst.msk @p2 $0xf, v1  }
0x29b: {  	s25 =	smov.u32 @p2 s9;
	s21 =	smov.u32 @p2 s3;
	s29 =	smov.u32 @p2 s8;
	v1 =	vld.msk @!p2 [tilespmem:s24+$0x0], $0xf  }
.LBB2_17:
.Ltmp17:
0x29c: {  	_ = 	snop;
	(pc) =	sbr.rel .LBB2_19-.Ltmp17, $3  }
0x29d: {  	s2 =	sld [smem:$0x7FD];
	_ =	sdelay $0x1  }
0x29e: {  	s0 =	sshrl.u32 s29, $0x2;
	s28 =	smov.u32 s26  }
0x29f: {  	s4 =	smov.u32 s6;
	s6 =	rddreg [dreg:$0x7];
	p4 =	seq.s32 s2, $0x1;
	[tilespmem:s30+$0x28] =	vst.add.f32.msk @!p2 $0xf, v1  }
.LBB2_21:
0x2a0: {  	_ =	sfence.sel $0x180000  }
0x2a1: {  	s0 =	simm.s32 $0x9;
	[bflag:$0x0] =	sbarrier.arrive $0xFFFF  }
0x2a2: {  	s24 =	simm.s32 $0xA;
	[sflag:s0] =	ssyncpa.u1 $0x1  }
0x2a3: {  	s25 =	simm.s32 $0xB;
	[sflag:s24] =	ssyncpa.u1 $0x1  }
0x2a4: {  	s26 =	simm.s32 $0x2;
	[sflag:s25] =	ssyncpa.u1 $0x1  }
0x2a5: {  	[sflag:s26] =	ssyncpa.u1 $0x1  }
0x2a6: {  	v0 =	vld [tilespmem:$0x3648];
	_ =	sdelay $0x4  }
0x2a7: {  	(v2sf) =	vpush v0, $0x0  }
0x2a8: {  	(v2sf) =	vpush v0, $0x1;
	_ =	sdelay $0x1  }
0x2a9: {  	(v2sf) =	vpush v0, $0x2;
	_ =	sdelay $0xb  }
0x2aa: {  	s0 =	spop (v2sf)  }
0x2ab: {  	s2 =	spop (v2sf)  }
0x2ac: {  	s3 =	smov.u32 s0;
	p0 =	sne.s32 s0, s2  }
0x2ad: {  	s4 =	spop (v2sf);
	s3 =	simm.s32 @!p0 $0xFFFFFFFF  }
0x2ae: {  	v2 =	vimm.s32 $0x1;
	v3 =	vlaneseq.u32;
	p0 =	seq.s32 s4, $0xFFFFFFFF;
	v1 =	vmov s3  }
0x2af: {  	s16 =	stileid.u32;
	v0 =	vperm.xlane v0, v2;
	p1 =	sne.s32 @!p0 s0, s2;
	v1 =	vperm.xlane v1, v3  }
0x2b0: {  	vm0 =	vcmask $0x3F04;
	s6 =	simm.s32 $0x3648;
	s0 =	simm.s32 @!p0 $0x1;
	p1 =	por !p1, p0  }
0x2b1: {  	s3 =	sshll.u32 s16, $0x1;
	s2 =	sshll.u32 @!p0 s4, $0x6;
	s0 =	simm.s32 @p1 $0x0;
	v0 =	vsel vm0, v1, v0  }
0x2b2: {  	s5 =	sor.u32 $0x200, s3;
	s2 =	sshra.s32 @!p0 s2, $0x2;
	s0 =	sor.u32 @!p0 s0, s3;
	[tilespmem:$0x3648] =	vst v0  }
0x2b3: {  	[spmem:s5] =	stream.linear.scatter [tilespmem:s6], [sflag:$0x1], $0x2, $0x38;
	[tilespmem:$0x1F0F8] =	vst v63  }
0x2b4: {  	s2 =	sadd.s32 @!p0 $0x28, s2;
	s0 =	sshll.u32 @!p0 s0, $0x4  }
0x2b5: {  	[spmem:s0] =	stream.linear.scatter @!p0 [tilespmem:s2], [sflag:$0x1], $0x10, $0x38;
	[tilespmem:$0x1F0F8] =	vst v63  }
0x2b6: {  	s0 =	simm.s32 @!p0 $0x12  }
0x2b7: {  	s28 =	simm.s32 $0x1;
	s0 =	simm.s32 @p0 $0x2  }
0x2b8: {  	_ =	swait.ge [sflag:s28], s0  }
0x2b9: {  	s0 =	ssub.s32 $0x0, s0;
	[sflag:s28] =	ssyncset.done $0x0  }
0x2ba: {  	p0 =	sne.s32 s16, $0x0;
	[sflag:s28] =	ssyncadd.s32 s0  }
.Ltmp18:
0x2bb: {  	_ =	sfence.stream.spmem;
	(pc) =	sbr.rel @p0 .LBB2_38-.Ltmp18, $4  }
0x2bc: {  	s29 =	simm.s32 $0x3;
	[bflag:$0x0] =	sbarrier.arrive $0xFFFF  }
0x2bd: {  	s30 =	simm.s32 $0x4;
	[sflag:s29] =	ssyncpa.u1 $0x1  }
0x2be: {  	s31 =	simm.s32 $0x3C;
	[sflag:s30] =	ssyncpa.u1 $0x1  }
0x2bf: {  	s17 =	rddreg [dreg:$0x6];
	[sflag:s31] =	ssyncpa.u1 $0x1  }
0x2c0: {  	_ =	sfence.stream.spmem;
	s0 =	simm.s32 $0x5  }
0x2c1: {  	s2 =	simm.s32 $0x200;
	s3 =	simm.s32 $0x3658;
	[sflag:s0] =	ssyncpa.u1 $0x0  }
0x2c2: {  	[tilespmem:s3], [sflag:$0x5] =	stream.linear.gather [spmem:s2], $0x20, $0x38;
	[tilespmem:$0x1F0F8] =	vst v63  }
0x2c3: {  	s26 =	simm.s32 $0x0;
	s28 =	simm.s32 $0x3678  }
0x2c4: {  	[tilespmem:s28], [sflag:$0x5] =	stream.linear.gather [spmem:s26], $0x200, $0x38;
	[tilespmem:$0x1F0F8] =	vst v63  }
0x2c5: {  	_ =	swait.ge [sflag:s0], $0x220  }
0x2c6: {  	[sflag:s0] =	ssyncset.done $0x0  }
0x2c7: {  	s29 =	simm.s32 $0x0;
	[sflag:s0] =	ssyncadd.s32 $0xFFFFFDE0  }
0x2c8: {  	v0 =	vld.msk [tilespmem:s29+$0x3658], $0x1;
	_ =	sdelay $0x1  }
0x2c9: {  	s30 =	simm.s32 $0x1  }
0x2ca: {  	v1 =	vld.msk [tilespmem:s30+$0x3658], $0x1;
	_ =	sdelay $0x1  }
0x2cb: {  	(v2sf) =	vpush v0, $0x0;
	_ =	sdelay $0x2  }
0x2cc: {  	(v2sf) =	vpush v1, $0x0;
	_ =	sdelay $0x2  }
0x2cd: {  	s31 =	simm.s32 $0x2  }
0x2ce: {  	v0 =	vld.msk [tilespmem:s31+$0x3658], $0x1;
	_ =	sdelay $0x2  }
0x2cf: {  	s6 =	simm.s32 $0xFFFFFFFF;
	s2 =	simm.s32 $0xFFFFFFFF;
	s0 =	simm.s32 $0xC  }
.LBB2_23:
0x2d0: {  	s3 =	smov.u32 s6;
	s4 =	smov.u32 s2  }
0x2d1: {  	s2 =	sshra.s32 s0, $0x2;
	p1 =	sne.s32 s0, $0x7C;
	s0 =	sadd.s32 $0x4, s0;
	(v2sf) =	vpush v0, $0x0  }
0x2d2: {  	v0 =	vld.msk [tilespmem:s2+$0x3658], $0x1  }
.Ltmp19:
0x2d3: {  	(pc) =	sbr.rel @p1 .LBB2_23-.Ltmp19, $4  }
0x2d4: {  	s6 =	spop (v2sf)  }
0x2d5: {  	p2 =	sne.s32 s4, $0xFFFFFFFF;
	s2 =	smov.u32 s6  }
0x2d6: {  	p3 =	seq.s32 s6, $0xFFFFFFFF;
	s2 =	smov.u32 @p2 s4  }
0x2d7: {  	s6 =	smov.u32 @p3 s3;
	s2 =	smov.u32 @p3 s4  }
0x2d8: {  	(v2sf) =	vpush v0, $0x0;
	_ =	sdelay $0x8  }
0x2d9: {  	s0 =	spop (v2sf)  }
0x2da: {  	p1 =	sne.s32 s2, $0xFFFFFFFF;
	s3 =	smov.u32 s0  }
0x2db: {  	s9 =	simm.s32 $0x6;
	p2 =	seq.s32 s0, $0xFFFFFFFF;
	s3 =	smov.u32 @p1 s2  }
0x2dc: {  	s10 =	simm.s32 $0x3638;
	s3 =	smov.u32 @p2 s2;
	s2 =	spop (v2sf)  }
0x2dd: {  	s0 =	smov.u32 @p2 s6;
	p1 =	sne.s32 s3, $0xFFFFFFFF;
	s4 =	smov.u32 s2  }
.Ltmp20:
0x2de: {  	p2 =	seq.s32 s2, $0xFFFFFFFF;
	s4 =	smov.u32 @p1 s3;
	(pc) =	sbr.rel .LBB2_25-.Ltmp20, $4  }
0x2df: {  	s11 =	simm.s32 $0x0;
	s4 =	smov.u32 @p2 s3;
	s7 =	spop (v2sf)  }
0x2e0: {  	[sflag:s9] =	ssyncpa.u1 $0x0;
	p1 =	sne.s32 s4, $0xFFFFFFFF;
	s8 =	smov.u32 s7  }
0x2e1: {  	s2 =	smov.u32 @p2 s0;
	p2 =	seq.s32 s7, $0xFFFFFFFF;
	s8 =	smov.u32 @p1 s4  }
0x2e2: {  	s6 =	simm.s32 $0x0;
	s7 =	smov.u32 @p2 s2;
	s8 =	smov.u32 @p2 s4  }
.LBB2_30:
0x2e3: {  	p1 =	sgt.u32 s12, $0x270FF  }
0x2e4: {  	p2 =	seq.s32 @!p1 s12, s8  }
0x2e5: {  	p1 =	por p1, p2  }
0x2e6: {  	p2 =	sne.s32 @!p1 s12, s7  }
0x2e7: {  	p1 =	por p1, !p2  }
0x2e8: {  	s0 =	sshll.u32 @p1 s11, $0x6  }
0x2e9: {  	s0 =	sand.u32 @!p1 $0x3FFF8, s12  }
0x2ea: {  	s2 =	sand.u32 @!p1 $0x7, s12;
	s0 =	sadd.s32 @!p1 s1, s0  }
0x2eb: {  	[tilespmem:s10], [sflag:$0x6] =	stream.linear.gather @!p1 [hbm4b:s0+s2], $0x4, $0x38;
	[tilespmem:$0x1F0F8] =	vst v63  }
0x2ec: {  	_ =	swait.ge @!p1 [sflag:s9], $0x4  }
0x2ed: {  	[sflag:s9] =	ssyncset.done @!p1 $0x0  }
0x2ee: {  	[sflag:s9] =	ssyncadd.s32 @!p1 $0xFFFFFFFC  }
0x2ef: {  	v1 =	vld @!p1 [tilespmem:$0x3638];
	_ =	sdelay $0x2  }
0x2f0: {  	s0 =	sshll.u32 @!p1 s11, $0x6  }
0x2f1: {  	s2 =	sshrl.u32 @!p1 s0, $0x2  }
0x2f2: {  	[tilespmem:s2+$0x3678] =	vst.add.f32.msk @!p1 $0xffff, v1  }
0x2f3: {  	s0 =	sshrl.u32 s0, $0x2;
	[tilespmem:s6+$0x3658] =	vst.msk $0x1, v0  }
0x2f4: {  	v0 =	vld [tilespmem:s0+$0x3678];
	_ =	sdelay $0x2  }
0x2f5: {  	s31 =	sshll.u32 s6, $0x6  }
0x2f6: {  	s0 =	sshra.s32 s31, $0x2  }
0x2f7: {  	s6 =	sadd.s32 $0x1, s6;
	[tilespmem:s0+$0x3678] =	vst v0  }
.LBB2_32:
0x2f8: {  	s11 =	sadd.s32 $0x1, s11  }
0x2f9: {  	p1 =	sne.s32 s11, $0x20  }
.Ltmp21:
0x2fa: {  	_ = 	snop;
	(pc) =	sbr.rel @!p1 .LBB2_33-.Ltmp21, $1  }
0x2fb: {  	_ =	sdelay $0x3  }
.LBB2_25:
0x2fc: {  	v0 =	vld.msk [tilespmem:s11+$0x3658], $0x1;
	_ =	sdelay $0x4  }
0x2fd: {  	(v2sf) =	vpush v0, $0x0;
	_ =	sdelay $0xe  }
0x2fe: {  	s12 =	spop (v2sf)  }
0x2ff: {  	p1 =	seq.s32 s12, $0xFFFFFFFF  }
.Ltmp22:
0x300: {  	_ = 	snop;
	(pc) =	sbr.rel @p1 .LBB2_32-.Ltmp22, $1  }
0x301: {  	_ =	sdelay $0x3  }
0x302: {  	p1 =	slt.s32 s6, $0x1  }
.Ltmp23:
0x303: {  	_ = 	snop;
	(pc) =	sbr.rel @p1 .LBB2_30-.Ltmp23, $1  }
0x304: {  	_ =	sdelay $0x3  }
0x305: {  	s13 =	simm.s32 $0x3658;
	p1 =	por $0x0, $0x0  }
0x306: {  	v1 =	vld.msk @!p1 [tilespmem:s13+$0x0], $0x1;
	_ =	sdelay $0x4  }
0x307: {  	(v2sf) =	vpush @!p1 v1, $0x0;
	_ =	sdelay $0xd  }
0x308: {  	p3 =	sne.s32 s6, $0x1  }
.Ltmp24:
0x309: {  	s0 =	spop @!p1 (v2sf);
	(pc) =	sbr.rel @!p3 .LBB2_29-.Ltmp24, $4  }
0x30a: {  	p2 =	seq.s32 @!p1 s12, s0  }
0x30b: {  	s14 =	simm.s32 $0x0;
	p2 =	por !p2, p1  }
0x30c: {  	s0 =	simm.s32 $0xFFFFFFFF;
	s14 =	simm.s32 @p2 $0xFFFFFFFF  }
0x30d: {  	s15 =	simm.s32 $0x1;
	s14 =	smov.u32 @p1 s0  }
.LBB2_28:
0x30e: {  	s0 =	smov.u32 s14;
	p1 =	sne.s32 s14, $0xFFFFFFFF  }
0x30f: {  	s13 =	sadd.s32 $0x1, s13;
	s14 =	smov.u32 s15;
	s15 =	sadd.s32 $0x1, s15  }
0x310: {  	p2 =	sne.s32 s6, s15;
	v1 =	vld.msk @!p1 [tilespmem:s13+$0x0], $0x1;
	_ =	sdelay $0x4  }
0x311: {  	(v2sf) =	vpush @!p1 v1, $0x0;
	_ =	sdelay $0xe  }
.Ltmp25:
0x312: {  	s2 =	spop @!p1 (v2sf);
	(pc) =	sbr.rel @p2 .LBB2_28-.Ltmp25, $4  }
0x313: {  	p3 =	seq.s32 @!p1 s12, s2  }
0x314: {  	p3 =	por !p3, p1  }
0x315: {  	s14 =	simm.s32 @p3 $0xFFFFFFFF  }
0x316: {  	s14 =	smov.u32 @p1 s0  }
.LBB2_29:
0x317: {  	p1 =	sne.s32 s14, $0xFFFFFFFF  }
.Ltmp26:
0x318: {  	_ = 	snop;
	(pc) =	sbr.rel @!p1 .LBB2_30-.Ltmp26, $1  }
0x319: {  	_ =	sdelay $0x3  }
0x31a: {  	s0 =	sshll.u32 s11, $0x4  }
0x31b: {  	s0 =	sand.u32 $0x3FFFFFF0, s0  }
0x31c: {  	v0 =	vld [tilespmem:s0+$0x3678]  }
.Ltmp27:
0x31d: {  	_ = 	snop;
	(pc) =	sbr.rel .LBB2_32-.Ltmp27, $4  }
0x31e: {  	_ = 	snop  }
0x31f: {  	s31 =	sshll.u32 s14, $0x6  }
0x320: {  	s0 =	sshra.s32 s31, $0x2  }
0x321: {  	[tilespmem:s0+$0x3678] =	vst.add.f32.msk $0xffff, v0  }
.LBB2_33:
0x322: {  	s0 =	simm.s32 $0x6;
	p1 =	seq.s32 s6, $0x0  }
0x323: {  	[sflag:s0] =	ssyncpa.u1 $0x1;
	v0 =	vimm.s32 @p1 $0xFFFFFFFF  }
0x324: {  	s9 =	sadd.s32 $0xFFFFFFFF, s6;
	[tilespmem:$0x3878] =	vst @p1 v0  }
0x325: {  	v0 =	vld.msk @!p1 [tilespmem:s9+$0x3658], $0x1;
	_ =	sdelay $0x1  }
0x326: {  	v1 =	vld.msk @!p1 [tilespmem:$0x3658], $0x1;
	_ =	sdelay $0x2  }
0x327: {  	p2 =	seq.s32 @!p1 s9, $0x0;
	v0 =	vbroadcast @!p1 v0, $0x0  }
0x328: {  	vm0 =	vmmov @!p1 $0x1;
	p2 =	por !p2, p1  }
0x329: {  	v1 =	vnsel @!p1 vm0, $0xFFFFFFFF, v1;
	vm0 =	vcmask @!p1 $0x308;
	v0 =	vpsel !p2, $0xFFFFFFFF, v0  }
0x32a: {  	p2 =	sne.s32 @!p1 s8, s7;
	v0 =	vsel @!p1 vm0, v1, v0  }
0x32b: {  	s0 =	simm.s32 @!p1 $0x3678;
	s2 =	simm.s32 @!p1 $0x0;
	p3 =	por !p2, p1;
	[tilespmem:$0x3878] =	vst @!p1 v0  }
0x32c: {  	[spmem:s2] =	stream.linear.scatter @!p1 [tilespmem:s0], [sflag:$0x1], $0x10, $0x38;
	[tilespmem:$0x1F0F8] =	vst v63  }
0x32d: {  	s0 =	sshll.u32 @!p3 s9, $0x6  }
0x32e: {  	s0 =	sshra.s32 @!p3 s0, $0x2  }
0x32f: {  	s2 =	simm.s32 @!p3 $0x10;
	s0 =	sadd.s32 @!p3 $0x3678, s0  }
0x330: {  	[spmem:s2] =	stream.linear.scatter @!p3 [tilespmem:s0], [sflag:$0x1], $0x10, $0x38;
	[tilespmem:$0x1F0F8] =	vst v63  }
0x331: {  	s0 =	simm.s32 @!p3 $0x1  }
0x332: {  	_ =	swait.ge @!p3 [sflag:s0], $0x20  }
0x333: {  	p1 =	por p2, p1;
	[sflag:s0] =	ssyncset.done @!p3 $0x0  }
0x334: {  	[sflag:s0] =	ssyncadd.s32 @!p3 $0xFFFFFFE0;
	s0 =	simm.s32 @!p1 $0x1  }
0x335: {  	_ =	swait.ge @!p1 [sflag:s0], $0x10  }
0x336: {  	s29 =	simm.s32 $0x3878;
	[sflag:s0] =	ssyncset.done @!p1 $0x0  }
0x337: {  	s30 =	simm.s32 $0x200;
	s31 =	simm.s32 $0x1;
	[sflag:s0] =	ssyncadd.s32 @!p1 $0xFFFFFFF0  }
0x338: {  	[spmem:s30] =	stream.linear.scatter [tilespmem:s29], [sflag:$0x1], $0x10, $0x38;
	[tilespmem:$0x1F0F8] =	vst v63  }
0x339: {  	_ =	swait.ge [sflag:s31], $0x10  }
0x33a: {  	[sflag:s31] =	ssyncset.done $0x0  }
0x33b: {  	p1 =	seq.s32 s17, $0x0;
	s8 =	rddreg [dreg:$0x2];
	[sflag:s31] =	ssyncadd.s32 $0xFFFFFFF0  }
0x33c: {  	s2 =	sshll.u32 @p1 s8, $0xE;
	s7 =	rddreg [dreg:$0x3]  }
0x33d: {  	s0 =	sadd.s32 @p1 $0x15C3C, s2;
	s2 =	sshll.u32 @p1 s7, $0x11  }
0x33e: {  	_ =	sfence.stream.spmem;
	s0 =	sor.u32 @p1 s2, s0  }
0x33f: {  	[sflag:s0] =	ssyncadd.remote.s32 @p1 $0x1;
	s0 =	simm.s32 @p1 $0x4  }
0x340: {  	s3 =	simm.s32 @!p1 $0x3C;
	s2 =	sand.u32 $0xFFFFFFFE, s8;
	_ =	swait.ge @p1 [sflag:s0], $0x6  }
0x341: {  	s4 =	simm.s32 @!p1 $0x0;
	s2 =	sadd.s32 @!p1 $0x4, s2;
	[sflag:s0] =	ssyncset.done @p1 $0x0  }
0x342: {  	s5 =	simm.s32 @!p1 $0x20;
	[sflag:s0] =	ssyncadd.s32 @p1 $0xFFFFFFFA;
	s0 =	sshll.u32 @!p1 s2, $0x1A  }
0x343: {  	s2 =	sshll.u32 @!p1 s2, $0xD;
	s0 =	sor.u32 @!p1 s0, s7;
	_ =	swait.eq @!p1 [sflag:s3], $0x1  }
0x344: {  	s2 =	sor.u32 @!p1 $0x1C04, s2;
	s3 =	simm.s32 @!p1 $0x1C03;
	s0 =	sor.u32 @!p1 $0x80004000, s0  }
0x345: {  	[spmem:s5], [sflag:s2] =	dma.general @!p1 [spmem:s4], [sflag:s3], length:$0x4, [dreg:$0x0], stride_count:$0x0, ici_dest:s0, dma_misc:DstOpCode:WRITE  }
0x346: {  	p2 =	slt.s32 s9, $0x2;
	s4 =	simm.s32 @!p1 $0x40;
	s5 =	simm.s32 @!p1 $0x42  }
0x347: {  	[spmem:s5], [sflag:s2] =	dma.general @!p1 [spmem:s4], [sflag:s3], length:$0x2, [dreg:$0x0], stride_count:$0x0, ici_dest:s0, dma_misc:DstOpCode:WRITE  }
.Ltmp28:
0x348: {  	s0 =	simm.s32 @!p1 $0x3;
	(pc) =	sbr.rel @p2 .LBB2_37-.Ltmp28, $4  }
0x349: {  	s2 =	sshll.u32 @!p1 s8, $0xE;
	_ =	swait.ge @!p1 [sflag:s0], $0x6  }
0x34a: {  	s3 =	sshll.u32 @!p1 s7, $0x11;
	s2 =	sadd.s32 @!p1 $0x11C3C, s2;
	[sflag:s0] =	ssyncset.done @!p1 $0x0  }
0x34b: {  	[sflag:s0] =	ssyncadd.s32 @!p1 $0xFFFFFFFA;
	s0 =	sor.u32 @!p1 s3, s2  }
0x34c: {  	[sflag:s0] =	ssyncadd.remote.s32 @!p1 $0xFFFFFFFF;
	s0 =	simm.s32 $0x0  }
0x34d: {  	s0 =	simm.s32 $0x3659  }
0x34e: {  	v0 =	vld.msk [tilespmem:s0+$0x0], $0x1;
	_ =	sdelay $0x4  }
0x34f: {  	(v2sf) =	vpush v0, $0x0;
	_ =	sdelay $0xd  }
0x350: {  	s3 =	sadd.s32 $0xFFFFFFFE, s6  }
0x351: {  	s3 =	sadd.s32 $0xFFFFFFFF, s3;
	s0 =	spop (v2sf)  }
0x352: {  	p2 =	sne.s32 s3, $0x0;
	p1 =	sgt.u32 s0, $0x270FF  }
.Ltmp29:
0x353: {  	s4 =	sand.u32 @!p1 $0x3FFF8, s0;
	(pc) =	sbr.rel @!p2 .LBB2_36-.Ltmp29, $4  }
0x354: {  	s2 =	simm.s32 $0x3688;
	s0 =	sand.u32 @!p1 $0x7, s0;
	s4 =	sadd.s32 @!p1 s1, s4  }
0x355: {  	[hbm4b:s4+s0] =	stream.linear.scatter @!p1 [tilespmem:s2], [sflag:$0x5], $0x4, $0x38;
	[tilespmem:$0x1F0F8] =	vst v63  }
0x356: {  	s0 =	simm.s32 $0x0  }
0x357: {  	s6 =	simm.s32 $0x0;
	s7 =	simm.s32 $0x365A;
	s0 =	simm.s32 @!p1 $0x10  }
.LBB2_35:
0x358: {  	v0 =	vld.msk [tilespmem:s7+$0x0], $0x1;
	s3 =	sadd.s32 $0xFFFFFFFF, s3;
	s6 =	sadd.s32 s6, s0  }
0x359: {  	p1 =	sne.s32 s3, $0x0;
	_ =	sdelay $0x3  }
0x35a: {  	(v2sf) =	vpush v0, $0x0;
	_ =	sdelay $0xe  }
.Ltmp30:
0x35b: {  	s4 =	spop (v2sf);
	(pc) =	sbr.rel @p1 .LBB2_35-.Ltmp30, $4  }
0x35c: {  	s0 =	simm.s32 $0x0;
	p2 =	sgt.u32 s4, $0x270FF  }
0x35d: {  	s2 =	sadd.s32 $0x10, s2;
	s0 =	simm.s32 @!p2 $0x10;
	s5 =	sand.u32 @!p2 $0x3FFF8, s4  }
0x35e: {  	s7 =	sadd.s32 $0x1, s7;
	s4 =	sand.u32 @!p2 $0x7, s4;
	s5 =	sadd.s32 @!p2 s1, s5  }
0x35f: {  	[hbm4b:s5+s4] =	stream.linear.scatter @!p2 [tilespmem:s2], [sflag:$0x5], $0x4, $0x38;
	[tilespmem:$0x1F0F8] =	vst v63  }
.LBB2_36:
0x360: {  	s0 =	sadd.s32 s6, s0  }
0x361: {  	s0 =	sshrl.u32 s0, $0x2  }
.LBB2_37:
0x362: {  	s2 =	simm.s32 $0x5  }
0x363: {  	_ =	swait.ge [sflag:s2], s0  }
0x364: {  	s31 =	ssub.s32 $0x0, s0;
	[sflag:s2] =	ssyncset.done $0x0  }
0x365: {  	[sflag:s2] =	ssyncadd.s32 s31  }
0x366: {  	[sflag:s2] =	ssyncpa.u1 $0x1  }
.LBB2_38:
0x367: {  	s0 =	sor.u32 s17, s16  }
0x368: {  	p1 =	sne.s32 s0, $0x0  }
.Ltmp31:
0x369: {  	_ = 	snop;
	(pc) =	sbr.rel @p1 .LBB2_53-.Ltmp31, $3  }
0x36a: {  	_ =	sdelay $0x1  }
0x36b: {  	[bflag:$0x0] =	sbarrier.arrive $0xFFFF  }
0x36c: {  	_ =	sfence  }
0x36d: {  	s0 =	simm.s32 $0x7  }
0x36e: {  	s2 =	simm.s32 $0x200;
	s3 =	simm.s32 $0x3658;
	[sflag:s0] =	ssyncpa.u1 $0x0  }
0x36f: {  	[tilespmem:s3], [sflag:$0x7] =	stream.linear.gather [spmem:s2], $0x20, $0x38;
	[tilespmem:$0x1F0F8] =	vst v63  }
0x370: {  	s30 =	simm.s32 $0x3678;
	s2 =	simm.s32 $0x0  }
0x371: {  	[tilespmem:s30], [sflag:$0x7] =	stream.linear.gather [spmem:s2], $0x200, $0x38;
	[tilespmem:$0x1F0F8] =	vst v63  }
.Ltmp32:
0x372: {  	_ = 	snop;
	(pc) =	sbr.rel .LBB2_40-.Ltmp32, $4  }
0x373: {  	_ =	swait.ge [sflag:s0], $0x220  }
0x374: {  	[sflag:s0] =	ssyncset.done $0x0  }
0x375: {  	s31 =	simm.s32 $0x8;
	[sflag:s0] =	ssyncadd.s32 $0xFFFFFDE0  }
0x376: {  	s3 =	simm.s32 $0x0;
	[sflag:s31] =	ssyncpa.u1 $0x0  }
.LBB2_45:
0x377: {  	p1 =	slt.u32 s4, $0x27100  }
0x378: {  	s0 =	sand.u32 @p1 $0x3FFF8, s4  }
0x379: {  	s4 =	sand.u32 @p1 $0x7, s4;
	s5 =	simm.s32 @p1 $0x3638;
	s0 =	sadd.s32 @p1 s1, s0  }
0x37a: {  	[tilespmem:s5], [sflag:$0x8] =	stream.linear.gather @p1 [hbm4b:s0+s4], $0x4, $0x38;
	[tilespmem:$0x1F0F8] =	vst v63  }
0x37b: {  	s0 =	simm.s32 @p1 $0x8  }
0x37c: {  	_ =	swait.ge @p1 [sflag:s0], $0x4  }
0x37d: {  	[sflag:s0] =	ssyncset.done @p1 $0x0  }
0x37e: {  	[sflag:s0] =	ssyncadd.s32 @p1 $0xFFFFFFFC  }
0x37f: {  	v1 =	vld @p1 [tilespmem:$0x3638];
	_ =	sdelay $0x2  }
0x380: {  	s0 =	sshll.u32 @p1 s3, $0x6  }
0x381: {  	s5 =	sshll.u32 @!p1 s3, $0x6;
	s4 =	sshrl.u32 @p1 s0, $0x2  }
0x382: {  	s5 =	smov.u32 @p1 s0;
	[tilespmem:s4+$0x3678] =	vst.add.f32.msk @p1 $0xffff, v1  }
0x383: {  	s0 =	sshrl.u32 s5, $0x2;
	[tilespmem:s2+$0x3658] =	vst.msk $0x1, v0  }
0x384: {  	v0 =	vld [tilespmem:s0+$0x3678];
	_ =	sdelay $0x2  }
0x385: {  	s31 =	sshll.u32 s2, $0x6  }
0x386: {  	s0 =	sshra.s32 s31, $0x2  }
0x387: {  	s2 =	sadd.s32 $0x1, s2;
	[tilespmem:s0+$0x3678] =	vst v0  }
.LBB2_47:
0x388: {  	s3 =	sadd.s32 $0x1, s3  }
0x389: {  	p1 =	sne.s32 s3, $0x20  }
.Ltmp33:
0x38a: {  	_ = 	snop;
	(pc) =	sbr.rel @!p1 .LBB2_48-.Ltmp33, $1  }
0x38b: {  	_ =	sdelay $0x3  }
.LBB2_40:
0x38c: {  	v0 =	vld.msk [tilespmem:s3+$0x3658], $0x1;
	_ =	sdelay $0x4  }
0x38d: {  	(v2sf) =	vpush v0, $0x0;
	_ =	sdelay $0xe  }
0x38e: {  	s4 =	spop (v2sf)  }
0x38f: {  	p1 =	seq.s32 s4, $0xFFFFFFFF  }
.Ltmp34:
0x390: {  	_ = 	snop;
	(pc) =	sbr.rel @p1 .LBB2_47-.Ltmp34, $1  }
0x391: {  	_ =	sdelay $0x3  }
0x392: {  	p1 =	slt.s32 s2, $0x1  }
.Ltmp35:
0x393: {  	_ = 	snop;
	(pc) =	sbr.rel @p1 .LBB2_45-.Ltmp35, $1  }
0x394: {  	_ =	sdelay $0x3  }
0x395: {  	s5 =	simm.s32 $0x3658;
	p1 =	por $0x0, $0x0  }
0x396: {  	v1 =	vld.msk @!p1 [tilespmem:s5+$0x0], $0x1;
	_ =	sdelay $0x4  }
0x397: {  	(v2sf) =	vpush @!p1 v1, $0x0;
	_ =	sdelay $0xd  }
0x398: {  	p3 =	sne.s32 s2, $0x1  }
.Ltmp36:
0x399: {  	s0 =	spop @!p1 (v2sf);
	(pc) =	sbr.rel @!p3 .LBB2_44-.Ltmp36, $4  }
0x39a: {  	p2 =	seq.s32 @!p1 s4, s0  }
0x39b: {  	s6 =	simm.s32 $0x0;
	p2 =	por !p2, p1  }
0x39c: {  	s0 =	simm.s32 $0xFFFFFFFF;
	s6 =	simm.s32 @p2 $0xFFFFFFFF  }
0x39d: {  	s7 =	simm.s32 $0x1;
	s6 =	smov.u32 @p1 s0  }
.LBB2_43:
0x39e: {  	s0 =	smov.u32 s6;
	p1 =	sne.s32 s6, $0xFFFFFFFF  }
0x39f: {  	s5 =	sadd.s32 $0x1, s5;
	s6 =	smov.u32 s7;
	s7 =	sadd.s32 $0x1, s7  }
0x3a0: {  	p2 =	sne.s32 s2, s7;
	v1 =	vld.msk @!p1 [tilespmem:s5+$0x0], $0x1;
	_ =	sdelay $0x4  }
0x3a1: {  	(v2sf) =	vpush @!p1 v1, $0x0;
	_ =	sdelay $0xe  }
.Ltmp37:
0x3a2: {  	s8 =	spop @!p1 (v2sf);
	(pc) =	sbr.rel @p2 .LBB2_43-.Ltmp37, $4  }
0x3a3: {  	p3 =	seq.s32 @!p1 s4, s8  }
0x3a4: {  	p3 =	por !p3, p1  }
0x3a5: {  	s6 =	simm.s32 @p3 $0xFFFFFFFF  }
0x3a6: {  	s6 =	smov.u32 @p1 s0  }
.LBB2_44:
0x3a7: {  	p1 =	sne.s32 s6, $0xFFFFFFFF  }
.Ltmp38:
0x3a8: {  	_ = 	snop;
	(pc) =	sbr.rel @!p1 .LBB2_45-.Ltmp38, $1  }
0x3a9: {  	_ =	sdelay $0x3  }
0x3aa: {  	s0 =	sshll.u32 s3, $0x4  }
0x3ab: {  	s0 =	sand.u32 $0x3FFFFFF0, s0  }
0x3ac: {  	v0 =	vld [tilespmem:s0+$0x3678]  }
.Ltmp39:
0x3ad: {  	_ = 	snop;
	(pc) =	sbr.rel .LBB2_47-.Ltmp39, $4  }
0x3ae: {  	_ = 	snop  }
0x3af: {  	s31 =	sshll.u32 s6, $0x6  }
0x3b0: {  	s0 =	sshra.s32 s31, $0x2  }
0x3b1: {  	[tilespmem:s0+$0x3678] =	vst.add.f32.msk $0xffff, v0  }
.LBB2_48:
0x3b2: {  	p1 =	slt.s32 s2, $0x1  }
.Ltmp40:
0x3b3: {  	_ = 	snop;
	(pc) =	sbr.rel @p1 .LBB2_52-.Ltmp40, $3  }
0x3b4: {  	_ =	sdelay $0x1  }
0x3b5: {  	s0 =	simm.s32 $0x8  }
0x3b6: {  	s3 =	simm.s32 $0x0;
	[sflag:s0] =	ssyncpa.u1 $0x1  }
0x3b7: {  	s0 =	simm.s32 $0x3658  }
0x3b8: {  	v0 =	vld.msk [tilespmem:s0+$0x0], $0x1;
	_ =	sdelay $0x4  }
0x3b9: {  	(v2sf) =	vpush v0, $0x0;
	_ =	sdelay $0xe  }
0x3ba: {  	s2 =	sadd.s32 $0xFFFFFFFF, s2;
	s0 =	spop (v2sf)  }
0x3bb: {  	p2 =	sne.s32 s2, $0x0;
	p1 =	sgt.u32 s0, $0x270FF  }
.Ltmp41:
0x3bc: {  	s5 =	sand.u32 @!p1 $0x3FFF8, s0;
	(pc) =	sbr.rel @!p2 .LBB2_51-.Ltmp41, $4  }
0x3bd: {  	s4 =	simm.s32 $0x3678;
	s0 =	sand.u32 @!p1 $0x7, s0;
	s5 =	sadd.s32 @!p1 s1, s5  }
0x3be: {  	[hbm4b:s5+s0] =	stream.linear.scatter @!p1 [tilespmem:s4], [sflag:$0x7], $0x4, $0x38;
	[tilespmem:$0x1F0F8] =	vst v63  }
0x3bf: {  	s0 =	simm.s32 $0x0  }
0x3c0: {  	s5 =	simm.s32 $0x3659;
	s0 =	simm.s32 @!p1 $0x10  }
.LBB2_50:
0x3c1: {  	v0 =	vld.msk [tilespmem:s5+$0x0], $0x1;
	s2 =	sadd.s32 $0xFFFFFFFF, s2;
	s3 =	sadd.s32 s3, s0  }
0x3c2: {  	p1 =	sne.s32 s2, $0x0;
	_ =	sdelay $0x3  }
0x3c3: {  	(v2sf) =	vpush v0, $0x0;
	_ =	sdelay $0xe  }
.Ltmp42:
0x3c4: {  	s6 =	spop (v2sf);
	(pc) =	sbr.rel @p1 .LBB2_50-.Ltmp42, $4  }
0x3c5: {  	s0 =	simm.s32 $0x0;
	p2 =	sgt.u32 s6, $0x270FF  }
0x3c6: {  	s4 =	sadd.s32 $0x10, s4;
	s0 =	simm.s32 @!p2 $0x10;
	s7 =	sand.u32 @!p2 $0x3FFF8, s6  }
0x3c7: {  	s5 =	sadd.s32 $0x1, s5;
	s6 =	sand.u32 @!p2 $0x7, s6;
	s7 =	sadd.s32 @!p2 s1, s7  }
0x3c8: {  	[hbm4b:s7+s6] =	stream.linear.scatter @!p2 [tilespmem:s4], [sflag:$0x7], $0x4, $0x38;
	[tilespmem:$0x1F0F8] =	vst v63  }
.LBB2_51:
0x3c9: {  	s0 =	sadd.s32 s3, s0  }
0x3ca: {  	s3 =	sshrl.u32 s0, $0x2  }
.LBB2_52:
0x3cb: {  	s0 =	simm.s32 $0x7  }
0x3cc: {  	_ =	swait.ge [sflag:s0], s3  }
0x3cd: {  	s1 =	ssub.s32 $0x0, s3;
	[sflag:s0] =	ssyncset.done $0x0  }
0x3ce: {  	[sflag:s0] =	ssyncadd.s32 s1  }
0x3cf: {  	[sflag:s0] =	ssyncpa.u1 $0x1  }
.LBB2_53:
0x3d0: {  	_ =	sfence;
	s0 =	simm.s32 $0x1  }
0x3d1: {  	[sflag:s0] =	ssyncpa.u1 $0x1  }
0x3d2: {  	_ =	strace $0x9000004A  }
0x3d3: {  	[bflag:$0x2] =	sbarrier.arrive $0xFFFF  }
0x3d4: {  	s0 =	rddreg [dreg:$0x4]  }
0x3d5: {  	s0 =	sadd.s32 @!p0 $0x100000, s0  }
0x3d6: {  	[sflag:s0] =	ssyncadd.tile.s32 @!p0 $0x1;
	_ =	shalt  }
.Lfunc_end2:
_tile_overlayer_lowered:
.L_overlay_start_2:
0x3d7: {  	(tag) =	ssettag $0x2  }
0x3d8: {  	s0 =	rddreg [dreg:$0x0];
	s2 =	stileid.u32  }
0x3d9: {  	s1 =	rddreg [dreg:$0x1];
	p0 =	sne.s32 s2, $0x0  }
0x3da: {  	s3 =	rddreg [dreg:$0x2];
	[bflag:$0x3] =	sbarrier.arrive $0xFFFF;
	s2 =	simm.s32 @!p0 $0x1C01  }
0x3db: {  	[timem:s3], [sflag:s2] =	dma.local @!p0 [hbm:s0], s1  }
0x3dc: {  	s0 =	simm.s32 @!p0 $0x1  }
0x3dd: {  	_ =	swait.ge @!p0 [sflag:s0], s1  }
0x3de: {  	s1 =	ssub.s32 @!p0 $0x0, s1;
	[sflag:s0] =	ssyncset.done @!p0 $0x0  }
0x3df: {  	[sflag:s0] =	ssyncadd.s32 @!p0 s1  }
0x3e0: {  	[bflag:$0x3] =	sbarrier.arrive $0xFFFF  }
0x3e1: {  	_ =	shalt  }

// kernel: scatter_offload_async_start.2
scs
__scs_entry_jumppad:
0x0: {  	(pc) =	sbr.rel $0x88, $3  }
0x1: {  	(tag) =	ssettag $0x0;
	lr =	simm.s32 $0x1  }
0x2: {  	[smem:$0x3F88] =	sst lr;
	_ =	strace $0xD0000000  }
0x3: {  	_ = 	snop  }
0x4: {  	_ = 	snop  }
0x5: {  	_ = 	snop  }
0x6: {  	_ = 	snop  }
0x7: {  	_ = 	snop  }
__scs_overlays_trampoline_lowered:
0x8: {  	[smem:$0x3F97] =	sst s0  }
0x9: {  	[smem:$0x3F98] =	sst s1  }
0xa: {  	[smem:$0x3F99] =	sst s2  }
0xb: {  	[smem:$0x3F9A] =	sst s3  }
0xc: {  	[smem:$0x3F9B] =	sst s4  }
0xd: {  	[smem:$0x3F9C] =	sst s5  }
0xe: {  	[smem:$0x3F9D] =	sst s6  }
0xf: {  	[smem:$0x3F9E] =	sst s7  }
0x10: {  	[smem:$0x3F9F] =	sst s8  }
0x11: {  	[smem:$0x3FA0] =	sst s9;
	s0 =	simm.s32 @!p0 $0x0  }
0x12: {  	s1 =	sld [smem:$0x3F86];
	s0 =	simm.s32 @p0 $0x1  }
0x13: {  	[smem:$0x3FA1] =	sst s0;
	s0 =	simm.s32 @!p1 $0x0  }
0x14: {  	s2 =	sld [smem:$0x3F85];
	s0 =	simm.s32 @p1 $0x1  }
0x15: {  	[smem:$0x3FA2] =	sst s0;
	s0 =	simm.s32 @!p2 $0x0  }
0x16: {  	s3 =	sld [smem:$0x3FDB];
	s0 =	simm.s32 @p2 $0x1  }
0x17: {  	s4 =	simm.s32 $0x1BF5;
	[smem:$0x3FA4] =	sst s0  }
0x18: {  	s0 =	sld [smem:$0x3F87];
	_ =	swait.ge [sflag:s4], $0x0  }
0x19: {  	s7 =	sld [smem:$0x3F88]  }
0x1a: {  	s8 =	sadd.s32 $0xFFFFE003, lr  }
0x1b: {  	s9 =	sadd.s32 $0xFFFFFEF7, lr;
	s5 =	simm.s32 $0xFFFFFFFF;
	p2 =	slt.u32 s8, $0xFFFFF086  }
0x1c: {  	p1 =	slt.u32 s9, $0xF7A;
	s5 =	simm.s32 @!p2 $0x0  }
0x1d: {  	s5 =	simm.s32 @p1 $0x1;
	p0 =	seq.s32 s7, s2  }
0x1e: {  	s7 =	smul.u32 @!p0 $0xF7A, s2;
	p2 =	seq.s32 @!p0 s5, $0x0  }
0x1f: {  	s9 =	smul.u32 $0xF7A, s1;
	s8 =	simm.s32 @!p0 $0x1BF5;
	p2 =	por !p2, p0  }
0x20: {  	[sflag:s8] =	ssyncset.s32 @!p0 $0xFFFFF086;
	s6 =	sadd.s32 @!p0 s3, s7;
	s7 =	simm.s32 @!p0 $0x108  }
0x21: {  	s3 =	sadd.s32 s3, s9;
	s6 =	sadd.s32 @!p0 $0x88, s6;
	s7 =	simm.s32 @p2 $0x1082  }
0x22: {  	[simem:s7], [sflag:s8] =	dma.local @!p0 [hbm:s6], $0xF7A  }
0x23: {  	s9 =	sor.u32 $0xD0000000, s2;
	s6 =	simm.s32 $0x108;
	_ =	swait.ge @!p0 [sflag:s8], $0x0  }
0x24: {  	s3 =	sadd.s32 $0x88, s3;
	s6 =	simm.s32 @!p1 $0x1082;
	[sflag:s4] =	ssyncset.s32 $0xFFFFF086  }
0x25: {  	[simem:s6], [sflag:s4] =	dma.local [hbm:s3], $0xF7A  }
0x26: {  	[smem:$0x3F88] =	sst s1;
	(tag) =	ssettag s2;
	_ =	strace s9  }
0x27: {  	s1 =	sld [smem:$0x3F98]  }
0x28: {  	s2 =	sld [smem:$0x3F99]  }
0x29: {  	s4 =	sld [smem:$0x3F9B]  }
0x2a: {  	p0 =	seq.s32 s5, $0x0;
	s5 =	sld [smem:$0x3F9C]  }
0x2b: {  	s6 =	sld [smem:$0x3F9D]  }
0x2c: {  	s7 =	sld [smem:$0x3F9E]  }
0x2d: {  	s3 =	simm.s32 $0x108;
	s8 =	sld [smem:$0x3F9F]  }
0x2e: {  	s3 =	simm.s32 @!p0 $0x1082;
	s9 =	sld [smem:$0x3FA0]  }
0x2f: {  	lr =	sadd.s32 s0, s3;
	s0 =	sld [smem:$0x3F97]  }
0x30: {  	s3 =	sld [smem:$0x3F9A]  }
0x31: {  	[smem:$0x3FA3] =	sst s10  }
0x32: {  	s10 =	sld [smem:$0x3FA1];
	_ =	sdelay $0x3  }
0x33: {  	p0 =	seq.s32 s10, $0x1;
	s10 =	sld [smem:$0x3FA3];
	_ =	sdelay $0x3  }
0x34: {  	[smem:$0x3FA3] =	sst s10  }
0x35: {  	s10 =	sld [smem:$0x3FA2];
	_ =	sdelay $0x3  }
0x36: {  	p1 =	seq.s32 s10, $0x1;
	s10 =	sld [smem:$0x3FA3];
	_ =	sdelay $0x3  }
0x37: {  	[smem:$0x3FA3] =	sst s10  }
0x38: {  	s10 =	sld [smem:$0x3FA4]  }
0x39: {  	_ = 	snop;
	(pc) =	sbr.ind lr, $3  }
0x3a: {  	_ = 	snop  }
0x3b: {  	_ = 	snop  }
0x3c: {  	p2 =	seq.s32 s10, $0x1;
	s10 =	sld [smem:$0x3FA3]  }
0x3d: {  	_ =	shalt  }
0x3e: {  	_ =	shalt  }
0x3f: {  	_ =	shalt  }
0x40: {  	_ =	shalt  }
0x41: {  	_ =	shalt  }
0x42: {  	_ =	shalt  }
0x43: {  	_ =	shalt  }
0x44: {  	_ =	shalt  }
0x45: {  	_ =	shalt  }
0x46: {  	_ =	shalt  }
0x47: {  	_ =	shalt  }
0x48: {  	_ =	shalt  }
0x49: {  	_ =	shalt  }
0x4a: {  	_ =	shalt  }
0x4b: {  	_ =	shalt  }
0x4c: {  	_ =	shalt  }
0x4d: {  	_ =	shalt  }
0x4e: {  	_ =	shalt  }
0x4f: {  	_ =	shalt  }
0x50: {  	_ =	shalt  }
0x51: {  	_ =	shalt  }
0x52: {  	_ =	shalt  }
0x53: {  	_ =	shalt  }
0x54: {  	_ =	shalt  }
0x55: {  	_ =	shalt  }
0x56: {  	_ =	shalt  }
0x57: {  	_ =	shalt  }
0x58: {  	_ =	shalt  }
0x59: {  	_ =	shalt  }
0x5a: {  	_ =	shalt  }
0x5b: {  	_ =	shalt  }
0x5c: {  	_ =	shalt  }
0x5d: {  	_ =	shalt  }
0x5e: {  	_ =	shalt  }
0x5f: {  	_ =	shalt  }
0x60: {  	_ =	shalt  }
0x61: {  	_ =	shalt  }
0x62: {  	_ =	shalt  }
0x63: {  	_ =	shalt  }
0x64: {  	_ =	shalt  }
0x65: {  	_ =	shalt  }
0x66: {  	_ =	shalt  }
0x67: {  	_ =	shalt  }
0x68: {  	_ =	shalt  }
0x69: {  	_ =	shalt  }
0x6a: {  	_ =	shalt  }
0x6b: {  	_ =	shalt  }
0x6c: {  	_ =	shalt  }
0x6d: {  	_ =	shalt  }
0x6e: {  	_ =	shalt  }
0x6f: {  	_ =	shalt  }
0x70: {  	_ =	shalt  }
0x71: {  	_ =	shalt  }
0x72: {  	_ =	shalt  }
0x73: {  	_ =	shalt  }
0x74: {  	_ =	shalt  }
0x75: {  	_ =	shalt  }
0x76: {  	_ =	shalt  }
0x77: {  	_ =	shalt  }
0x78: {  	_ =	shalt  }
0x79: {  	_ =	shalt  }
0x7a: {  	_ =	shalt  }
0x7b: {  	_ =	shalt  }
0x7c: {  	_ =	shalt  }
0x7d: {  	_ =	shalt  }
0x7e: {  	_ =	shalt  }
0x7f: {  	_ =	shalt  }
0x80: {  	_ =	shalt  }
0x81: {  	_ =	shalt  }
0x82: {  	_ =	shalt  }
0x83: {  	_ =	shalt  }
0x84: {  	_ =	shalt  }
0x85: {  	_ =	shalt  }
0x86: {  	_ =	shalt  }
0x87: {  	_ =	shalt  }
.Lfunc_end0:
.L_simem_size_0:
called_computation.2_lowered:
.L_overlay_start_0:
0x88: {  	s2 =	sld [smem:$0x3FD9]  }
0x89: {  	s3 =	sld [smem:$0x3FFE];
	_ =	sdelay $0x1  }
0x8a: {  	s1 =	srdreg.scid  }
0x8b: {  	s0 =	sand.u32 $0x1, s1  }
0x8c: {  	s16 =	sshll.u32 s0, $0xA;
	s2 =	sadd.s32 s3, s2  }
0x8d: {  	s2 =	sadd.s32 s2, s16  }
0x8e: {  	[smem:$0x3FAF] =	sst s2  }
0x8f: {  	_ = 	snop  }
0x90: {  	s2 =	sld [smem:$0x3FD0];
	(tm) =	ssettm $0x1  }
0x91: {  	s17 =	sld [smem:$0x3FFB];
	_ =	sdelay $0x3  }
0x92: {  	_ =	strace s17  }
0x93: {  	s3 =	sld [smem:$0x3FFC];
	_ =	sdelay $0x3  }
0x94: {  	_ =	strace s3  }
0x95: {  	s3 =	sld [smem:$0x3FFD];
	_ =	sdelay $0x3  }
0x96: {  	_ =	strace s3  }
0x97: {  	_ =	strace $0x8FFFFFFF  }
0x98: {  	s18 =	sld [smem:$0x3FDB];
	_ =	sdelay $0x1  }
0x99: {  	s4 =	simm.s32 $_scs_section_size  }
0x9a: {  	s5 =	simm.s32 $_size__tile_overlayer_lowered;
	s6 =	simm.s32 $_tile_overlayer_lowered  }
0x9b: {  	s21 =	simm.s32 $0x1BFF;
	s20 =	sshll.u32 s6, $0x1;
	s3 =	sadd.s32 s4, s18  }
0x9c: {  	s7 =	simm.s32 $0x0;
	s19 =	sshll.u32 s5, $0x1;
	s5 =	sadd.s32 s20, s3  }
0x9d: {  	[timem:s7], [sflag:s21] =	dma.local [hbm:s5], s19  }
0x9e: {  	_ =	swait.ge [sflag:s21], s19  }
0x9f: {  	s4 =	ssub.s32 $0x0, s19;
	[sflag:s21] =	ssyncset.done $0x0  }
0xa0: {  	[sflag:s21] =	ssyncadd.s32 s4;
	_ =	sdelay $0x1  }
0xa1: {  	s22 =	simm.s32 $0x1B8B  }
0xa2: {  	_ =	swait.ge [sflag:s22], $0x1  }
0xa3: {  	[sflag:s22] =	ssyncset.done $0x0  }
0xa4: {  	s23 =	sld [smem:$0x3FFE];
	[sflag:s22] =	ssyncadd.s32 $0xFFFFFFFF  }
0xa5: {  	s25 =	simm.s32 $0x1B8E;
	s24 =	sld [smem:$0x0]  }
0xa6: {  	s26 =	simm.s32 $execute0_lowered;
	[smem:$0x3FD2] =	sst s25  }
0xa7: {  	s6 =	sshll.u32 s26, $0x1;
	_ =	strace $0x8000004C;
	[dreg:$0x1] =	wrdreg $0xFFFFFFFF  }
0xa8: {  	s28 =	simm.s32 $_size_execute0_lowered;
	s3 =	sadd.s32 s3, s6;
	[dreg:$0x0] =	wrdreg $0x0  }
0xa9: {  	s6 =	sshll.u32 s28, $0x1;
	[dreg:$0x2] =	wrdreg s3  }
0xaa: {  	[dreg:$0x3] =	wrdreg s6  }
0xab: {  	[dreg:$0x4] =	wrdreg $0xC0  }
0xac: {  	_ =	task [dreg:s7], $0x5FFFF  }
0xad: {  	[dreg:$0x1] =	wrdreg $0xFFFFFFFF  }
0xae: {  	[dreg:$0x0] =	wrdreg $0x60  }
0xaf: {  	[dreg:$0x2] =	wrdreg s2  }
0xb0: {  	[dreg:$0x3] =	wrdreg s23  }
0xb1: {  	[dreg:$0x4] =	wrdreg s1  }
0xb2: {  	[dreg:$0x5] =	wrdreg s24  }
0xb3: {  	[dreg:$0x6] =	wrdreg $0x9  }
0xb4: {  	_ =	task.clear_ibuf [dreg:s7], $0x7FFFF;
	_ =	strace $0x9000004C  }
0xb5: {  	s29 =	simm.s32 $0x9;
	_ =	strace $0x8000004E  }
0xb6: {  	_ =	swait.ge [sflag:s29], $0x1  }
0xb7: {  	[sflag:s29] =	ssyncadd.s32 $0xFFFFFFFF  }
0xb8: {  	_ =	strace $0x9000004E  }
0xb9: {  	_ =	sfence  }
0xba: {  	s30 =	sld [smem:$0x0];
	_ =	sdelay $0x2  }
0xbb: {  	s31 =	sshll.u32 s1, $0xD;
	s1 =	sshrl.u32 s1, $0x2  }
0xbc: {  	s3 =	sand.u32 $0x4000, s31;
	s1 =	sadd.s32 s1, s30  }
0xbd: {  	s0 =	sor.u32 s3, s0;
	s1 =	sshll.u32 s1, $0x11  }
0xbe: {  	s0 =	sor.u32 s1, s0  }
0xbf: {  	s0 =	sadd.s32 $0x8F2B, s0  }
0xc0: {  	[sflag:s0] =	ssyncadd.remote.s32 $0x1  }
0xc1: {  	_ =	sfence.sel $0xFFFF  }
0xc2: {  	[dreg:$0x0] =	wrdreg $0xFFFFFFFF;
	(pc) =	sbr.abs _section_cstart, $3  }
0xc3: {  	[dreg:$0x1] =	wrdreg $0xFFFFFFFF  }
0xc4: {  	_ =	task.clear_ibuf [dreg:s7], $0x2FFFF;
	_ =	strace $0x9FFFFFFF  }
0xc5: {  	(tm) =	ssettm $0x7FFFFFFF  }
tec
execute0_lowered:
.L_overlay_start_1:
0x0: {  	(tag) =	ssettag $0x1  }
0x1: {  	s1 =	rddreg [dreg:$0x0]  }
0x2: {  	s2 =	rddreg [dreg:$0x1]  }
0x3: {  	s3 =	rddreg [dreg:$0x2];
	_ =	strace $0x8000004D;
	s0 =	simm.s32 $0x1  }
0x4: {  	v0 =	vimm.s32 $0x0;
	[sflag:s0] =	ssyncpa.u1 $0x0;
	s0 =	simm.s32 $0x108  }
0x5: {  	[tilespmem:s0+$0x70] =	vst v0  }
0x6: {  	[tilespmem:s0+$0x60] =	vst v0  }
0x7: {  	[tilespmem:s0+$0x50] =	vst v0  }
0x8: {  	[tilespmem:s0+$0x40] =	vst v0  }
0x9: {  	[tilespmem:s0+$0x30] =	vst v0  }
0xa: {  	s15 =	sadd.s32 $0x5800, s2;
	s6 =	sadd.s32 $0xEDCA00, s2;
	[tilespmem:s0+$0x20] =	vst v0  }
0xb: {  	s14 =	sadd.s32 $0x784A00, s2;
	s5 =	sand.u32 $0x1, s3;
	s3 =	simm.s32 $0x40;
	[tilespmem:s0+$0x10] =	vst v0  }
.LBB2_1:
0xc: {  	s3 =	sadd.s32 $0x40, s3;
	[tilespmem:s0+$0x0] =	vst v0;
	s0 =	sadd.s32 $0x80, s0  }
0xd: {  	p0 =	slt.u32 s3, $0x3C40;
	[tilespmem:s0+$0x70] =	vst v0  }
0xe: {  	[tilespmem:s0+$0x60] =	vst v0  }
.Ltmp0:
0xf: {  	[tilespmem:s0+$0x50] =	vst v0;
	(pc) =	sbr.rel @p0 .LBB2_1-.Ltmp0, $4  }
0x10: {  	[tilespmem:s0+$0x40] =	vst v0  }
0x11: {  	[tilespmem:s0+$0x30] =	vst v0  }
0x12: {  	[tilespmem:s0+$0x20] =	vst v0  }
0x13: {  	[tilespmem:s0+$0x10] =	vst v0  }
0x14: {  	s9 =	stileid.u32  }
0x15: {  	s2 =	smul.u32 $0x14, s9  }
0x16: {  	s3 =	smin.u32 s9, $0xE  }
0x17: {  	s2 =	sadd.s32 s3, s2  }
0x18: {  	p0 =	slt.u32 s9, $0xE;
	s7 =	smul.u32 $0xF0, s2;
	s2 =	simm.s32 $0x13B0  }
0x19: {  	s2 =	simm.s32 @!p0 $0x12C0  }
0x1a: {  	s2 =	sadd.s32 s2, s7  }
0x1b: {  	s8 =	smin.u32 s2, $0x13880  }
0x1c: {  	s2 =	ssub.s32 s8, s7  }
0x1d: {  	p0 =	sgt.s32 s2, $0x0  }
0x1e: {  	s29 =	simm.s32 $0x2;
	s10 =	simm.s32 $0x9;
	s2 =	simm.s32 @!p0 $0x0  }
0x1f: {  	s4 =	simm.s32 $0xA;
	s11 =	simm.s32 $0xB;
	s28 =	smulhi.u32 $0x88888889, s2  }
0x20: {  	[dreg:$0x5] =	wrdreg s5;
	s31 =	smul.u32 $0x2710, s5;
	s12 =	simm.s32 $0x1  }
0x21: {  	s22 =	simm.s32 $0x0;
	s18 =	simm.s32 $0xC;
	s30 =	sshrl.u32 s28, $0x7  }
0x22: {  	s20 =	simm.s32 $0x0;
	s21 =	simm.s32 $0x0;
	s3 =	smul.u32 $0xF0, s30  }
.Ltmp1:
0x23: {  	[tilespmem:s0+$0x0] =	vst v0;
	v0 =	vimm.s32 $0xFFFFFFFF;
	[sflag:s29] =	ssyncpa.u1 $0x0;
	s16 =	sshll.u32 s9, $0x8;
	(pc) =	sbr.rel .LBB2_3-.Ltmp1, $4  }
0x24: {  	[tilespmem:$0xF208] =	vst v0;
	[sflag:s10] =	ssyncpa.u1 $0x0;
	p0 =	sne.s32 s2, s3;
	s2 =	simm.s32 $0x1  }
0x25: {  	s14 =	sadd.s32 s31, s14;
	[sflag:s4] =	ssyncpa.u1 $0x0;
	s2 =	simm.s32 @!p0 $0x0  }
0x26: {  	s15 =	sadd.s32 s31, s15;
	[sflag:s11] =	ssyncpa.u1 $0x0;
	s13 =	sadd.s32 s2, s30  }
0x27: {  	v0 =	vlaneseq.u32;
	s19 =	smov.u32 s7;
	p0 =	por $0x0, $0x0;
	s17 =	sadd.s32 $0x1, s13  }
.LBB2_18:
0x28: {  	s0 =	sshrl.u32 s31, $0x2  }
.LBB2_20:
0x29: {  	_ =	swait.ge [sflag:s18], s0  }
0x2a: {  	s31 =	ssub.s32 $0x0, s0;
	v1 =	vmov s24;
	vm0 =	veq.s32 v0, $0x0;
	[sflag:s18] =	ssyncset.done $0x0  }
0x2b: {  	vm15 =	veq.s32 v0, $0x2;
	v1 =	vsel vm0, s30, v1;
	[sflag:s18] =	ssyncadd.s32 s31  }
0x2c: {  	v1 =	vsel vm15, s22, v1;
	[sflag:s18] =	ssyncpa.u1 $0x1  }
0x2d: {  	[tilespmem:$0xF208] =	vst v1  }
.LBB2_21:
0x2e: {  	s0 =	sadd.s32 $0xF0, s19  }
0x2f: {  	s2 =	smov.u32 s7;
	p1 =	slt.s32 s0, s8  }
0x30: {  	s2 =	smov.u32 @p1 s0;
	p1 =	sne.s32 s21, s17  }
.Ltmp2:
0x31: {  	_ = 	snop;
	(pc) =	sbr.rel @!p1 .LBB2_22-.Ltmp2, $3  }
0x32: {  	_ =	sdelay $0x1  }
0x33: {  	s22 =	smov.u32 s20;
	s31 =	sadd.s32 $0x1, s21;
	s20 =	smov.u32 s19  }
0x34: {  	p0 =	por !p0, !p0;
	s21 =	smov.u32 s31;
	s19 =	smov.u32 s2  }
.LBB2_3:
0x35: {  	p1 =	sge.u32 s21, s13  }
0x36: {  	s0 =	smulhi.u32 @!p1 $0xAAAAAAAB, s21  }
0x37: {  	s2 =	smov.u32 s19;
	p2 =	sgt.s32 @!p1 s19, $0x13790  }
0x38: {  	s3 =	sshra.s32 @!p1 s19, $0x1F;
	p2 =	por !p2, p1;
	s0 =	sshrl.u32 @!p1 s0, $0x1  }
0x39: {  	s3 =	sand.u32 @!p1 s3, s19;
	s2 =	simm.s32 @p2 $0x13790;
	s0 =	smul.u32 @!p1 $0x3, s0  }
0x3a: {  	s2 =	ssub.s32 @!p1 s2, s3  }
0x3b: {  	s2 =	sadd.s32 @!p1 $0xFFFEC870, s2;
	s0 =	ssub.s32 @!p1 s21, s0  }
0x3c: {  	s3 =	sshll.u32 @!p1 s2, $0x2;
	p2 =	sgt.s32 @!p1 s2, $0xEF;
	s0 =	smul.u32 @!p1 $0x3C0, s0  }
0x3d: {  	s4 =	sand.u32 @!p1 $0x7, s19;
	s2 =	ssub.s32 @!p1 $0x3C0, s3;
	p2 =	por !p2, p1  }
0x3e: {  	s3 =	sshrl.u32 @!p1 s19, $0x3;
	s2 =	sshrl.u32 @!p1 s2, $0x2;
	s0 =	sshrl.u32 @!p1 s0, $0x2  }
0x3f: {  	s3 =	sadd.s32 @!p1 s3, s14;
	s2 =	simm.s32 @!p2 $0x0;
	s0 =	sadd.s32 @!p1 $0x10248, s0  }
0x40: {  	[tilespmem:s0], [sflag:$0xA] =	stream.linear.gather @!p1 [hbm4b:s3+s4], s2, $0x38;
	[tilespmem:$0x1F6F8] =	vst v63  }
0x41: {  	s0 =	sadd.s32 $0xFFFFFFFF, s21  }
0x42: {  	p1 =	sge.u32 s0, s13  }
0x43: {  	p2 =	sgt.s32 @!p1 s20, $0x13790  }
0x44: {  	s2 =	smov.u32 s20;
	s3 =	sshra.s32 @!p1 s20, $0x1F;
	p2 =	por !p2, p1  }
0x45: {  	s3 =	sand.u32 @!p1 s3, s20;
	s2 =	simm.s32 @p2 $0x13790  }
0x46: {  	s2 =	ssub.s32 @!p1 s2, s3  }
0x47: {  	s2 =	sadd.s32 @!p1 $0xFFFEC870, s2  }
0x48: {  	s4 =	sand.u32 @!p1 $0x1, s0;
	s3 =	sshll.u32 @!p1 s2, $0x2  }
0x49: {  	p2 =	sgt.s32 @!p1 s2, $0xEF;
	s2 =	ssub.s32 @!p1 $0x3C0, s3;
	s3 =	smulhi.u32 @!p1 $0xAAAAAAAB, s0  }
0x4a: {  	s23 =	smul.u32 @!p1 $0x3C0, s4;
	p2 =	por !p2, p1;
	s2 =	sshrl.u32 @!p1 s2, $0x2  }
0x4b: {  	s5 =	simm.s32 @!p1 $0xA;
	s2 =	simm.s32 @!p2 $0x0;
	s3 =	sshrl.u32 @!p1 s3, $0x1  }
0x4c: {  	s23 =	sshrl.u32 @!p1 s23, $0x2;
	_ =	swait.ge @!p1 [sflag:s5], s2;
	s3 =	smul.u32 @!p1 $0x3, s3  }
0x4d: {  	s23 =	sadd.s32 @!p1 $0x10518, s23;
	s24 =	ssub.s32 @!p1 $0x0, s2;
	[sflag:s5] =	ssyncset.done @!p1 $0x0  }
0x4e: {  	[sflag:s5] =	ssyncadd.s32 @!p1 s24;
	s5 =	sshrl.u32 @!p1 s20, $0x3;
	s0 =	ssub.s32 @!p1 s0, s3  }
0x4f: {  	s24 =	sand.u32 @!p1 $0x7, s20;
	s5 =	sadd.s32 @!p1 s5, s15;
	s0 =	smul.u32 @!p1 $0x3C0, s0  }
0x50: {  	[tilespmem:s23], [sflag:$0xB] =	stream.linear.gather @!p1 [hbm4b:s5+s24], s2, $0x38;
	[tilespmem:$0x1F6F8] =	vst v63  }
0x51: {  	s3 =	ssub.s32 @!p1 $0x13880, s20;
	s2 =	smul.u32 @!p1 $0x1E000, s4  }
0x52: {  	p2 =	slt.s32 @!p1 s3, $0xF0  }
0x53: {  	p2 =	por !p2, p1;
	s0 =	sshrl.u32 @!p1 s0, $0x2;
	s2 =	sshrl.u32 @!p1 s2, $0x2  }
0x54: {  	s3 =	simm.s32 @p2 $0xF0;
	s0 =	sadd.s32 @!p1 $0x10248, s0;
	s2 =	sor.u32 @!p1 $0x106F8, s2  }
0x55: {  	[tilespmem:s2], [sflag:$0x9] =	stream.indirect.gather @!p1 [hbm4b:s6+s3], $0x80, s0, s3, $0xb8;
	[tilespmem:$0x1F6F8] =	vst v63  }
0x56: {  	p1 =	slt.u32 s21, $0x2  }
.Ltmp3:
0x57: {  	_ = 	snop;
	(pc) =	sbr.rel @p1 .LBB2_21-.Ltmp3, $1  }
0x58: {  	_ =	sdelay $0x3  }
0x59: {  	p1 =	sgt.s32 s22, $0x13790  }
0x5a: {  	s0 =	smov.u32 s22;
	s2 =	sshra.s32 s22, $0x1F;
	s3 =	ssub.s32 $0x13880, s22  }
0x5b: {  	s0 =	simm.s32 @!p1 $0x13790;
	s2 =	sand.u32 s2, s22;
	p1 =	slt.s32 s3, $0xF0  }
0x5c: {  	s0 =	ssub.s32 s0, s2;
	s3 =	simm.s32 @!p1 $0xF0  }
0x5d: {  	s0 =	sadd.s32 $0xFFFEC870, s0;
	s25 =	sshll.u32 s3, $0x7  }
0x5e: {  	s26 =	sshll.u32 s0, $0x2;
	s2 =	sand.u32 $0x3FFFFF80, s25  }
0x5f: {  	p1 =	sgt.s32 s0, $0xEF;
	s29 =	ssub.s32 $0x3C0, s26;
	_ =	swait.ge [sflag:s10], s2  }
0x60: {  	s2 =	ssub.s32 $0x0, s2;
	[sflag:s10] =	ssyncset.done $0x0;
	s0 =	sshrl.u32 s29, $0x2  }
0x61: {  	[sflag:s10] =	ssyncadd.s32 s2;
	s0 =	simm.s32 @p1 $0x0  }
0x62: {  	_ =	swait.ge [sflag:s11], s0  }
0x63: {  	s0 =	ssub.s32 $0x0, s0;
	[sflag:s11] =	ssyncset.done $0x0  }
0x64: {  	[sflag:s11] =	ssyncadd.s32 s0  }
0x65: {  	v1 =	vld [tilespmem:$0xF208];
	_ =	sdelay $0x4  }
0x66: {  	(v2sf) =	vpush v1, $0x0  }
0x67: {  	(v2sf) =	vpush v1, $0x1  }
0x68: {  	(v2sf) =	vpush v1, $0x2;
	_ =	sdelay $0x3  }
0x69: {  	s0 =	sadd.s32 $0xF0, s22  }
0x6a: {  	s2 =	ssub.s32 $0x27100, s22;
	p1 =	slt.s32 s8, s0  }
0x6b: {  	s0 =	smov.u32 @p1 s8;
	p1 =	sgt.s32 s2, $0x0  }
0x6c: {  	s26 =	ssub.s32 s0, s22;
	s2 =	simm.s32 @!p1 $0x0  }
0x6d: {  	p1 =	slt.s32 s2, s26  }
0x6e: {  	s26 =	smov.u32 @p1 s2  }
0x6f: {  	s25 =	simm.s32 $0x1;
	p1 =	slt.s32 s26, $0x1  }
.Ltmp4:
0x70: {  	s25 =	simm.s32 @!p0 $0x0;
	(pc) =	sbr.rel @p1 .LBB2_8-.Ltmp4, $4  }
0x71: {  	s31 =	smul.u32 $0x3C0, s25  }
0x72: {  	s28 =	spop (v2sf)  }
0x73: {  	s0 =	sshrl.u32 s31, $0x2;
	s30 =	spop (v2sf)  }
0x74: {  	s23 =	sadd.s32 $0x10518, s0;
	s22 =	spop (v2sf)  }
0x75: {  	s0 =	smin.u32 s26, $0x10  }
0x76: {  	v1 =	vmov s0  }
0x77: {  	p2 =	sgt.s32 s26, $0x10;
	vm1 =	vgt.u32 v1, v0  }
.Ltmp5:
0x78: {  	_ = 	snop;
	(pc) =	sbr.rel @!p2 .LBB2_7-.Ltmp5, $2  }
0x79: {  	_ =	sdelay $0x2  }
0x7a: {  	s4 =	simm.s32 $0x10;
	s24 =	sadd.s32 $0xFFFFFFF0, s26;
	s0 =	smov.u32 s23;
	vm0 =	vmmov vm1  }
.LBB2_6:
0x7b: {  	s2 =	smin.u32 s24, $0x10;
	s4 =	sadd.s32 $0x10, s4;
	v1 =	vld.msk [tilespmem:s0+$0x0 ss:$0x1], vm1  }
0x7c: {  	v2 =	vmov s2;
	p2 =	slt.s32 s4, s26  }
0x7d: {  	vm1 =	vgt.u32 v2, v0  }
.Ltmp6:
0x7e: {  	(pc) =	sbr.rel @p2 .LBB2_6-.Ltmp6, $3  }
0x7f: {  	_ =	sdelay $0x1  }
0x80: {  	v1 =	vshll.u32 v1, $0x4  }
0x81: {  	s24 =	sadd.s32 $0xFFFFFFF0, s24;
	[tilespmem:s0+$0x0] =	vst.msk vm0, v1;
	s0 =	sadd.s32 $0x10, s0;
	vm0 =	vmmov vm1  }
.LBB2_7:
0x82: {  	_ =	sdelay $0x4  }
0x83: {  	v1 =	vld.msk [tilespmem:s0+$0x0 ss:$0x1], vm1;
	_ =	sdelay $0x4  }
0x84: {  	v1 =	vshll.u32 v1, $0x4  }
0x85: {  	[tilespmem:s0+$0x0] =	vst.msk vm0, v1  }
.LBB2_8:
0x86: {  	s0 =	sand.u32 $0x1, s21  }
0x87: {  	s0 =	smul.u32 $0xF0, s0  }
0x88: {  	p2 =	sne.s32 s30, $0xFFFFFFFF  }
0x89: {  	v1 =	vld.msk @!p2 [tilespmem:s0+$0x10518], $0x1;
	_ =	sdelay $0x4  }
0x8a: {  	(v2sf) =	vpush @!p2 v1, $0x0;
	_ =	sdelay $0xc  }
.Ltmp7:
0x8b: {  	_ = 	snop;
	(pc) =	sbr.rel @p1 .LBB2_19-.Ltmp7, $4  }
0x8c: {  	_ = 	snop  }
0x8d: {  	s29 =	spop @!p2 (v2sf)  }
0x8e: {  	s22 =	simm.s32 @!p2 $0x0;
	s24 =	smov.u32 s29  }
0x8f: {  	[sflag:s18] =	ssyncpa.u1 $0x0;
	s29 =	smov.u32 @p2 s28;
	s24 =	smov.u32 @p2 s30  }
0x90: {  	v1 =	vld.msk [tilespmem:s23+$0x0], $0x1;
	_ =	sdelay $0x4  }
0x91: {  	(v2sf) =	vpush v1, $0x0;
	_ =	sdelay $0xe  }
0x92: {  	s2 =	smul.u32 $0x1E000, s25;
	s0 =	spop (v2sf)  }
0x93: {  	s26 =	ssub.s32 $0x0, s26;
	p1 =	seq.s32 s29, s0  }
0x94: {  	s30 =	sadd.s32 $0x1, s26;
	s2 =	sshrl.u32 s2, $0x2;
	p2 =	sgt.s32 @!p1 s29, $0x0  }
0x95: {  	s25 =	sor.u32 $0x10738, s2;
	s2 =	smov.u32 s29;
	p2 =	por !p2, p1  }
0x96: {  	s2 =	simm.s32 @p2 $0x0;
	p2 =	seq.s32 s30, $0x0  }
.Ltmp8:
0x97: {  	_ = 	snop;
	(pc) =	sbr.rel @p2 .LBB2_11-.Ltmp8, $4  }
0x98: {  	_ = 	snop  }
0x99: {  	s28 =	simm.s32 $0x0;
	s31 =	sadd.s32 $0x1, s23;
	s2 =	smin.u32 @!p1 s2, $0x270F0  }
0x9a: {  	s4 =	simm.s32 @!p1 $0x1;
	s5 =	simm.s32 @!p1 $0x7988;
	s3 =	sand.u32 @!p1 $0x3FFF8, s2  }
0x9b: {  	s4 =	smov.u32 @p1 s28;
	s2 =	sand.u32 @!p1 $0x7, s2;
	s3 =	sadd.s32 @!p1 s1, s3  }
.LBB2_10:
0x9c: {  	s9 =	smov.u32 s4  }
0x9d: {  	[tilespmem:s5], [sflag:$0x2] =	stream.linear.gather @!p1 [hbm4b:s3+s2], $0x80, $0x38;
	[tilespmem:$0x1F6F8] =	vst v63  }
0x9e: {  	s30 =	sadd.s32 $0x1, s30;
	s2 =	smov.u32 s0;
	v1 =	vld.msk [tilespmem:s31+$0x0], $0x1  }
0x9f: {  	p2 =	seq.s32 s30, $0x0;
	_ =	sdelay $0x3  }
0xa0: {  	(v2sf) =	vpush v1, $0x0;
	_ =	sdelay $0xe  }
0xa1: {  	s0 =	spop (v2sf)  }
0xa2: {  	p1 =	seq.s32 s2, s0  }
0xa3: {  	p3 =	sgt.s32 @!p1 s2, $0x0;
	s3 =	sshll.u32 @!p1 s4, $0x9;
	s4 =	sadd.s32 @!p1 $0x1, s4  }
.Ltmp9:
0xa4: {  	p3 =	por !p3, p1;
	s3 =	sshra.s32 @!p1 s3, $0x2;
	(pc) =	sbr.rel @!p2 .LBB2_10-.Ltmp9, $4  }
0xa5: {  	s4 =	smov.u32 @p1 s9;
	s2 =	simm.s32 @p3 $0x0;
	s5 =	sadd.s32 @!p1 $0x7988, s3  }
0xa6: {  	s2 =	smin.u32 @!p1 s2, $0x270F0  }
0xa7: {  	s3 =	sand.u32 @!p1 $0x3FFF8, s2;
	s2 =	sand.u32 @!p1 $0x7, s2  }
0xa8: {  	s31 =	sadd.s32 $0x1, s31;
	s3 =	sadd.s32 @!p1 s1, s3  }
.LBB2_11:
0xa9: {  	[tilespmem:s5], [sflag:$0x2] =	stream.linear.gather @!p1 [hbm4b:s3+s2], $0x80, $0x38;
	[tilespmem:$0x1F6F8] =	vst v63  }
.Ltmp10:
0xaa: {  	s0 =	sshll.u32 s4, $0x7;
	(pc) =	sbr.rel .LBB2_12-.Ltmp10, $4  }
0xab: {  	s30 =	simm.s32 $0x2;
	s0 =	sand.u32 $0x3FFFFF80, s0  }
0xac: {  	_ =	swait.ge [sflag:s30], s0  }
0xad: {  	s0 =	ssub.s32 $0x0, s0;
	[sflag:s30] =	ssyncset.done $0x0  }
0xae: {  	s31 =	simm.s32 $0x0;
	[sflag:s30] =	ssyncadd.s32 s0  }
.LBB2_13:
0xaf: {  	v1 =	vld [tilespmem:s25+$0xFFFFFFC0];
	_ =	sdelay $0x3  }
0xb0: {  	s0 =	sshra.s32 s0, $0x2  }
0xb1: {  	[tilespmem:s0+$0x108] =	vst.add.f32.msk $0xffff, v1  }
0xb2: {  	v1 =	vld [tilespmem:s25+$0xFFFFFFD0];
	_ =	sdelay $0x4  }
0xb3: {  	[tilespmem:s0+$0x118] =	vst.add.f32.msk $0xffff, v1  }
0xb4: {  	v1 =	vld [tilespmem:s25+$0xFFFFFFE0];
	_ =	sdelay $0x4  }
0xb5: {  	[tilespmem:s0+$0x128] =	vst.add.f32.msk $0xffff, v1  }
0xb6: {  	v1 =	vld [tilespmem:s25+$0xFFFFFFF0];
	_ =	sdelay $0x4  }
0xb7: {  	[tilespmem:s0+$0x138] =	vst.add.f32.msk $0xffff, v1  }
0xb8: {  	v1 =	vld [tilespmem:s25+$0x0];
	_ =	sdelay $0x4  }
0xb9: {  	[tilespmem:s0+$0x148] =	vst.add.f32.msk $0xffff, v1  }
0xba: {  	v1 =	vld [tilespmem:s25+$0x10];
	_ =	sdelay $0x4  }
0xbb: {  	[tilespmem:s0+$0x158] =	vst.add.f32.msk $0xffff, v1  }
0xbc: {  	v1 =	vld [tilespmem:s25+$0x20];
	_ =	sdelay $0x4  }
0xbd: {  	[tilespmem:s0+$0x168] =	vst.add.f32.msk $0xffff, v1  }
0xbe: {  	v1 =	vld [tilespmem:s25+$0x30];
	_ =	sdelay $0x4  }
0xbf: {  	[tilespmem:s0+$0x178] =	vst.add.f32.msk $0xffff, v1  }
.LBB2_17:
0xc0: {  	s26 =	sadd.s32 $0x1, s26  }
0xc1: {  	p1 =	seq.s32 s26, $0x0  }
.Ltmp11:
0xc2: {  	_ = 	snop;
	(pc) =	sbr.rel @p1 .LBB2_18-.Ltmp11, $2  }
0xc3: {  	_ =	sdelay $0x2  }
0xc4: {  	s23 =	sadd.s32 $0x1, s23;
	s25 =	sadd.s32 $0x80, s25;
	s29 =	smov.u32 s30  }
.LBB2_12:
0xc5: {  	v1 =	vld.msk [tilespmem:s23+$0x0], $0x1;
	_ =	sdelay $0x4  }
0xc6: {  	(v2sf) =	vpush v1, $0x0;
	_ =	sdelay $0xe  }
0xc7: {  	s30 =	spop (v2sf)  }
0xc8: {  	p1 =	sne.s32 s29, s30  }
.Ltmp12:
0xc9: {  	_ = 	snop;
	(pc) =	sbr.rel @!p1 .LBB2_13-.Ltmp12, $2  }
0xca: {  	_ =	sdelay $0x2  }
0xcb: {  	s0 =	sshll.u32 s22, $0x9  }
0xcc: {  	p1 =	seq.s32 s29, s24  }
.Ltmp13:
0xcd: {  	_ = 	snop;
	(pc) =	sbr.rel @!p1 .LBB2_15-.Ltmp13, $1  }
0xce: {  	_ =	sdelay $0x3  }
0xcf: {  	s0 =	sshra.s32 s0, $0x2  }
.Ltmp14:
0xd0: {  	s0 =	sadd.s32 $0x108, s0;
	(pc) =	sbr.rel .LBB2_16-.Ltmp14, $4  }
0xd1: {  	[spmem:s16] =	stream.linear.scatter [tilespmem:s0], [sflag:$0x1], $0x80, $0x38;
	[tilespmem:$0x1F6F8] =	vst v63  }
0xd2: {  	_ =	swait.ge [sflag:s12], $0x80  }
0xd3: {  	[sflag:s12] =	ssyncset.done $0x0  }
0xd4: {  	[sflag:s12] =	ssyncadd.s32 $0xFFFFFF80  }
.LBB2_15:
0xd5: {  	s2 =	sshll.u32 s28, $0x9  }
0xd6: {  	s2 =	sshra.s32 s2, $0x2  }
0xd7: {  	v1 =	vld [tilespmem:s2+$0x7988];
	_ =	sdelay $0x3  }
0xd8: {  	s0 =	sshra.s32 s0, $0x2  }
0xd9: {  	[tilespmem:s0+$0x108] =	vst.add.f32.msk $0xffff, v1  }
0xda: {  	v1 =	vld [tilespmem:s2+$0x7998];
	_ =	sdelay $0x4  }
0xdb: {  	[tilespmem:s0+$0x118] =	vst.add.f32.msk $0xffff, v1  }
0xdc: {  	v1 =	vld [tilespmem:s2+$0x79A8];
	_ =	sdelay $0x4  }
0xdd: {  	[tilespmem:s0+$0x128] =	vst.add.f32.msk $0xffff, v1  }
0xde: {  	v1 =	vld [tilespmem:s2+$0x79B8];
	_ =	sdelay $0x4  }
0xdf: {  	[tilespmem:s0+$0x138] =	vst.add.f32.msk $0xffff, v1  }
0xe0: {  	v1 =	vld [tilespmem:s2+$0x79C8];
	_ =	sdelay $0x4  }
0xe1: {  	[tilespmem:s0+$0x148] =	vst.add.f32.msk $0xffff, v1  }
0xe2: {  	v1 =	vld [tilespmem:s2+$0x79D8];
	_ =	sdelay $0x4  }
0xe3: {  	[tilespmem:s0+$0x158] =	vst.add.f32.msk $0xffff, v1  }
0xe4: {  	v1 =	vld [tilespmem:s2+$0x79E8];
	_ =	sdelay $0x4  }
0xe5: {  	[tilespmem:s0+$0x168] =	vst.add.f32.msk $0xffff, v1  }
0xe6: {  	v1 =	vld [tilespmem:s2+$0x79F8];
	_ =	sdelay $0x2  }
0xe7: {  	p1 =	sgt.u32 s29, $0x270F0  }
0xe8: {  	s2 =	sand.u32 @!p1 $0x3FFF8, s29  }
0xe9: {  	s3 =	sadd.s32 $0x108, s0;
	[tilespmem:s0+$0x178] =	vst.add.f32.msk $0xffff, v1;
	s0 =	sadd.s32 @!p1 s1, s2;
	s2 =	sand.u32 @!p1 $0x7, s29  }
0xea: {  	[hbm4b:s0+s2] =	stream.linear.scatter @!p1 [tilespmem:s3], [sflag:$0xC], $0x80, $0x38;
	[tilespmem:$0x1F6F8] =	vst v63  }
0xeb: {  	s0 =	simm.s32 $0x0  }
0xec: {  	s0 =	simm.s32 @!p1 $0x200  }
0xed: {  	s31 =	sadd.s32 s0, s31  }
.LBB2_16:
0xee: {  	s0 =	sadd.s32 $0x1, s22  }
0xef: {  	s2 =	smulhi.u32 $0x88888889, s0;
	_ =	sdelay $0x1  }
0xf0: {  	v1 =	vld [tilespmem:s25+$0xFFFFFFC0];
	s2 =	sshrl.u32 s2, $0x7  }
0xf1: {  	s2 =	smul.u32 $0xF0, s2;
	_ =	sdelay $0x1  }
0xf2: {  	s22 =	ssub.s32 s0, s2  }
0xf3: {  	s0 =	sshll.u32 s22, $0x7  }
0xf4: {  	[tilespmem:s0+$0x108] =	vst v1  }
0xf5: {  	v1 =	vld [tilespmem:s25+$0xFFFFFFD0];
	_ =	sdelay $0x4  }
0xf6: {  	[tilespmem:s0+$0x118] =	vst v1  }
0xf7: {  	v1 =	vld [tilespmem:s25+$0xFFFFFFE0];
	_ =	sdelay $0x4  }
0xf8: {  	[tilespmem:s0+$0x128] =	vst v1  }
0xf9: {  	v1 =	vld [tilespmem:s25+$0xFFFFFFF0];
	_ =	sdelay $0x4  }
0xfa: {  	[tilespmem:s0+$0x138] =	vst v1  }
0xfb: {  	v1 =	vld [tilespmem:s25+$0x0];
	_ =	sdelay $0x4  }
0xfc: {  	[tilespmem:s0+$0x148] =	vst v1  }
0xfd: {  	v1 =	vld [tilespmem:s25+$0x10];
	_ =	sdelay $0x4  }
0xfe: {  	[tilespmem:s0+$0x158] =	vst v1  }
0xff: {  	v1 =	vld [tilespmem:s25+$0x20];
	_ =	sdelay $0x4  }
0x100: {  	[tilespmem:s0+$0x168] =	vst v1  }
0x101: {  	v1 =	vld [tilespmem:s25+$0x30]  }
.Ltmp15:
0x102: {  	_ = 	snop;
	(pc) =	sbr.rel .LBB2_17-.Ltmp15, $2  }
0x103: {  	_ =	sdelay $0x2  }
0x104: {  	s28 =	sadd.s32 $0x1, s28;
	[tilespmem:s0+$0x178] =	vst v1  }
.LBB2_19:
.Ltmp16:
0x105: {  	(pc) =	sbr.rel .LBB2_20-.Ltmp16, $4  }
0x106: {  	_ = 	snop  }
0x107: {  	s0 =	simm.s32 $0x2  }
0x108: {  	_ =	swait.ge [sflag:s0], $0x0  }
0x109: {  	s30 =	smov.u32 s29;
	[sflag:s0] =	ssyncset.done $0x0;
	s0 =	simm.s32 $0x0  }
.LBB2_22:
0x10a: {  	_ =	sfence.sel $0x180000  }
0x10b: {  	s0 =	simm.s32 $0x9;
	[bflag:$0x0] =	sbarrier.arrive $0xFFFF  }
0x10c: {  	s24 =	simm.s32 $0xA;
	[sflag:s0] =	ssyncpa.u1 $0x1  }
0x10d: {  	s25 =	simm.s32 $0xB;
	[sflag:s24] =	ssyncpa.u1 $0x1  }
0x10e: {  	s26 =	simm.s32 $0x2;
	[sflag:s25] =	ssyncpa.u1 $0x1  }
0x10f: {  	[sflag:s26] =	ssyncpa.u1 $0x1  }
0x110: {  	v0 =	vld [tilespmem:$0xF208];
	_ =	sdelay $0x4  }
0x111: {  	(v2sf) =	vpush v0, $0x0  }
0x112: {  	(v2sf) =	vpush v0, $0x1;
	_ =	sdelay $0x1  }
0x113: {  	(v2sf) =	vpush v0, $0x2;
	_ =	sdelay $0xb  }
0x114: {  	s0 =	spop (v2sf)  }
0x115: {  	s2 =	spop (v2sf)  }
0x116: {  	s3 =	smov.u32 s0;
	p0 =	sne.s32 s0, s2  }
0x117: {  	s4 =	spop (v2sf);
	s3 =	simm.s32 @!p0 $0xFFFFFFFF  }
0x118: {  	v2 =	vimm.s32 $0x1;
	v3 =	vlaneseq.u32;
	p0 =	seq.s32 s4, $0xFFFFFFFF;
	v1 =	vmov s3  }
0x119: {  	s16 =	stileid.u32;
	v0 =	vperm.xlane v0, v2;
	p1 =	sne.s32 @!p0 s0, s2;
	v1 =	vperm.xlane v1, v3  }
0x11a: {  	vm0 =	vcmask $0x3F04;
	s6 =	simm.s32 $0xF208;
	s0 =	simm.s32 @!p0 $0x1;
	p1 =	por !p1, p0  }
0x11b: {  	s3 =	sshll.u32 s16, $0x1;
	s2 =	sshll.u32 @!p0 s4, $0x9;
	s0 =	simm.s32 @p1 $0x0;
	v0 =	vsel vm0, v1, v0  }
0x11c: {  	s5 =	sor.u32 $0x1000, s3;
	s2 =	sshra.s32 @!p0 s2, $0x2;
	s0 =	sor.u32 @!p0 s0, s3;
	[tilespmem:$0xF208] =	vst v0  }
0x11d: {  	[spmem:s5] =	stream.linear.scatter [tilespmem:s6], [sflag:$0x1], $0x2, $0x38;
	[tilespmem:$0x1F6F8] =	vst v63  }
0x11e: {  	s2 =	sadd.s32 @!p0 $0x108, s2;
	s0 =	sshll.u32 @!p0 s0, $0x7  }
0x11f: {  	[spmem:s0] =	stream.linear.scatter @!p0 [tilespmem:s2], [sflag:$0x1], $0x80, $0x38;
	[tilespmem:$0x1F6F8] =	vst v63  }
0x120: {  	s0 =	simm.s32 @!p0 $0x82  }
0x121: {  	s28 =	simm.s32 $0x1;
	s0 =	simm.s32 @p0 $0x2  }
0x122: {  	_ =	swait.ge [sflag:s28], s0  }
0x123: {  	s0 =	ssub.s32 $0x0, s0;
	[sflag:s28] =	ssyncset.done $0x0  }
0x124: {  	p0 =	sne.s32 s16, $0x0;
	[sflag:s28] =	ssyncadd.s32 s0  }
.Ltmp17:
0x125: {  	_ =	sfence.stream.spmem;
	(pc) =	sbr.rel @p0 .LBB2_39-.Ltmp17, $4  }
0x126: {  	s29 =	simm.s32 $0x3;
	[bflag:$0x0] =	sbarrier.arrive $0xFFFF  }
0x127: {  	s30 =	simm.s32 $0x4;
	[sflag:s29] =	ssyncpa.u1 $0x1  }
0x128: {  	s31 =	simm.s32 $0x3C;
	[sflag:s30] =	ssyncpa.u1 $0x1  }
0x129: {  	s15 =	rddreg [dreg:$0x5];
	[sflag:s31] =	ssyncpa.u1 $0x1  }
0x12a: {  	_ =	sfence.stream.spmem;
	s0 =	simm.s32 $0x5  }
0x12b: {  	s2 =	simm.s32 $0x1000;
	s3 =	simm.s32 $0xF218;
	[sflag:s0] =	ssyncpa.u1 $0x0  }
0x12c: {  	[tilespmem:s3], [sflag:$0x5] =	stream.linear.gather [spmem:s2], $0x20, $0x38;
	[tilespmem:$0x1F6F8] =	vst v63  }
0x12d: {  	s26 =	simm.s32 $0x0;
	s28 =	simm.s32 $0xF238  }
0x12e: {  	[tilespmem:s28], [sflag:$0x5] =	stream.linear.gather [spmem:s26], $0x1000, $0x38;
	[tilespmem:$0x1F6F8] =	vst v63  }
0x12f: {  	_ =	swait.ge [sflag:s0], $0x1020  }
0x130: {  	[sflag:s0] =	ssyncset.done $0x0  }
0x131: {  	s29 =	simm.s32 $0x0;
	[sflag:s0] =	ssyncadd.s32 $0xFFFFEFE0  }
0x132: {  	v0 =	vld.msk [tilespmem:s29+$0xF218], $0x1;
	_ =	sdelay $0x1  }
0x133: {  	s30 =	simm.s32 $0x1  }
0x134: {  	v1 =	vld.msk [tilespmem:s30+$0xF218], $0x1;
	_ =	sdelay $0x1  }
0x135: {  	(v2sf) =	vpush v0, $0x0;
	_ =	sdelay $0x2  }
0x136: {  	(v2sf) =	vpush v1, $0x0;
	_ =	sdelay $0x2  }
0x137: {  	s31 =	simm.s32 $0x2  }
0x138: {  	v0 =	vld.msk [tilespmem:s31+$0xF218], $0x1;
	_ =	sdelay $0x2  }
0x139: {  	s4 =	simm.s32 $0xFFFFFFFF;
	s5 =	simm.s32 $0xFFFFFFFF;
	s0 =	simm.s32 $0xC  }
.LBB2_24:
0x13a: {  	s2 =	smov.u32 s5;
	s3 =	smov.u32 s4  }
0x13b: {  	s4 =	sshra.s32 s0, $0x2;
	p1 =	sne.s32 s0, $0x7C;
	s0 =	sadd.s32 $0x4, s0;
	(v2sf) =	vpush v0, $0x0  }
0x13c: {  	v0 =	vld.msk [tilespmem:s4+$0xF218], $0x1  }
.Ltmp18:
0x13d: {  	(pc) =	sbr.rel @p1 .LBB2_24-.Ltmp18, $4  }
0x13e: {  	s5 =	spop (v2sf)  }
0x13f: {  	p2 =	sne.s32 s3, $0xFFFFFFFF;
	s4 =	smov.u32 s5  }
0x140: {  	p3 =	seq.s32 s5, $0xFFFFFFFF;
	s4 =	smov.u32 @p2 s3  }
0x141: {  	s5 =	smov.u32 @p3 s2;
	s4 =	smov.u32 @p3 s3  }
0x142: {  	(v2sf) =	vpush v0, $0x0;
	_ =	sdelay $0x8  }
0x143: {  	s0 =	spop (v2sf)  }
0x144: {  	p1 =	sne.s32 s4, $0xFFFFFFFF;
	s2 =	smov.u32 s0  }
0x145: {  	s9 =	simm.s32 $0x6;
	p2 =	seq.s32 s0, $0xFFFFFFFF;
	s2 =	smov.u32 @p1 s4  }
0x146: {  	s6 =	simm.s32 $0x0;
	s2 =	smov.u32 @p2 s4;
	s3 =	spop (v2sf)  }
0x147: {  	s0 =	smov.u32 @p2 s5;
	p1 =	sne.s32 s2, $0xFFFFFFFF;
	s4 =	smov.u32 s3  }
.Ltmp19:
0x148: {  	p2 =	seq.s32 s3, $0xFFFFFFFF;
	s4 =	smov.u32 @p1 s2;
	(pc) =	sbr.rel .LBB2_26-.Ltmp19, $4  }
0x149: {  	s10 =	simm.s32 $0xF188;
	s4 =	smov.u32 @p2 s2;
	s7 =	spop (v2sf)  }
0x14a: {  	s11 =	simm.s32 $0x0;
	p1 =	sne.s32 s4, $0xFFFFFFFF;
	s8 =	smov.u32 s7  }
0x14b: {  	s3 =	smov.u32 @p2 s0;
	p2 =	seq.s32 s7, $0xFFFFFFFF;
	s8 =	smov.u32 @p1 s4  }
0x14c: {  	[sflag:s9] =	ssyncpa.u1 $0x0;
	s7 =	smov.u32 @p2 s3;
	s8 =	smov.u32 @p2 s4  }
.LBB2_32:
0x14d: {  	p1 =	sgt.u32 s12, $0x270F0  }
0x14e: {  	p2 =	seq.s32 @!p1 s12, s8  }
0x14f: {  	p1 =	por p1, p2  }
0x150: {  	p2 =	sne.s32 @!p1 s12, s7  }
0x151: {  	p1 =	por p1, !p2  }
0x152: {  	s0 =	sshll.u32 @p1 s11, $0x9  }
0x153: {  	s0 =	sand.u32 @!p1 $0x3FFF8, s12  }
0x154: {  	s2 =	sand.u32 @!p1 $0x7, s12;
	s0 =	sadd.s32 @!p1 s1, s0  }
0x155: {  	[tilespmem:s10], [sflag:$0x6] =	stream.linear.gather @!p1 [hbm4b:s0+s2], $0x80, $0x38;
	[tilespmem:$0x1F6F8] =	vst v63  }
0x156: {  	_ =	swait.ge @!p1 [sflag:s9], $0x80  }
0x157: {  	[sflag:s9] =	ssyncset.done @!p1 $0x0  }
0x158: {  	[sflag:s9] =	ssyncadd.s32 @!p1 $0xFFFFFF80  }
0x159: {  	v1 =	vld @!p1 [tilespmem:$0xF188];
	_ =	sdelay $0x2  }
0x15a: {  	s0 =	sshll.u32 @!p1 s11, $0x9  }
0x15b: {  	s2 =	sshrl.u32 @!p1 s0, $0x2  }
0x15c: {  	[tilespmem:s2+$0xF238] =	vst.add.f32.msk @!p1 $0xffff, v1  }
0x15d: {  	v1 =	vld @!p1 [tilespmem:$0xF198];
	_ =	sdelay $0x4  }
0x15e: {  	[tilespmem:s2+$0xF248] =	vst.add.f32.msk @!p1 $0xffff, v1  }
0x15f: {  	v1 =	vld @!p1 [tilespmem:$0xF1A8];
	_ =	sdelay $0x4  }
0x160: {  	[tilespmem:s2+$0xF258] =	vst.add.f32.msk @!p1 $0xffff, v1  }
0x161: {  	v1 =	vld @!p1 [tilespmem:$0xF1B8];
	_ =	sdelay $0x4  }
0x162: {  	[tilespmem:s2+$0xF268] =	vst.add.f32.msk @!p1 $0xffff, v1  }
0x163: {  	v1 =	vld @!p1 [tilespmem:$0xF1C8];
	_ =	sdelay $0x4  }
0x164: {  	[tilespmem:s2+$0xF278] =	vst.add.f32.msk @!p1 $0xffff, v1  }
0x165: {  	v1 =	vld @!p1 [tilespmem:$0xF1D8];
	_ =	sdelay $0x4  }
0x166: {  	[tilespmem:s2+$0xF288] =	vst.add.f32.msk @!p1 $0xffff, v1  }
0x167: {  	v1 =	vld @!p1 [tilespmem:$0xF1E8];
	_ =	sdelay $0x4  }
0x168: {  	[tilespmem:s2+$0xF298] =	vst.add.f32.msk @!p1 $0xffff, v1  }
0x169: {  	v1 =	vld @!p1 [tilespmem:$0xF1F8];
	_ =	sdelay $0x4  }
0x16a: {  	[tilespmem:s2+$0xF2A8] =	vst.add.f32.msk @!p1 $0xffff, v1  }
0x16b: {  	s0 =	sshrl.u32 s0, $0x2;
	[tilespmem:s6+$0xF218] =	vst.msk $0x1, v0  }
0x16c: {  	v0 =	vld [tilespmem:s0+$0xF238];
	_ =	sdelay $0x2  }
0x16d: {  	s31 =	sshll.u32 s6, $0x9  }
0x16e: {  	s2 =	sshra.s32 s31, $0x2  }
0x16f: {  	[tilespmem:s2+$0xF238] =	vst v0  }
0x170: {  	v0 =	vld [tilespmem:s0+$0xF248];
	_ =	sdelay $0x4  }
0x171: {  	[tilespmem:s2+$0xF248] =	vst v0  }
0x172: {  	v0 =	vld [tilespmem:s0+$0xF258];
	_ =	sdelay $0x4  }
0x173: {  	[tilespmem:s2+$0xF258] =	vst v0  }
0x174: {  	v0 =	vld [tilespmem:s0+$0xF268];
	_ =	sdelay $0x4  }
0x175: {  	[tilespmem:s2+$0xF268] =	vst v0  }
0x176: {  	v0 =	vld [tilespmem:s0+$0xF278];
	_ =	sdelay $0x4  }
0x177: {  	[tilespmem:s2+$0xF278] =	vst v0  }
0x178: {  	v0 =	vld [tilespmem:s0+$0xF288];
	_ =	sdelay $0x4  }
0x179: {  	[tilespmem:s2+$0xF288] =	vst v0  }
0x17a: {  	v0 =	vld [tilespmem:s0+$0xF298];
	_ =	sdelay $0x4  }
0x17b: {  	[tilespmem:s2+$0xF298] =	vst v0  }
0x17c: {  	v0 =	vld [tilespmem:s0+$0xF2A8];
	_ =	sdelay $0x4  }
0x17d: {  	s6 =	sadd.s32 $0x1, s6;
	[tilespmem:s2+$0xF2A8] =	vst v0  }
.LBB2_33:
0x17e: {  	s11 =	sadd.s32 $0x1, s11  }
0x17f: {  	p1 =	sne.s32 s11, $0x20  }
.Ltmp20:
0x180: {  	_ = 	snop;
	(pc) =	sbr.rel @!p1 .LBB2_34-.Ltmp20, $1  }
0x181: {  	_ =	sdelay $0x3  }
.LBB2_26:
0x182: {  	v0 =	vld.msk [tilespmem:s11+$0xF218], $0x1;
	_ =	sdelay $0x4  }
0x183: {  	(v2sf) =	vpush v0, $0x0;
	_ =	sdelay $0xe  }
0x184: {  	s12 =	spop (v2sf)  }
0x185: {  	p1 =	seq.s32 s12, $0xFFFFFFFF  }
.Ltmp21:
0x186: {  	_ = 	snop;
	(pc) =	sbr.rel @p1 .LBB2_33-.Ltmp21, $1  }
0x187: {  	_ =	sdelay $0x3  }
0x188: {  	p1 =	slt.s32 s6, $0x1  }
.Ltmp22:
0x189: {  	_ = 	snop;
	(pc) =	sbr.rel @p1 .LBB2_32-.Ltmp22, $1  }
0x18a: {  	_ =	sdelay $0x3  }
0x18b: {  	s13 =	simm.s32 $0xF218;
	p1 =	por $0x0, $0x0  }
0x18c: {  	v1 =	vld.msk @!p1 [tilespmem:s13+$0x0], $0x1;
	_ =	sdelay $0x4  }
0x18d: {  	(v2sf) =	vpush @!p1 v1, $0x0;
	_ =	sdelay $0xd  }
0x18e: {  	p3 =	sne.s32 s6, $0x1  }
.Ltmp23:
0x18f: {  	s0 =	spop @!p1 (v2sf);
	(pc) =	sbr.rel @!p3 .LBB2_30-.Ltmp23, $4  }
0x190: {  	p2 =	seq.s32 @!p1 s12, s0  }
0x191: {  	s14 =	simm.s32 $0x0;
	p2 =	por !p2, p1  }
0x192: {  	s2 =	simm.s32 $0xFFFFFFFF;
	s14 =	simm.s32 @p2 $0xFFFFFFFF  }
0x193: {  	s0 =	simm.s32 $0x1;
	s14 =	smov.u32 @p1 s2  }
.LBB2_29:
0x194: {  	s2 =	smov.u32 s14;
	p1 =	sne.s32 s14, $0xFFFFFFFF  }
0x195: {  	s13 =	sadd.s32 $0x1, s13;
	s14 =	smov.u32 s0;
	s0 =	sadd.s32 $0x1, s0  }
0x196: {  	p2 =	sne.s32 s6, s0;
	v1 =	vld.msk @!p1 [tilespmem:s13+$0x0], $0x1;
	_ =	sdelay $0x4  }
0x197: {  	(v2sf) =	vpush @!p1 v1, $0x0;
	_ =	sdelay $0xe  }
.Ltmp24:
0x198: {  	s3 =	spop @!p1 (v2sf);
	(pc) =	sbr.rel @p2 .LBB2_29-.Ltmp24, $4  }
0x199: {  	p3 =	seq.s32 @!p1 s12, s3  }
0x19a: {  	p3 =	por !p3, p1  }
0x19b: {  	s14 =	simm.s32 @p3 $0xFFFFFFFF  }
0x19c: {  	s14 =	smov.u32 @p1 s2  }
.LBB2_30:
0x19d: {  	p1 =	seq.s32 s14, $0xFFFFFFFF  }
.Ltmp25:
0x19e: {  	_ = 	snop;
	(pc) =	sbr.rel @p1 .LBB2_32-.Ltmp25, $1  }
0x19f: {  	_ =	sdelay $0x3  }
0x1a0: {  	s0 =	sshll.u32 s11, $0x7  }
0x1a1: {  	s0 =	sand.u32 $0x3FFFFF80, s0  }
0x1a2: {  	v0 =	vld [tilespmem:s0+$0xF238];
	_ =	sdelay $0x2  }
0x1a3: {  	s2 =	sshll.u32 s14, $0x9  }
0x1a4: {  	s2 =	sshra.s32 s2, $0x2  }
0x1a5: {  	[tilespmem:s2+$0xF238] =	vst.add.f32.msk $0xffff, v0  }
0x1a6: {  	v0 =	vld [tilespmem:s0+$0xF248];
	_ =	sdelay $0x4  }
0x1a7: {  	[tilespmem:s2+$0xF248] =	vst.add.f32.msk $0xffff, v0  }
0x1a8: {  	v0 =	vld [tilespmem:s0+$0xF258];
	_ =	sdelay $0x4  }
0x1a9: {  	[tilespmem:s2+$0xF258] =	vst.add.f32.msk $0xffff, v0  }
0x1aa: {  	v0 =	vld [tilespmem:s0+$0xF268];
	_ =	sdelay $0x4  }
0x1ab: {  	[tilespmem:s2+$0xF268] =	vst.add.f32.msk $0xffff, v0  }
0x1ac: {  	v0 =	vld [tilespmem:s0+$0xF278];
	_ =	sdelay $0x4  }
0x1ad: {  	[tilespmem:s2+$0xF278] =	vst.add.f32.msk $0xffff, v0  }
0x1ae: {  	v0 =	vld [tilespmem:s0+$0xF288];
	_ =	sdelay $0x4  }
0x1af: {  	[tilespmem:s2+$0xF288] =	vst.add.f32.msk $0xffff, v0  }
0x1b0: {  	v0 =	vld [tilespmem:s0+$0xF298];
	_ =	sdelay $0x4  }
0x1b1: {  	[tilespmem:s2+$0xF298] =	vst.add.f32.msk $0xffff, v0  }
0x1b2: {  	v0 =	vld [tilespmem:s0+$0xF2A8]  }
.Ltmp26:
0x1b3: {  	_ = 	snop;
	(pc) =	sbr.rel .LBB2_33-.Ltmp26, $2  }
0x1b4: {  	_ =	sdelay $0x2  }
0x1b5: {  	[tilespmem:s2+$0xF2A8] =	vst.add.f32.msk $0xffff, v0  }
.LBB2_34:
0x1b6: {  	s0 =	simm.s32 $0x6;
	p1 =	seq.s32 s6, $0x0  }
0x1b7: {  	[sflag:s0] =	ssyncpa.u1 $0x1;
	v0 =	vimm.s32 @p1 $0xFFFFFFFF  }
0x1b8: {  	s9 =	sadd.s32 $0xFFFFFFFF, s6;
	[tilespmem:$0x10238] =	vst @p1 v0  }
0x1b9: {  	v0 =	vld.msk @!p1 [tilespmem:s9+$0xF218], $0x1;
	_ =	sdelay $0x1  }
0x1ba: {  	v1 =	vld.msk @!p1 [tilespmem:$0xF218], $0x1;
	_ =	sdelay $0x2  }
0x1bb: {  	p2 =	seq.s32 @!p1 s9, $0x0;
	v0 =	vbroadcast @!p1 v0, $0x0  }
0x1bc: {  	vm0 =	vmmov @!p1 $0x1;
	p2 =	por !p2, p1  }
0x1bd: {  	v1 =	vnsel @!p1 vm0, $0xFFFFFFFF, v1;
	vm0 =	vcmask @!p1 $0x308;
	v0 =	vpsel !p2, $0xFFFFFFFF, v0  }
0x1be: {  	p2 =	sne.s32 @!p1 s8, s7;
	v0 =	vsel @!p1 vm0, v1, v0  }
0x1bf: {  	s0 =	simm.s32 @!p1 $0xF238;
	s2 =	simm.s32 @!p1 $0x0;
	p3 =	por !p2, p1;
	[tilespmem:$0x10238] =	vst @!p1 v0  }
0x1c0: {  	[spmem:s2] =	stream.linear.scatter @!p1 [tilespmem:s0], [sflag:$0x1], $0x80, $0x38;
	[tilespmem:$0x1F6F8] =	vst v63  }
0x1c1: {  	s0 =	sshll.u32 @!p3 s9, $0x9  }
0x1c2: {  	s0 =	sshra.s32 @!p3 s0, $0x2  }
0x1c3: {  	s2 =	simm.s32 @!p3 $0x80;
	s0 =	sadd.s32 @!p3 $0xF238, s0  }
0x1c4: {  	[spmem:s2] =	stream.linear.scatter @!p3 [tilespmem:s0], [sflag:$0x1], $0x80, $0x38;
	[tilespmem:$0x1F6F8] =	vst v63  }
0x1c5: {  	s0 =	simm.s32 @!p3 $0x1  }
0x1c6: {  	_ =	swait.ge @!p3 [sflag:s0], $0x100  }
0x1c7: {  	p1 =	por p2, p1;
	[sflag:s0] =	ssyncset.done @!p3 $0x0  }
0x1c8: {  	[sflag:s0] =	ssyncadd.s32 @!p3 $0xFFFFFF00;
	s0 =	simm.s32 @!p1 $0x1  }
0x1c9: {  	_ =	swait.ge @!p1 [sflag:s0], $0x80  }
0x1ca: {  	s29 =	simm.s32 $0x10238;
	[sflag:s0] =	ssyncset.done @!p1 $0x0  }
0x1cb: {  	s30 =	simm.s32 $0x1000;
	s31 =	simm.s32 $0x1;
	[sflag:s0] =	ssyncadd.s32 @!p1 $0xFFFFFF80  }
0x1cc: {  	[spmem:s30] =	stream.linear.scatter [tilespmem:s29], [sflag:$0x1], $0x10, $0x38;
	[tilespmem:$0x1F6F8] =	vst v63  }
0x1cd: {  	_ =	swait.ge [sflag:s31], $0x10  }
0x1ce: {  	[sflag:s31] =	ssyncset.done $0x0  }
0x1cf: {  	p1 =	seq.s32 s15, $0x0;
	s8 =	rddreg [dreg:$0x2];
	[sflag:s31] =	ssyncadd.s32 $0xFFFFFFF0  }
0x1d0: {  	s2 =	sshll.u32 @p1 s8, $0xE;
	s7 =	rddreg [dreg:$0x3]  }
0x1d1: {  	s0 =	sadd.s32 @p1 $0x15C3C, s2;
	s2 =	sshll.u32 @p1 s7, $0x11  }
0x1d2: {  	_ =	sfence.stream.spmem;
	s0 =	sor.u32 @p1 s2, s0  }
0x1d3: {  	[sflag:s0] =	ssyncadd.remote.s32 @p1 $0x1;
	s0 =	simm.s32 @p1 $0x4  }
0x1d4: {  	s3 =	simm.s32 @!p1 $0x3C;
	s2 =	sand.u32 $0xFFFFFFFE, s8;
	_ =	swait.ge @p1 [sflag:s0], $0x22  }
0x1d5: {  	s4 =	simm.s32 @!p1 $0x0;
	s2 =	sadd.s32 @!p1 $0x4, s2;
	[sflag:s0] =	ssyncset.done @p1 $0x0  }
0x1d6: {  	s5 =	simm.s32 @!p1 $0x100;
	[sflag:s0] =	ssyncadd.s32 @p1 $0xFFFFFFDE;
	s0 =	sshll.u32 @!p1 s2, $0x1A  }
0x1d7: {  	s2 =	sshll.u32 @!p1 s2, $0xD;
	s0 =	sor.u32 @!p1 s0, s7;
	_ =	swait.eq @!p1 [sflag:s3], $0x1  }
0x1d8: {  	s2 =	sor.u32 @!p1 $0x1C04, s2;
	s3 =	simm.s32 @!p1 $0x1C03;
	s0 =	sor.u32 @!p1 $0x80004000, s0  }
0x1d9: {  	[spmem:s5], [sflag:s2] =	dma.general @!p1 [spmem:s4], [sflag:s3], length:$0x20, [dreg:$0x0], stride_count:$0x0, ici_dest:s0, dma_misc:DstOpCode:WRITE  }
0x1da: {  	p2 =	slt.s32 s9, $0x2;
	s4 =	simm.s32 @!p1 $0x200;
	s5 =	simm.s32 @!p1 $0x202  }
0x1db: {  	[spmem:s5], [sflag:s2] =	dma.general @!p1 [spmem:s4], [sflag:s3], length:$0x2, [dreg:$0x0], stride_count:$0x0, ici_dest:s0, dma_misc:DstOpCode:WRITE  }
.Ltmp27:
0x1dc: {  	s0 =	simm.s32 @!p1 $0x3;
	(pc) =	sbr.rel @p2 .LBB2_38-.Ltmp27, $4  }
0x1dd: {  	s2 =	sshll.u32 @!p1 s8, $0xE;
	_ =	swait.ge @!p1 [sflag:s0], $0x22  }
0x1de: {  	s3 =	sshll.u32 @!p1 s7, $0x11;
	s2 =	sadd.s32 @!p1 $0x11C3C, s2;
	[sflag:s0] =	ssyncset.done @!p1 $0x0  }
0x1df: {  	[sflag:s0] =	ssyncadd.s32 @!p1 $0xFFFFFFDE;
	s0 =	sor.u32 @!p1 s3, s2  }
0x1e0: {  	[sflag:s0] =	ssyncadd.remote.s32 @!p1 $0xFFFFFFFF;
	s0 =	simm.s32 $0x0  }
0x1e1: {  	s0 =	simm.s32 $0xF219  }
0x1e2: {  	v0 =	vld.msk [tilespmem:s0+$0x0], $0x1;
	_ =	sdelay $0x4  }
0x1e3: {  	(v2sf) =	vpush v0, $0x0;
	_ =	sdelay $0xb  }
0x1e4: {  	s31 =	sadd.s32 $0xFFFFFFFE, s6  }
0x1e5: {  	s0 =	sadd.s32 $0xFFFFFFFF, s31  }
0x1e6: {  	p2 =	sne.s32 s0, $0x0  }
.Ltmp28:
0x1e7: {  	s2 =	spop (v2sf);
	(pc) =	sbr.rel @!p2 .LBB2_37-.Ltmp28, $4  }
0x1e8: {  	s4 =	simm.s32 $0xF2B8;
	s7 =	simm.s32 $0x0;
	p1 =	sgt.u32 s2, $0x270F0  }
0x1e9: {  	s5 =	simm.s32 $0x0;
	s6 =	simm.s32 $0xF21A;
	s3 =	sand.u32 @!p1 $0x3FFF8, s2  }
0x1ea: {  	s2 =	sand.u32 @!p1 $0x7, s2;
	s7 =	simm.s32 @!p1 $0x200;
	s3 =	sadd.s32 @!p1 s1, s3  }
0x1eb: {  	[hbm4b:s3+s2] =	stream.linear.scatter @!p1 [tilespmem:s4], [sflag:$0x5], $0x80, $0x38;
	[tilespmem:$0x1F6F8] =	vst v63  }
.LBB2_36:
0x1ec: {  	v0 =	vld.msk [tilespmem:s6+$0x0], $0x1;
	s0 =	sadd.s32 $0xFFFFFFFF, s0;
	s5 =	sadd.s32 s5, s7  }
0x1ed: {  	p1 =	sne.s32 s0, $0x0;
	_ =	sdelay $0x3  }
0x1ee: {  	(v2sf) =	vpush v0, $0x0;
	_ =	sdelay $0xe  }
.Ltmp29:
0x1ef: {  	s2 =	spop (v2sf);
	(pc) =	sbr.rel @p1 .LBB2_36-.Ltmp29, $4  }
0x1f0: {  	s7 =	simm.s32 $0x0;
	p2 =	sgt.u32 s2, $0x270F0  }
0x1f1: {  	s4 =	sadd.s32 $0x80, s4;
	s7 =	simm.s32 @!p2 $0x200;
	s3 =	sand.u32 @!p2 $0x3FFF8, s2  }
0x1f2: {  	s6 =	sadd.s32 $0x1, s6;
	s2 =	sand.u32 @!p2 $0x7, s2;
	s3 =	sadd.s32 @!p2 s1, s3  }
0x1f3: {  	[hbm4b:s3+s2] =	stream.linear.scatter @!p2 [tilespmem:s4], [sflag:$0x5], $0x80, $0x38;
	[tilespmem:$0x1F6F8] =	vst v63  }
.LBB2_37:
0x1f4: {  	s0 =	sadd.s32 s5, s7  }
0x1f5: {  	s0 =	sshrl.u32 s0, $0x2  }
.LBB2_38:
0x1f6: {  	s2 =	simm.s32 $0x5  }
0x1f7: {  	_ =	swait.ge [sflag:s2], s0  }
0x1f8: {  	s31 =	ssub.s32 $0x0, s0;
	[sflag:s2] =	ssyncset.done $0x0  }
0x1f9: {  	[sflag:s2] =	ssyncadd.s32 s31  }
0x1fa: {  	[sflag:s2] =	ssyncpa.u1 $0x1  }
.LBB2_39:
0x1fb: {  	s0 =	sor.u32 s15, s16  }
0x1fc: {  	p1 =	sne.s32 s0, $0x0  }
.Ltmp30:
0x1fd: {  	_ = 	snop;
	(pc) =	sbr.rel @p1 .LBB2_54-.Ltmp30, $3  }
0x1fe: {  	_ =	sdelay $0x1  }
0x1ff: {  	[bflag:$0x0] =	sbarrier.arrive $0xFFFF  }
0x200: {  	_ =	sfence  }
0x201: {  	s0 =	simm.s32 $0x7  }
0x202: {  	s2 =	simm.s32 $0x1000;
	s3 =	simm.s32 $0xF218;
	[sflag:s0] =	ssyncpa.u1 $0x0  }
0x203: {  	[tilespmem:s3], [sflag:$0x7] =	stream.linear.gather [spmem:s2], $0x20, $0x38;
	[tilespmem:$0x1F6F8] =	vst v63  }
0x204: {  	s30 =	simm.s32 $0xF238;
	s2 =	simm.s32 $0x0  }
0x205: {  	[tilespmem:s30], [sflag:$0x7] =	stream.linear.gather [spmem:s2], $0x1000, $0x38;
	[tilespmem:$0x1F6F8] =	vst v63  }
.Ltmp31:
0x206: {  	_ = 	snop;
	(pc) =	sbr.rel .LBB2_41-.Ltmp31, $4  }
0x207: {  	_ =	swait.ge [sflag:s0], $0x1020  }
0x208: {  	[sflag:s0] =	ssyncset.done $0x0  }
0x209: {  	s31 =	simm.s32 $0x8;
	[sflag:s0] =	ssyncadd.s32 $0xFFFFEFE0  }
0x20a: {  	s3 =	simm.s32 $0x0;
	[sflag:s31] =	ssyncpa.u1 $0x0  }
.LBB2_47:
0x20b: {  	p1 =	slt.u32 s4, $0x270F1  }
0x20c: {  	s0 =	sand.u32 @p1 $0x3FFF8, s4  }
0x20d: {  	s4 =	sand.u32 @p1 $0x7, s4;
	s5 =	simm.s32 @p1 $0xF188;
	s0 =	sadd.s32 @p1 s1, s0  }
0x20e: {  	[tilespmem:s5], [sflag:$0x8] =	stream.linear.gather @p1 [hbm4b:s0+s4], $0x80, $0x38;
	[tilespmem:$0x1F6F8] =	vst v63  }
0x20f: {  	s0 =	simm.s32 @p1 $0x8  }
0x210: {  	_ =	swait.ge @p1 [sflag:s0], $0x80  }
0x211: {  	[sflag:s0] =	ssyncset.done @p1 $0x0  }
0x212: {  	[sflag:s0] =	ssyncadd.s32 @p1 $0xFFFFFF80  }
0x213: {  	v1 =	vld @p1 [tilespmem:$0xF188];
	_ =	sdelay $0x2  }
0x214: {  	s0 =	sshll.u32 @p1 s3, $0x9  }
0x215: {  	s4 =	sshrl.u32 @p1 s0, $0x2  }
0x216: {  	[tilespmem:s4+$0xF238] =	vst.add.f32.msk @p1 $0xffff, v1  }
0x217: {  	v1 =	vld @p1 [tilespmem:$0xF198];
	_ =	sdelay $0x4  }
0x218: {  	[tilespmem:s4+$0xF248] =	vst.add.f32.msk @p1 $0xffff, v1  }
0x219: {  	v1 =	vld @p1 [tilespmem:$0xF1A8];
	_ =	sdelay $0x4  }
0x21a: {  	[tilespmem:s4+$0xF258] =	vst.add.f32.msk @p1 $0xffff, v1  }
0x21b: {  	v1 =	vld @p1 [tilespmem:$0xF1B8];
	_ =	sdelay $0x4  }
0x21c: {  	[tilespmem:s4+$0xF268] =	vst.add.f32.msk @p1 $0xffff, v1  }
0x21d: {  	v1 =	vld @p1 [tilespmem:$0xF1C8];
	_ =	sdelay $0x4  }
0x21e: {  	[tilespmem:s4+$0xF278] =	vst.add.f32.msk @p1 $0xffff, v1  }
0x21f: {  	v1 =	vld @p1 [tilespmem:$0xF1D8];
	_ =	sdelay $0x4  }
0x220: {  	[tilespmem:s4+$0xF288] =	vst.add.f32.msk @p1 $0xffff, v1  }
0x221: {  	v1 =	vld @p1 [tilespmem:$0xF1E8];
	_ =	sdelay $0x4  }
0x222: {  	[tilespmem:s4+$0xF298] =	vst.add.f32.msk @p1 $0xffff, v1  }
0x223: {  	v1 =	vld @p1 [tilespmem:$0xF1F8];
	_ =	sdelay $0x3  }
0x224: {  	s5 =	sshll.u32 @!p1 s3, $0x9  }
0x225: {  	s5 =	smov.u32 @p1 s0;
	[tilespmem:s4+$0xF2A8] =	vst.add.f32.msk @p1 $0xffff, v1  }
0x226: {  	s0 =	sshrl.u32 s5, $0x2;
	[tilespmem:s2+$0xF218] =	vst.msk $0x1, v0  }
0x227: {  	v0 =	vld [tilespmem:s0+$0xF238];
	_ =	sdelay $0x2  }
0x228: {  	s31 =	sshll.u32 s2, $0x9  }
0x229: {  	s4 =	sshra.s32 s31, $0x2  }
0x22a: {  	[tilespmem:s4+$0xF238] =	vst v0  }
0x22b: {  	v0 =	vld [tilespmem:s0+$0xF248];
	_ =	sdelay $0x4  }
0x22c: {  	[tilespmem:s4+$0xF248] =	vst v0  }
0x22d: {  	v0 =	vld [tilespmem:s0+$0xF258];
	_ =	sdelay $0x4  }
0x22e: {  	[tilespmem:s4+$0xF258] =	vst v0  }
0x22f: {  	v0 =	vld [tilespmem:s0+$0xF268];
	_ =	sdelay $0x4  }
0x230: {  	[tilespmem:s4+$0xF268] =	vst v0  }
0x231: {  	v0 =	vld [tilespmem:s0+$0xF278];
	_ =	sdelay $0x4  }
0x232: {  	[tilespmem:s4+$0xF278] =	vst v0  }
0x233: {  	v0 =	vld [tilespmem:s0+$0xF288];
	_ =	sdelay $0x4  }
0x234: {  	[tilespmem:s4+$0xF288] =	vst v0  }
0x235: {  	v0 =	vld [tilespmem:s0+$0xF298];
	_ =	sdelay $0x4  }
0x236: {  	[tilespmem:s4+$0xF298] =	vst v0  }
0x237: {  	v0 =	vld [tilespmem:s0+$0xF2A8];
	_ =	sdelay $0x4  }
0x238: {  	s2 =	sadd.s32 $0x1, s2;
	[tilespmem:s4+$0xF2A8] =	vst v0  }
.LBB2_48:
0x239: {  	s3 =	sadd.s32 $0x1, s3  }
0x23a: {  	p1 =	sne.s32 s3, $0x20  }
.Ltmp32:
0x23b: {  	_ = 	snop;
	(pc) =	sbr.rel @!p1 .LBB2_49-.Ltmp32, $1  }
0x23c: {  	_ =	sdelay $0x3  }
.LBB2_41:
0x23d: {  	v0 =	vld.msk [tilespmem:s3+$0xF218], $0x1;
	_ =	sdelay $0x4  }
0x23e: {  	(v2sf) =	vpush v0, $0x0;
	_ =	sdelay $0xe  }
0x23f: {  	s4 =	spop (v2sf)  }
0x240: {  	p1 =	seq.s32 s4, $0xFFFFFFFF  }
.Ltmp33:
0x241: {  	_ = 	snop;
	(pc) =	sbr.rel @p1 .LBB2_48-.Ltmp33, $1  }
0x242: {  	_ =	sdelay $0x3  }
0x243: {  	p1 =	slt.s32 s2, $0x1  }
.Ltmp34:
0x244: {  	_ = 	snop;
	(pc) =	sbr.rel @p1 .LBB2_47-.Ltmp34, $1  }
0x245: {  	_ =	sdelay $0x3  }
0x246: {  	s5 =	simm.s32 $0xF218;
	p1 =	por $0x0, $0x0  }
0x247: {  	v1 =	vld.msk @!p1 [tilespmem:s5+$0x0], $0x1;
	_ =	sdelay $0x4  }
0x248: {  	(v2sf) =	vpush @!p1 v1, $0x0;
	_ =	sdelay $0xd  }
0x249: {  	p3 =	sne.s32 s2, $0x1  }
.Ltmp35:
0x24a: {  	s0 =	spop @!p1 (v2sf);
	(pc) =	sbr.rel @!p3 .LBB2_45-.Ltmp35, $4  }
0x24b: {  	p2 =	seq.s32 @!p1 s4, s0  }
0x24c: {  	s6 =	simm.s32 $0x0;
	p2 =	por !p2, p1  }
0x24d: {  	s7 =	simm.s32 $0xFFFFFFFF;
	s6 =	simm.s32 @p2 $0xFFFFFFFF  }
0x24e: {  	s0 =	simm.s32 $0x1;
	s6 =	smov.u32 @p1 s7  }
.LBB2_44:
0x24f: {  	s7 =	smov.u32 s6;
	p1 =	sne.s32 s6, $0xFFFFFFFF  }
0x250: {  	s5 =	sadd.s32 $0x1, s5;
	s6 =	smov.u32 s0;
	s0 =	sadd.s32 $0x1, s0  }
0x251: {  	p2 =	sne.s32 s2, s0;
	v1 =	vld.msk @!p1 [tilespmem:s5+$0x0], $0x1;
	_ =	sdelay $0x4  }
0x252: {  	(v2sf) =	vpush @!p1 v1, $0x0;
	_ =	sdelay $0xe  }
.Ltmp36:
0x253: {  	s8 =	spop @!p1 (v2sf);
	(pc) =	sbr.rel @p2 .LBB2_44-.Ltmp36, $4  }
0x254: {  	p3 =	seq.s32 @!p1 s4, s8  }
0x255: {  	p3 =	por !p3, p1  }
0x256: {  	s6 =	simm.s32 @p3 $0xFFFFFFFF  }
0x257: {  	s6 =	smov.u32 @p1 s7  }
.LBB2_45:
0x258: {  	p1 =	seq.s32 s6, $0xFFFFFFFF  }
.Ltmp37:
0x259: {  	_ = 	snop;
	(pc) =	sbr.rel @p1 .LBB2_47-.Ltmp37, $1  }
0x25a: {  	_ =	sdelay $0x3  }
0x25b: {  	s0 =	sshll.u32 s3, $0x7  }
0x25c: {  	s0 =	sand.u32 $0x3FFFFF80, s0  }
0x25d: {  	v0 =	vld [tilespmem:s0+$0xF238];
	_ =	sdelay $0x2  }
0x25e: {  	s4 =	sshll.u32 s6, $0x9  }
0x25f: {  	s4 =	sshra.s32 s4, $0x2  }
0x260: {  	[tilespmem:s4+$0xF238] =	vst.add.f32.msk $0xffff, v0  }
0x261: {  	v0 =	vld [tilespmem:s0+$0xF248];
	_ =	sdelay $0x4  }
0x262: {  	[tilespmem:s4+$0xF248] =	vst.add.f32.msk $0xffff, v0  }
0x263: {  	v0 =	vld [tilespmem:s0+$0xF258];
	_ =	sdelay $0x4  }
0x264: {  	[tilespmem:s4+$0xF258] =	vst.add.f32.msk $0xffff, v0  }
0x265: {  	v0 =	vld [tilespmem:s0+$0xF268];
	_ =	sdelay $0x4  }
0x266: {  	[tilespmem:s4+$0xF268] =	vst.add.f32.msk $0xffff, v0  }
0x267: {  	v0 =	vld [tilespmem:s0+$0xF278];
	_ =	sdelay $0x4  }
0x268: {  	[tilespmem:s4+$0xF278] =	vst.add.f32.msk $0xffff, v0  }
0x269: {  	v0 =	vld [tilespmem:s0+$0xF288];
	_ =	sdelay $0x4  }
0x26a: {  	[tilespmem:s4+$0xF288] =	vst.add.f32.msk $0xffff, v0  }
0x26b: {  	v0 =	vld [tilespmem:s0+$0xF298];
	_ =	sdelay $0x4  }
0x26c: {  	[tilespmem:s4+$0xF298] =	vst.add.f32.msk $0xffff, v0  }
0x26d: {  	v0 =	vld [tilespmem:s0+$0xF2A8]  }
.Ltmp38:
0x26e: {  	_ = 	snop;
	(pc) =	sbr.rel .LBB2_48-.Ltmp38, $2  }
0x26f: {  	_ =	sdelay $0x2  }
0x270: {  	[tilespmem:s4+$0xF2A8] =	vst.add.f32.msk $0xffff, v0  }
.LBB2_49:
0x271: {  	p1 =	slt.s32 s2, $0x1  }
.Ltmp39:
0x272: {  	_ = 	snop;
	(pc) =	sbr.rel @p1 .LBB2_53-.Ltmp39, $3  }
0x273: {  	_ =	sdelay $0x1  }
0x274: {  	s0 =	simm.s32 $0x8  }
0x275: {  	s3 =	simm.s32 $0x0;
	[sflag:s0] =	ssyncpa.u1 $0x1  }
0x276: {  	s0 =	simm.s32 $0xF218  }
0x277: {  	v0 =	vld.msk [tilespmem:s0+$0x0], $0x1;
	_ =	sdelay $0x4  }
0x278: {  	(v2sf) =	vpush v0, $0x0;
	_ =	sdelay $0xe  }
0x279: {  	s0 =	sadd.s32 $0xFFFFFFFF, s2;
	s5 =	spop (v2sf)  }
0x27a: {  	p2 =	sne.s32 s0, $0x0;
	p1 =	sgt.u32 s5, $0x270F0  }
.Ltmp40:
0x27b: {  	s6 =	sand.u32 @!p1 $0x3FFF8, s5;
	(pc) =	sbr.rel @!p2 .LBB2_52-.Ltmp40, $4  }
0x27c: {  	s4 =	simm.s32 $0xF238;
	s5 =	sand.u32 @!p1 $0x7, s5;
	s2 =	sadd.s32 @!p1 s1, s6  }
0x27d: {  	[hbm4b:s2+s5] =	stream.linear.scatter @!p1 [tilespmem:s4], [sflag:$0x7], $0x80, $0x38;
	[tilespmem:$0x1F6F8] =	vst v63  }
0x27e: {  	s5 =	simm.s32 $0x0  }
0x27f: {  	s2 =	simm.s32 $0xF219;
	s5 =	simm.s32 @!p1 $0x200  }
.LBB2_51:
0x280: {  	v0 =	vld.msk [tilespmem:s2+$0x0], $0x1;
	s0 =	sadd.s32 $0xFFFFFFFF, s0;
	s3 =	sadd.s32 s3, s5  }
0x281: {  	p1 =	sne.s32 s0, $0x0;
	_ =	sdelay $0x3  }
0x282: {  	(v2sf) =	vpush v0, $0x0;
	_ =	sdelay $0xe  }
.Ltmp41:
0x283: {  	s6 =	spop (v2sf);
	(pc) =	sbr.rel @p1 .LBB2_51-.Ltmp41, $4  }
0x284: {  	s5 =	simm.s32 $0x0;
	p2 =	sgt.u32 s6, $0x270F0  }
0x285: {  	s4 =	sadd.s32 $0x80, s4;
	s5 =	simm.s32 @!p2 $0x200;
	s7 =	sand.u32 @!p2 $0x3FFF8, s6  }
0x286: {  	s2 =	sadd.s32 $0x1, s2;
	s6 =	sand.u32 @!p2 $0x7, s6;
	s7 =	sadd.s32 @!p2 s1, s7  }
0x287: {  	[hbm4b:s7+s6] =	stream.linear.scatter @!p2 [tilespmem:s4], [sflag:$0x7], $0x80, $0x38;
	[tilespmem:$0x1F6F8] =	vst v63  }
.LBB2_52:
0x288: {  	s0 =	sadd.s32 s3, s5  }
0x289: {  	s3 =	sshrl.u32 s0, $0x2  }
.LBB2_53:
0x28a: {  	s0 =	simm.s32 $0x7  }
0x28b: {  	_ =	swait.ge [sflag:s0], s3  }
0x28c: {  	s1 =	ssub.s32 $0x0, s3;
	[sflag:s0] =	ssyncset.done $0x0  }
0x28d: {  	[sflag:s0] =	ssyncadd.s32 s1  }
0x28e: {  	[sflag:s0] =	ssyncpa.u1 $0x1  }
.LBB2_54:
0x28f: {  	_ =	sfence;
	s0 =	simm.s32 $0x1  }
0x290: {  	[sflag:s0] =	ssyncpa.u1 $0x1  }
0x291: {  	_ =	strace $0x9000004D  }
0x292: {  	[bflag:$0x2] =	sbarrier.arrive $0xFFFF  }
0x293: {  	s0 =	rddreg [dreg:$0x4]  }
0x294: {  	s0 =	sadd.s32 @!p0 $0x100000, s0  }
0x295: {  	[sflag:s0] =	ssyncadd.tile.s32 @!p0 $0x1;
	_ =	shalt  }
.Lfunc_end2:
_tile_overlayer_lowered:
.L_overlay_start_2:
0x296: {  	(tag) =	ssettag $0x2  }
0x297: {  	s0 =	rddreg [dreg:$0x0];
	s2 =	stileid.u32  }
0x298: {  	s1 =	rddreg [dreg:$0x1];
	p0 =	sne.s32 s2, $0x0  }
0x299: {  	s3 =	rddreg [dreg:$0x2];
	[bflag:$0x3] =	sbarrier.arrive $0xFFFF;
	s2 =	simm.s32 @!p0 $0x1C01  }
0x29a: {  	[timem:s3], [sflag:s2] =	dma.local @!p0 [hbm:s0], s1  }
0x29b: {  	s0 =	simm.s32 @!p0 $0x1  }
0x29c: {  	_ =	swait.ge @!p0 [sflag:s0], s1  }
0x29d: {  	s1 =	ssub.s32 @!p0 $0x0, s1;
	[sflag:s0] =	ssyncset.done @!p0 $0x0  }
0x29e: {  	[sflag:s0] =	ssyncadd.s32 @!p0 s1  }
0x29f: {  	[bflag:$0x3] =	sbarrier.arrive $0xFFFF  }
0x2a0: {  	_ =	shalt  }

// kernel: scatter_offload_async_start
scs
__scs_entry_jumppad:
0x0: {  	(pc) =	sbr.rel $0x88, $3  }
0x1: {  	(tag) =	ssettag $0x0;
	lr =	simm.s32 $0x1  }
0x2: {  	[smem:$0x3F88] =	sst lr;
	_ =	strace $0xD0000000  }
0x3: {  	_ = 	snop  }
0x4: {  	_ = 	snop  }
0x5: {  	_ = 	snop  }
0x6: {  	_ = 	snop  }
0x7: {  	_ = 	snop  }
__scs_overlays_trampoline_lowered:
0x8: {  	[smem:$0x3F97] =	sst s0  }
0x9: {  	[smem:$0x3F98] =	sst s1  }
0xa: {  	[smem:$0x3F99] =	sst s2  }
0xb: {  	[smem:$0x3F9A] =	sst s3  }
0xc: {  	[smem:$0x3F9B] =	sst s4  }
0xd: {  	[smem:$0x3F9C] =	sst s5  }
0xe: {  	[smem:$0x3F9D] =	sst s6  }
0xf: {  	[smem:$0x3F9E] =	sst s7  }
0x10: {  	[smem:$0x3F9F] =	sst s8  }
0x11: {  	[smem:$0x3FA0] =	sst s9;
	s0 =	simm.s32 @!p0 $0x0  }
0x12: {  	s1 =	sld [smem:$0x3F86];
	s0 =	simm.s32 @p0 $0x1  }
0x13: {  	[smem:$0x3FA1] =	sst s0;
	s0 =	simm.s32 @!p1 $0x0  }
0x14: {  	s2 =	sld [smem:$0x3F85];
	s0 =	simm.s32 @p1 $0x1  }
0x15: {  	[smem:$0x3FA2] =	sst s0;
	s0 =	simm.s32 @!p2 $0x0  }
0x16: {  	s3 =	sld [smem:$0x3FDB];
	s0 =	simm.s32 @p2 $0x1  }
0x17: {  	s4 =	simm.s32 $0x1BF5;
	[smem:$0x3FA4] =	sst s0  }
0x18: {  	s0 =	sld [smem:$0x3F87];
	_ =	swait.ge [sflag:s4], $0x0  }
0x19: {  	s7 =	sld [smem:$0x3F88]  }
0x1a: {  	s8 =	sadd.s32 $0xFFFFE003, lr  }
0x1b: {  	s9 =	sadd.s32 $0xFFFFFEF7, lr;
	s5 =	simm.s32 $0xFFFFFFFF;
	p2 =	slt.u32 s8, $0xFFFFF086  }
0x1c: {  	p1 =	slt.u32 s9, $0xF7A;
	s5 =	simm.s32 @!p2 $0x0  }
0x1d: {  	s5 =	simm.s32 @p1 $0x1;
	p0 =	seq.s32 s7, s2  }
0x1e: {  	s7 =	smul.u32 @!p0 $0xF7A, s2;
	p2 =	seq.s32 @!p0 s5, $0x0  }
0x1f: {  	s9 =	smul.u32 $0xF7A, s1;
	s8 =	simm.s32 @!p0 $0x1BF5;
	p2 =	por !p2, p0  }
0x20: {  	[sflag:s8] =	ssyncset.s32 @!p0 $0xFFFFF086;
	s6 =	sadd.s32 @!p0 s3, s7;
	s7 =	simm.s32 @!p0 $0x108  }
0x21: {  	s3 =	sadd.s32 s3, s9;
	s6 =	sadd.s32 @!p0 $0x88, s6;
	s7 =	simm.s32 @p2 $0x1082  }
0x22: {  	[simem:s7], [sflag:s8] =	dma.local @!p0 [hbm:s6], $0xF7A  }
0x23: {  	s9 =	sor.u32 $0xD0000000, s2;
	s6 =	simm.s32 $0x108;
	_ =	swait.ge @!p0 [sflag:s8], $0x0  }
0x24: {  	s3 =	sadd.s32 $0x88, s3;
	s6 =	simm.s32 @!p1 $0x1082;
	[sflag:s4] =	ssyncset.s32 $0xFFFFF086  }
0x25: {  	[simem:s6], [sflag:s4] =	dma.local [hbm:s3], $0xF7A  }
0x26: {  	[smem:$0x3F88] =	sst s1;
	(tag) =	ssettag s2;
	_ =	strace s9  }
0x27: {  	s1 =	sld [smem:$0x3F98]  }
0x28: {  	s2 =	sld [smem:$0x3F99]  }
0x29: {  	s4 =	sld [smem:$0x3F9B]  }
0x2a: {  	p0 =	seq.s32 s5, $0x0;
	s5 =	sld [smem:$0x3F9C]  }
0x2b: {  	s6 =	sld [smem:$0x3F9D]  }
0x2c: {  	s7 =	sld [smem:$0x3F9E]  }
0x2d: {  	s3 =	simm.s32 $0x108;
	s8 =	sld [smem:$0x3F9F]  }
0x2e: {  	s3 =	simm.s32 @!p0 $0x1082;
	s9 =	sld [smem:$0x3FA0]  }
0x2f: {  	lr =	sadd.s32 s0, s3;
	s0 =	sld [smem:$0x3F97]  }
0x30: {  	s3 =	sld [smem:$0x3F9A]  }
0x31: {  	[smem:$0x3FA3] =	sst s10  }
0x32: {  	s10 =	sld [smem:$0x3FA1];
	_ =	sdelay $0x3  }
0x33: {  	p0 =	seq.s32 s10, $0x1;
	s10 =	sld [smem:$0x3FA3];
	_ =	sdelay $0x3  }
0x34: {  	[smem:$0x3FA3] =	sst s10  }
0x35: {  	s10 =	sld [smem:$0x3FA2];
	_ =	sdelay $0x3  }
0x36: {  	p1 =	seq.s32 s10, $0x1;
	s10 =	sld [smem:$0x3FA3];
	_ =	sdelay $0x3  }
0x37: {  	[smem:$0x3FA3] =	sst s10  }
0x38: {  	s10 =	sld [smem:$0x3FA4]  }
0x39: {  	_ = 	snop;
	(pc) =	sbr.ind lr, $3  }
0x3a: {  	_ = 	snop  }
0x3b: {  	_ = 	snop  }
0x3c: {  	p2 =	seq.s32 s10, $0x1;
	s10 =	sld [smem:$0x3FA3]  }
0x3d: {  	_ =	shalt  }
0x3e: {  	_ =	shalt  }
0x3f: {  	_ =	shalt  }
0x40: {  	_ =	shalt  }
0x41: {  	_ =	shalt  }
0x42: {  	_ =	shalt  }
0x43: {  	_ =	shalt  }
0x44: {  	_ =	shalt  }
0x45: {  	_ =	shalt  }
0x46: {  	_ =	shalt  }
0x47: {  	_ =	shalt  }
0x48: {  	_ =	shalt  }
0x49: {  	_ =	shalt  }
0x4a: {  	_ =	shalt  }
0x4b: {  	_ =	shalt  }
0x4c: {  	_ =	shalt  }
0x4d: {  	_ =	shalt  }
0x4e: {  	_ =	shalt  }
0x4f: {  	_ =	shalt  }
0x50: {  	_ =	shalt  }
0x51: {  	_ =	shalt  }
0x52: {  	_ =	shalt  }
0x53: {  	_ =	shalt  }
0x54: {  	_ =	shalt  }
0x55: {  	_ =	shalt  }
0x56: {  	_ =	shalt  }
0x57: {  	_ =	shalt  }
0x58: {  	_ =	shalt  }
0x59: {  	_ =	shalt  }
0x5a: {  	_ =	shalt  }
0x5b: {  	_ =	shalt  }
0x5c: {  	_ =	shalt  }
0x5d: {  	_ =	shalt  }
0x5e: {  	_ =	shalt  }
0x5f: {  	_ =	shalt  }
0x60: {  	_ =	shalt  }
0x61: {  	_ =	shalt  }
0x62: {  	_ =	shalt  }
0x63: {  	_ =	shalt  }
0x64: {  	_ =	shalt  }
0x65: {  	_ =	shalt  }
0x66: {  	_ =	shalt  }
0x67: {  	_ =	shalt  }
0x68: {  	_ =	shalt  }
0x69: {  	_ =	shalt  }
0x6a: {  	_ =	shalt  }
0x6b: {  	_ =	shalt  }
0x6c: {  	_ =	shalt  }
0x6d: {  	_ =	shalt  }
0x6e: {  	_ =	shalt  }
0x6f: {  	_ =	shalt  }
0x70: {  	_ =	shalt  }
0x71: {  	_ =	shalt  }
0x72: {  	_ =	shalt  }
0x73: {  	_ =	shalt  }
0x74: {  	_ =	shalt  }
0x75: {  	_ =	shalt  }
0x76: {  	_ =	shalt  }
0x77: {  	_ =	shalt  }
0x78: {  	_ =	shalt  }
0x79: {  	_ =	shalt  }
0x7a: {  	_ =	shalt  }
0x7b: {  	_ =	shalt  }
0x7c: {  	_ =	shalt  }
0x7d: {  	_ =	shalt  }
0x7e: {  	_ =	shalt  }
0x7f: {  	_ =	shalt  }
0x80: {  	_ =	shalt  }
0x81: {  	_ =	shalt  }
0x82: {  	_ =	shalt  }
0x83: {  	_ =	shalt  }
0x84: {  	_ =	shalt  }
0x85: {  	_ =	shalt  }
0x86: {  	_ =	shalt  }
0x87: {  	_ =	shalt  }
.Lfunc_end0:
.L_simem_size_0:
called_computation_lowered:
.L_overlay_start_0:
0x88: {  	s2 =	sld [smem:$0x3FD9]  }
0x89: {  	s3 =	sld [smem:$0x3FFE];
	_ =	sdelay $0x1  }
0x8a: {  	s1 =	srdreg.scid  }
0x8b: {  	s0 =	sand.u32 $0x1, s1  }
0x8c: {  	s16 =	sshll.u32 s0, $0xA;
	s2 =	sadd.s32 s3, s2  }
0x8d: {  	s2 =	sadd.s32 s2, s16  }
0x8e: {  	[smem:$0x3FAF] =	sst s2  }
0x8f: {  	_ = 	snop  }
0x90: {  	s2 =	sld [smem:$0x3FD0];
	(tm) =	ssettm $0x1  }
0x91: {  	s17 =	sld [smem:$0x3FFB];
	_ =	sdelay $0x3  }
0x92: {  	_ =	strace s17  }
0x93: {  	s3 =	sld [smem:$0x3FFC];
	_ =	sdelay $0x3  }
0x94: {  	_ =	strace s3  }
0x95: {  	s3 =	sld [smem:$0x3FFD];
	_ =	sdelay $0x3  }
0x96: {  	_ =	strace s3  }
0x97: {  	_ =	strace $0x8FFFFFFF  }
0x98: {  	s18 =	sld [smem:$0x3FDB];
	_ =	sdelay $0x1  }
0x99: {  	s4 =	simm.s32 $_scs_section_size  }
0x9a: {  	s5 =	simm.s32 $_size__tile_overlayer_lowered;
	s6 =	simm.s32 $_tile_overlayer_lowered  }
0x9b: {  	s21 =	simm.s32 $0x1BFF;
	s20 =	sshll.u32 s6, $0x1;
	s3 =	sadd.s32 s4, s18  }
0x9c: {  	s7 =	simm.s32 $0x0;
	s19 =	sshll.u32 s5, $0x1;
	s5 =	sadd.s32 s20, s3  }
0x9d: {  	[timem:s7], [sflag:s21] =	dma.local [hbm:s5], s19  }
0x9e: {  	_ =	swait.ge [sflag:s21], s19  }
0x9f: {  	s4 =	ssub.s32 $0x0, s19;
	[sflag:s21] =	ssyncset.done $0x0  }
0xa0: {  	[sflag:s21] =	ssyncadd.s32 s4;
	_ =	sdelay $0x1  }
0xa1: {  	s22 =	simm.s32 $0x1B8B  }
0xa2: {  	_ =	swait.ge [sflag:s22], $0x1  }
0xa3: {  	[sflag:s22] =	ssyncset.done $0x0  }
0xa4: {  	s23 =	sld [smem:$0x3FFE];
	[sflag:s22] =	ssyncadd.s32 $0xFFFFFFFF  }
0xa5: {  	s25 =	simm.s32 $0x1B8E;
	s24 =	sld [smem:$0x0]  }
0xa6: {  	s26 =	simm.s32 $execute0_lowered;
	[smem:$0x3FD2] =	sst s25  }
0xa7: {  	s6 =	sshll.u32 s26, $0x1;
	_ =	strace $0x80000046;
	[dreg:$0x1] =	wrdreg $0xFFFFFFFF  }
0xa8: {  	s28 =	simm.s32 $_size_execute0_lowered;
	s3 =	sadd.s32 s3, s6;
	[dreg:$0x0] =	wrdreg $0x0  }
0xa9: {  	s6 =	sshll.u32 s28, $0x1;
	[dreg:$0x2] =	wrdreg s3  }
0xaa: {  	[dreg:$0x3] =	wrdreg s6  }
0xab: {  	[dreg:$0x4] =	wrdreg $0xC0  }
0xac: {  	_ =	task [dreg:s7], $0x5FFFF  }
0xad: {  	[dreg:$0x1] =	wrdreg $0xFFFFFFFF  }
0xae: {  	[dreg:$0x0] =	wrdreg $0x60  }
0xaf: {  	[dreg:$0x2] =	wrdreg s2  }
0xb0: {  	[dreg:$0x3] =	wrdreg s23  }
0xb1: {  	[dreg:$0x4] =	wrdreg s1  }
0xb2: {  	[dreg:$0x5] =	wrdreg s24  }
0xb3: {  	[dreg:$0x6] =	wrdreg $0x9  }
0xb4: {  	_ =	task.clear_ibuf [dreg:s7], $0x7FFFF;
	_ =	strace $0x90000046  }
0xb5: {  	s29 =	simm.s32 $0x9;
	_ =	strace $0x80000048  }
0xb6: {  	_ =	swait.ge [sflag:s29], $0x1  }
0xb7: {  	[sflag:s29] =	ssyncadd.s32 $0xFFFFFFFF  }
0xb8: {  	_ =	strace $0x90000048  }
0xb9: {  	_ =	sfence  }
0xba: {  	s30 =	sld [smem:$0x0];
	_ =	sdelay $0x2  }
0xbb: {  	s31 =	sshll.u32 s1, $0xD;
	s1 =	sshrl.u32 s1, $0x2  }
0xbc: {  	s3 =	sand.u32 $0x4000, s31;
	s1 =	sadd.s32 s1, s30  }
0xbd: {  	s0 =	sor.u32 s3, s0;
	s1 =	sshll.u32 s1, $0x11  }
0xbe: {  	s0 =	sor.u32 s1, s0  }
0xbf: {  	s0 =	sadd.s32 $0x8F2B, s0  }
0xc0: {  	[sflag:s0] =	ssyncadd.remote.s32 $0x1  }
0xc1: {  	_ =	sfence.sel $0xFFFF  }
0xc2: {  	[dreg:$0x0] =	wrdreg $0xFFFFFFFF;
	(pc) =	sbr.abs _section_cstart, $3  }
0xc3: {  	[dreg:$0x1] =	wrdreg $0xFFFFFFFF  }
0xc4: {  	_ =	task.clear_ibuf [dreg:s7], $0x2FFFF;
	_ =	strace $0x9FFFFFFF  }
0xc5: {  	(tm) =	ssettm $0x7FFFFFFF  }
tec
execute0_lowered:
.L_overlay_start_1:
0x0: {  	(tag) =	ssettag $0x1  }
0x1: {  	s1 =	rddreg [dreg:$0x0]  }
0x2: {  	s11 =	rddreg [dreg:$0x1]  }
0x3: {  	s3 =	rddreg [dreg:$0x2];
	_ =	strace $0x80000047;
	s12 =	simm.s32 $0x1  }
0x4: {  	v0 =	vimm.s32 $0x0;
	[sflag:s12] =	ssyncpa.u1 $0x0  }
0x5: {  	[tilespmem:$0x28] =	vst v0  }
0x6: {  	[tilespmem:$0x38] =	vst v0  }
0x7: {  	[tilespmem:$0x48] =	vst v0  }
0x8: {  	[tilespmem:$0x58] =	vst v0  }
0x9: {  	[tilespmem:$0x68] =	vst v0  }
0xa: {  	[tilespmem:$0x78] =	vst v0  }
0xb: {  	[tilespmem:$0x88] =	vst v0  }
0xc: {  	[tilespmem:$0x98] =	vst v0  }
0xd: {  	[tilespmem:$0xA8] =	vst v0  }
0xe: {  	[tilespmem:$0xB8] =	vst v0  }
0xf: {  	[tilespmem:$0xC8] =	vst v0  }
0x10: {  	[tilespmem:$0xD8] =	vst v0  }
0x11: {  	[tilespmem:$0xE8] =	vst v0  }
0x12: {  	[tilespmem:$0xF8] =	vst v0  }
0x13: {  	[tilespmem:$0x108] =	vst v0  }
0x14: {  	[tilespmem:$0x118] =	vst v0  }
0x15: {  	[tilespmem:$0x128] =	vst v0  }
0x16: {  	[tilespmem:$0x138] =	vst v0  }
0x17: {  	[tilespmem:$0x148] =	vst v0  }
0x18: {  	[tilespmem:$0x158] =	vst v0  }
0x19: {  	[tilespmem:$0x168] =	vst v0  }
0x1a: {  	[tilespmem:$0x178] =	vst v0  }
0x1b: {  	[tilespmem:$0x188] =	vst v0  }
0x1c: {  	[tilespmem:$0x198] =	vst v0  }
0x1d: {  	[tilespmem:$0x1A8] =	vst v0  }
0x1e: {  	[tilespmem:$0x1B8] =	vst v0  }
0x1f: {  	[tilespmem:$0x1C8] =	vst v0  }
0x20: {  	[tilespmem:$0x1D8] =	vst v0  }
0x21: {  	[tilespmem:$0x1E8] =	vst v0  }
0x22: {  	[tilespmem:$0x1F8] =	vst v0  }
0x23: {  	[tilespmem:$0x208] =	vst v0  }
0x24: {  	[tilespmem:$0x218] =	vst v0  }
0x25: {  	[tilespmem:$0x228] =	vst v0  }
0x26: {  	[tilespmem:$0x238] =	vst v0  }
0x27: {  	[tilespmem:$0x248] =	vst v0  }
0x28: {  	[tilespmem:$0x258] =	vst v0  }
0x29: {  	[tilespmem:$0x268] =	vst v0  }
0x2a: {  	[tilespmem:$0x278] =	vst v0  }
0x2b: {  	[tilespmem:$0x288] =	vst v0  }
0x2c: {  	[tilespmem:$0x298] =	vst v0  }
0x2d: {  	[tilespmem:$0x2A8] =	vst v0  }
0x2e: {  	[tilespmem:$0x2B8] =	vst v0  }
0x2f: {  	[tilespmem:$0x2C8] =	vst v0  }
0x30: {  	[tilespmem:$0x2D8] =	vst v0  }
0x31: {  	[tilespmem:$0x2E8] =	vst v0  }
0x32: {  	[tilespmem:$0x2F8] =	vst v0  }
0x33: {  	[tilespmem:$0x308] =	vst v0  }
0x34: {  	[tilespmem:$0x318] =	vst v0  }
0x35: {  	[tilespmem:$0x328] =	vst v0  }
0x36: {  	[tilespmem:$0x338] =	vst v0  }
0x37: {  	[tilespmem:$0x348] =	vst v0  }
0x38: {  	[tilespmem:$0x358] =	vst v0  }
0x39: {  	[tilespmem:$0x368] =	vst v0  }
0x3a: {  	[tilespmem:$0x378] =	vst v0  }
0x3b: {  	[tilespmem:$0x388] =	vst v0  }
0x3c: {  	[tilespmem:$0x398] =	vst v0  }
0x3d: {  	[tilespmem:$0x3A8] =	vst v0  }
0x3e: {  	[tilespmem:$0x3B8] =	vst v0  }
0x3f: {  	[tilespmem:$0x3C8] =	vst v0  }
0x40: {  	[tilespmem:$0x3D8] =	vst v0  }
0x41: {  	[tilespmem:$0x3E8] =	vst v0  }
0x42: {  	[tilespmem:$0x3F8] =	vst v0  }
0x43: {  	[tilespmem:$0x408] =	vst v0  }
0x44: {  	[tilespmem:$0x418] =	vst v0  }
0x45: {  	[tilespmem:$0x428] =	vst v0  }
0x46: {  	[tilespmem:$0x438] =	vst v0  }
0x47: {  	[tilespmem:$0x448] =	vst v0  }
0x48: {  	[tilespmem:$0x458] =	vst v0  }
0x49: {  	[tilespmem:$0x468] =	vst v0  }
0x4a: {  	[tilespmem:$0x478] =	vst v0  }
0x4b: {  	[tilespmem:$0x488] =	vst v0  }
0x4c: {  	[tilespmem:$0x498] =	vst v0  }
0x4d: {  	[tilespmem:$0x4A8] =	vst v0  }
0x4e: {  	[tilespmem:$0x4B8] =	vst v0  }
0x4f: {  	[tilespmem:$0x4C8] =	vst v0  }
0x50: {  	[tilespmem:$0x4D8] =	vst v0  }
0x51: {  	[tilespmem:$0x4E8] =	vst v0  }
0x52: {  	[tilespmem:$0x4F8] =	vst v0  }
0x53: {  	[tilespmem:$0x508] =	vst v0  }
0x54: {  	[tilespmem:$0x518] =	vst v0  }
0x55: {  	[tilespmem:$0x528] =	vst v0  }
0x56: {  	[tilespmem:$0x538] =	vst v0  }
0x57: {  	[tilespmem:$0x548] =	vst v0  }
0x58: {  	[tilespmem:$0x558] =	vst v0  }
0x59: {  	[tilespmem:$0x568] =	vst v0  }
0x5a: {  	[tilespmem:$0x578] =	vst v0  }
0x5b: {  	[tilespmem:$0x588] =	vst v0  }
0x5c: {  	[tilespmem:$0x598] =	vst v0  }
0x5d: {  	[tilespmem:$0x5A8] =	vst v0  }
0x5e: {  	[tilespmem:$0x5B8] =	vst v0  }
0x5f: {  	[tilespmem:$0x5C8] =	vst v0  }
0x60: {  	[tilespmem:$0x5D8] =	vst v0  }
0x61: {  	[tilespmem:$0x5E8] =	vst v0  }
0x62: {  	[tilespmem:$0x5F8] =	vst v0  }
0x63: {  	[tilespmem:$0x608] =	vst v0  }
0x64: {  	[tilespmem:$0x618] =	vst v0  }
0x65: {  	[tilespmem:$0x628] =	vst v0  }
0x66: {  	[tilespmem:$0x638] =	vst v0  }
0x67: {  	[tilespmem:$0x648] =	vst v0  }
0x68: {  	[tilespmem:$0x658] =	vst v0  }
0x69: {  	[tilespmem:$0x668] =	vst v0  }
0x6a: {  	[tilespmem:$0x678] =	vst v0  }
0x6b: {  	[tilespmem:$0x688] =	vst v0  }
0x6c: {  	[tilespmem:$0x698] =	vst v0  }
0x6d: {  	[tilespmem:$0x6A8] =	vst v0  }
0x6e: {  	[tilespmem:$0x6B8] =	vst v0  }
0x6f: {  	[tilespmem:$0x6C8] =	vst v0  }
0x70: {  	[tilespmem:$0x6D8] =	vst v0  }
0x71: {  	[tilespmem:$0x6E8] =	vst v0  }
0x72: {  	[tilespmem:$0x6F8] =	vst v0  }
0x73: {  	[tilespmem:$0x708] =	vst v0  }
0x74: {  	[tilespmem:$0x718] =	vst v0  }
0x75: {  	[tilespmem:$0x728] =	vst v0  }
0x76: {  	[tilespmem:$0x738] =	vst v0  }
0x77: {  	[tilespmem:$0x748] =	vst v0  }
0x78: {  	[tilespmem:$0x758] =	vst v0  }
0x79: {  	[tilespmem:$0x768] =	vst v0  }
0x7a: {  	[tilespmem:$0x778] =	vst v0  }
0x7b: {  	[tilespmem:$0x788] =	vst v0  }
0x7c: {  	[tilespmem:$0x798] =	vst v0  }
0x7d: {  	[tilespmem:$0x7A8] =	vst v0  }
0x7e: {  	[tilespmem:$0x7B8] =	vst v0  }
0x7f: {  	[tilespmem:$0x7C8] =	vst v0  }
0x80: {  	[tilespmem:$0x7D8] =	vst v0  }
0x81: {  	[tilespmem:$0x7E8] =	vst v0  }
0x82: {  	[tilespmem:$0x7F8] =	vst v0  }
0x83: {  	[tilespmem:$0x808] =	vst v0  }
0x84: {  	[tilespmem:$0x818] =	vst v0  }
0x85: {  	[tilespmem:$0x828] =	vst v0  }
0x86: {  	[tilespmem:$0x838] =	vst v0  }
0x87: {  	[tilespmem:$0x848] =	vst v0  }
0x88: {  	[tilespmem:$0x858] =	vst v0  }
0x89: {  	[tilespmem:$0x868] =	vst v0  }
0x8a: {  	[tilespmem:$0x878] =	vst v0  }
0x8b: {  	[tilespmem:$0x888] =	vst v0  }
0x8c: {  	[tilespmem:$0x898] =	vst v0  }
0x8d: {  	[tilespmem:$0x8A8] =	vst v0  }
0x8e: {  	[tilespmem:$0x8B8] =	vst v0  }
0x8f: {  	[tilespmem:$0x8C8] =	vst v0  }
0x90: {  	[tilespmem:$0x8D8] =	vst v0  }
0x91: {  	[tilespmem:$0x8E8] =	vst v0  }
0x92: {  	[tilespmem:$0x8F8] =	vst v0  }
0x93: {  	[tilespmem:$0x908] =	vst v0  }
0x94: {  	[tilespmem:$0x918] =	vst v0  }
0x95: {  	[tilespmem:$0x928] =	vst v0  }
0x96: {  	[tilespmem:$0x938] =	vst v0  }
0x97: {  	[tilespmem:$0x948] =	vst v0  }
0x98: {  	[tilespmem:$0x958] =	vst v0  }
0x99: {  	[tilespmem:$0x968] =	vst v0  }
0x9a: {  	[tilespmem:$0x978] =	vst v0  }
0x9b: {  	[tilespmem:$0x988] =	vst v0  }
0x9c: {  	[tilespmem:$0x998] =	vst v0  }
0x9d: {  	[tilespmem:$0x9A8] =	vst v0  }
0x9e: {  	[tilespmem:$0x9B8] =	vst v0  }
0x9f: {  	[tilespmem:$0x9C8] =	vst v0  }
0xa0: {  	[tilespmem:$0x9D8] =	vst v0  }
0xa1: {  	[tilespmem:$0x9E8] =	vst v0  }
0xa2: {  	[tilespmem:$0x9F8] =	vst v0  }
0xa3: {  	[tilespmem:$0xA08] =	vst v0  }
0xa4: {  	[tilespmem:$0xA18] =	vst v0  }
0xa5: {  	[tilespmem:$0xA28] =	vst v0  }
0xa6: {  	[tilespmem:$0xA38] =	vst v0  }
0xa7: {  	[tilespmem:$0xA48] =	vst v0  }
0xa8: {  	[tilespmem:$0xA58] =	vst v0  }
0xa9: {  	[tilespmem:$0xA68] =	vst v0  }
0xaa: {  	[tilespmem:$0xA78] =	vst v0  }
0xab: {  	[tilespmem:$0xA88] =	vst v0  }
0xac: {  	[tilespmem:$0xA98] =	vst v0  }
0xad: {  	[tilespmem:$0xAA8] =	vst v0  }
0xae: {  	[tilespmem:$0xAB8] =	vst v0  }
0xaf: {  	[tilespmem:$0xAC8] =	vst v0  }
0xb0: {  	[tilespmem:$0xAD8] =	vst v0  }
0xb1: {  	[tilespmem:$0xAE8] =	vst v0  }
0xb2: {  	[tilespmem:$0xAF8] =	vst v0  }
0xb3: {  	[tilespmem:$0xB08] =	vst v0  }
0xb4: {  	[tilespmem:$0xB18] =	vst v0  }
0xb5: {  	[tilespmem:$0xB28] =	vst v0  }
0xb6: {  	[tilespmem:$0xB38] =	vst v0  }
0xb7: {  	[tilespmem:$0xB48] =	vst v0  }
0xb8: {  	[tilespmem:$0xB58] =	vst v0  }
0xb9: {  	[tilespmem:$0xB68] =	vst v0  }
0xba: {  	[tilespmem:$0xB78] =	vst v0  }
0xbb: {  	[tilespmem:$0xB88] =	vst v0  }
0xbc: {  	[tilespmem:$0xB98] =	vst v0  }
0xbd: {  	[tilespmem:$0xBA8] =	vst v0  }
0xbe: {  	[tilespmem:$0xBB8] =	vst v0  }
0xbf: {  	[tilespmem:$0xBC8] =	vst v0  }
0xc0: {  	[tilespmem:$0xBD8] =	vst v0  }
0xc1: {  	[tilespmem:$0xBE8] =	vst v0  }
0xc2: {  	[tilespmem:$0xBF8] =	vst v0  }
0xc3: {  	[tilespmem:$0xC08] =	vst v0  }
0xc4: {  	[tilespmem:$0xC18] =	vst v0  }
0xc5: {  	[tilespmem:$0xC28] =	vst v0  }
0xc6: {  	[tilespmem:$0xC38] =	vst v0  }
0xc7: {  	[tilespmem:$0xC48] =	vst v0  }
0xc8: {  	[tilespmem:$0xC58] =	vst v0  }
0xc9: {  	[tilespmem:$0xC68] =	vst v0  }
0xca: {  	[tilespmem:$0xC78] =	vst v0  }
0xcb: {  	[tilespmem:$0xC88] =	vst v0  }
0xcc: {  	[tilespmem:$0xC98] =	vst v0  }
0xcd: {  	[tilespmem:$0xCA8] =	vst v0  }
0xce: {  	[tilespmem:$0xCB8] =	vst v0  }
0xcf: {  	[tilespmem:$0xCC8] =	vst v0  }
0xd0: {  	[tilespmem:$0xCD8] =	vst v0  }
0xd1: {  	[tilespmem:$0xCE8] =	vst v0  }
0xd2: {  	[tilespmem:$0xCF8] =	vst v0  }
0xd3: {  	[tilespmem:$0xD08] =	vst v0  }
0xd4: {  	[tilespmem:$0xD18] =	vst v0  }
0xd5: {  	[tilespmem:$0xD28] =	vst v0  }
0xd6: {  	[tilespmem:$0xD38] =	vst v0  }
0xd7: {  	[tilespmem:$0xD48] =	vst v0  }
0xd8: {  	[tilespmem:$0xD58] =	vst v0  }
0xd9: {  	[tilespmem:$0xD68] =	vst v0  }
0xda: {  	[tilespmem:$0xD78] =	vst v0  }
0xdb: {  	[tilespmem:$0xD88] =	vst v0  }
0xdc: {  	[tilespmem:$0xD98] =	vst v0  }
0xdd: {  	[tilespmem:$0xDA8] =	vst v0  }
0xde: {  	[tilespmem:$0xDB8] =	vst v0  }
0xdf: {  	[tilespmem:$0xDC8] =	vst v0  }
0xe0: {  	[tilespmem:$0xDD8] =	vst v0  }
0xe1: {  	[tilespmem:$0xDE8] =	vst v0  }
0xe2: {  	[tilespmem:$0xDF8] =	vst v0  }
0xe3: {  	[tilespmem:$0xE08] =	vst v0  }
0xe4: {  	[tilespmem:$0xE18] =	vst v0  }
0xe5: {  	[tilespmem:$0xE28] =	vst v0  }
0xe6: {  	[tilespmem:$0xE38] =	vst v0  }
0xe7: {  	[tilespmem:$0xE48] =	vst v0  }
0xe8: {  	[tilespmem:$0xE58] =	vst v0  }
0xe9: {  	[tilespmem:$0xE68] =	vst v0  }
0xea: {  	[tilespmem:$0xE78] =	vst v0  }
0xeb: {  	[tilespmem:$0xE88] =	vst v0  }
0xec: {  	[tilespmem:$0xE98] =	vst v0  }
0xed: {  	[tilespmem:$0xEA8] =	vst v0  }
0xee: {  	[tilespmem:$0xEB8] =	vst v0  }
0xef: {  	[tilespmem:$0xEC8] =	vst v0  }
0xf0: {  	[tilespmem:$0xED8] =	vst v0  }
0xf1: {  	[tilespmem:$0xEE8] =	vst v0  }
0xf2: {  	[tilespmem:$0xEF8] =	vst v0  }
0xf3: {  	[tilespmem:$0xF08] =	vst v0  }
0xf4: {  	[tilespmem:$0xF18] =	vst v0  }
0xf5: {  	[tilespmem:$0xF28] =	vst v0  }
0xf6: {  	[tilespmem:$0xF38] =	vst v0  }
0xf7: {  	[tilespmem:$0xF48] =	vst v0  }
0xf8: {  	[tilespmem:$0xF58] =	vst v0  }
0xf9: {  	[tilespmem:$0xF68] =	vst v0  }
0xfa: {  	[tilespmem:$0xF78] =	vst v0  }
0xfb: {  	[tilespmem:$0xF88] =	vst v0  }
0xfc: {  	[tilespmem:$0xF98] =	vst v0  }
0xfd: {  	[tilespmem:$0xFA8] =	vst v0  }
0xfe: {  	[tilespmem:$0xFB8] =	vst v0  }
0xff: {  	[tilespmem:$0xFC8] =	vst v0  }
0x100: {  	[tilespmem:$0xFD8] =	vst v0  }
0x101: {  	[tilespmem:$0xFE8] =	vst v0  }
0x102: {  	[tilespmem:$0xFF8] =	vst v0  }
0x103: {  	[tilespmem:$0x1028] =	vst v0  }
0x104: {  	[tilespmem:$0x10E8] =	vst v0  }
0x105: {  	[tilespmem:$0x1048] =	vst v0  }
0x106: {  	[tilespmem:$0x1068] =	vst v0  }
0x107: {  	[tilespmem:$0x1B28] =	vst v0  }
0x108: {  	[tilespmem:$0x1B18] =	vst v0  }
0x109: {  	[tilespmem:$0x1B08] =	vst v0  }
0x10a: {  	[tilespmem:$0x1AF8] =	vst v0  }
0x10b: {  	[tilespmem:$0x1AE8] =	vst v0  }
0x10c: {  	[tilespmem:$0x1AD8] =	vst v0  }
0x10d: {  	[tilespmem:$0x1AC8] =	vst v0  }
0x10e: {  	[tilespmem:$0x1AB8] =	vst v0  }
0x10f: {  	[tilespmem:$0x1AA8] =	vst v0  }
0x110: {  	[tilespmem:$0x1A98] =	vst v0  }
0x111: {  	[tilespmem:$0x1A88] =	vst v0  }
0x112: {  	[tilespmem:$0x1A78] =	vst v0  }
0x113: {  	[tilespmem:$0x1A68] =	vst v0  }
0x114: {  	[tilespmem:$0x1A58] =	vst v0  }
0x115: {  	[tilespmem:$0x1A48] =	vst v0  }
0x116: {  	[tilespmem:$0x1A38] =	vst v0  }
0x117: {  	[tilespmem:$0x1A28] =	vst v0  }
0x118: {  	[tilespmem:$0x1A18] =	vst v0  }
0x119: {  	[tilespmem:$0x1A08] =	vst v0  }
0x11a: {  	[tilespmem:$0x19F8] =	vst v0  }
0x11b: {  	[tilespmem:$0x19E8] =	vst v0  }
0x11c: {  	[tilespmem:$0x19D8] =	vst v0  }
0x11d: {  	[tilespmem:$0x19C8] =	vst v0  }
0x11e: {  	[tilespmem:$0x19B8] =	vst v0  }
0x11f: {  	[tilespmem:$0x19A8] =	vst v0  }
0x120: {  	[tilespmem:$0x1998] =	vst v0  }
0x121: {  	[tilespmem:$0x1988] =	vst v0  }
0x122: {  	[tilespmem:$0x1978] =	vst v0  }
0x123: {  	[tilespmem:$0x1968] =	vst v0  }
0x124: {  	[tilespmem:$0x1958] =	vst v0  }
0x125: {  	[tilespmem:$0x1948] =	vst v0  }
0x126: {  	[tilespmem:$0x1938] =	vst v0  }
0x127: {  	[tilespmem:$0x1928] =	vst v0  }
0x128: {  	[tilespmem:$0x1918] =	vst v0  }
0x129: {  	[tilespmem:$0x1908] =	vst v0  }
0x12a: {  	[tilespmem:$0x18F8] =	vst v0  }
0x12b: {  	[tilespmem:$0x18E8] =	vst v0  }
0x12c: {  	[tilespmem:$0x18D8] =	vst v0  }
0x12d: {  	[tilespmem:$0x18C8] =	vst v0  }
0x12e: {  	[tilespmem:$0x18B8] =	vst v0  }
0x12f: {  	[tilespmem:$0x18A8] =	vst v0  }
0x130: {  	[tilespmem:$0x1898] =	vst v0  }
0x131: {  	[tilespmem:$0x1888] =	vst v0  }
0x132: {  	[tilespmem:$0x1878] =	vst v0  }
0x133: {  	[tilespmem:$0x1868] =	vst v0  }
0x134: {  	[tilespmem:$0x1858] =	vst v0  }
0x135: {  	[tilespmem:$0x1848] =	vst v0  }
0x136: {  	[tilespmem:$0x1838] =	vst v0  }
0x137: {  	[tilespmem:$0x1828] =	vst v0  }
0x138: {  	[tilespmem:$0x1818] =	vst v0  }
0x139: {  	[tilespmem:$0x1808] =	vst v0  }
0x13a: {  	[tilespmem:$0x17F8] =	vst v0  }
0x13b: {  	[tilespmem:$0x17E8] =	vst v0  }
0x13c: {  	[tilespmem:$0x17D8] =	vst v0  }
0x13d: {  	[tilespmem:$0x17C8] =	vst v0  }
0x13e: {  	[tilespmem:$0x17B8] =	vst v0  }
0x13f: {  	[tilespmem:$0x17A8] =	vst v0  }
0x140: {  	[tilespmem:$0x1798] =	vst v0  }
0x141: {  	[tilespmem:$0x1788] =	vst v0  }
0x142: {  	[tilespmem:$0x1778] =	vst v0  }
0x143: {  	[tilespmem:$0x1768] =	vst v0  }
0x144: {  	[tilespmem:$0x1758] =	vst v0  }
0x145: {  	[tilespmem:$0x1748] =	vst v0  }
0x146: {  	[tilespmem:$0x1738] =	vst v0  }
0x147: {  	[tilespmem:$0x1728] =	vst v0  }
0x148: {  	[tilespmem:$0x1718] =	vst v0  }
0x149: {  	[tilespmem:$0x1708] =	vst v0  }
0x14a: {  	[tilespmem:$0x16F8] =	vst v0  }
0x14b: {  	[tilespmem:$0x16E8] =	vst v0  }
0x14c: {  	[tilespmem:$0x16D8] =	vst v0  }
0x14d: {  	[tilespmem:$0x16C8] =	vst v0  }
0x14e: {  	[tilespmem:$0x16B8] =	vst v0  }
0x14f: {  	[tilespmem:$0x16A8] =	vst v0  }
0x150: {  	[tilespmem:$0x1698] =	vst v0  }
0x151: {  	[tilespmem:$0x1688] =	vst v0  }
0x152: {  	[tilespmem:$0x1678] =	vst v0  }
0x153: {  	[tilespmem:$0x1668] =	vst v0  }
0x154: {  	[tilespmem:$0x1658] =	vst v0  }
0x155: {  	[tilespmem:$0x1648] =	vst v0  }
0x156: {  	[tilespmem:$0x1638] =	vst v0  }
0x157: {  	[tilespmem:$0x1628] =	vst v0  }
0x158: {  	[tilespmem:$0x1618] =	vst v0  }
0x159: {  	[tilespmem:$0x1608] =	vst v0  }
0x15a: {  	[tilespmem:$0x15F8] =	vst v0  }
0x15b: {  	[tilespmem:$0x15E8] =	vst v0  }
0x15c: {  	[tilespmem:$0x15D8] =	vst v0  }
0x15d: {  	[tilespmem:$0x15C8] =	vst v0  }
0x15e: {  	[tilespmem:$0x15B8] =	vst v0  }
0x15f: {  	[tilespmem:$0x15A8] =	vst v0  }
0x160: {  	[tilespmem:$0x1598] =	vst v0  }
0x161: {  	[tilespmem:$0x1588] =	vst v0  }
0x162: {  	[tilespmem:$0x1578] =	vst v0  }
0x163: {  	[tilespmem:$0x1568] =	vst v0  }
0x164: {  	[tilespmem:$0x1558] =	vst v0  }
0x165: {  	[tilespmem:$0x1548] =	vst v0  }
0x166: {  	[tilespmem:$0x1538] =	vst v0  }
0x167: {  	[tilespmem:$0x1528] =	vst v0  }
0x168: {  	[tilespmem:$0x1518] =	vst v0  }
0x169: {  	[tilespmem:$0x1508] =	vst v0  }
0x16a: {  	[tilespmem:$0x14F8] =	vst v0  }
0x16b: {  	[tilespmem:$0x14E8] =	vst v0  }
0x16c: {  	[tilespmem:$0x14D8] =	vst v0  }
0x16d: {  	[tilespmem:$0x14C8] =	vst v0  }
0x16e: {  	[tilespmem:$0x14B8] =	vst v0  }
0x16f: {  	[tilespmem:$0x14A8] =	vst v0  }
0x170: {  	[tilespmem:$0x1498] =	vst v0  }
0x171: {  	[tilespmem:$0x1488] =	vst v0  }
0x172: {  	[tilespmem:$0x1478] =	vst v0  }
0x173: {  	[tilespmem:$0x1468] =	vst v0  }
0x174: {  	[tilespmem:$0x1458] =	vst v0  }
0x175: {  	[tilespmem:$0x1448] =	vst v0  }
0x176: {  	[tilespmem:$0x1438] =	vst v0  }
0x177: {  	[tilespmem:$0x1428] =	vst v0  }
0x178: {  	[tilespmem:$0x1418] =	vst v0  }
0x179: {  	[tilespmem:$0x1408] =	vst v0  }
0x17a: {  	[tilespmem:$0x13F8] =	vst v0  }
0x17b: {  	[tilespmem:$0x13E8] =	vst v0  }
0x17c: {  	[tilespmem:$0x13D8] =	vst v0  }
0x17d: {  	[tilespmem:$0x13C8] =	vst v0  }
0x17e: {  	[tilespmem:$0x13B8] =	vst v0  }
0x17f: {  	[tilespmem:$0x13A8] =	vst v0  }
0x180: {  	[tilespmem:$0x1398] =	vst v0  }
0x181: {  	[tilespmem:$0x1388] =	vst v0  }
0x182: {  	[tilespmem:$0x1378] =	vst v0  }
0x183: {  	[tilespmem:$0x1368] =	vst v0  }
0x184: {  	[tilespmem:$0x1358] =	vst v0  }
0x185: {  	[tilespmem:$0x1348] =	vst v0  }
0x186: {  	[tilespmem:$0x1338] =	vst v0  }
0x187: {  	[tilespmem:$0x1328] =	vst v0  }
0x188: {  	[tilespmem:$0x1318] =	vst v0  }
0x189: {  	[tilespmem:$0x1308] =	vst v0  }
0x18a: {  	[tilespmem:$0x12F8] =	vst v0  }
0x18b: {  	[tilespmem:$0x12E8] =	vst v0  }
0x18c: {  	[tilespmem:$0x12D8] =	vst v0  }
0x18d: {  	[tilespmem:$0x12C8] =	vst v0  }
0x18e: {  	[tilespmem:$0x12B8] =	vst v0  }
0x18f: {  	[tilespmem:$0x12A8] =	vst v0  }
0x190: {  	[tilespmem:$0x1298] =	vst v0  }
0x191: {  	[tilespmem:$0x1288] =	vst v0  }
0x192: {  	[tilespmem:$0x1278] =	vst v0  }
0x193: {  	[tilespmem:$0x1268] =	vst v0  }
0x194: {  	[tilespmem:$0x1258] =	vst v0  }
0x195: {  	[tilespmem:$0x1248] =	vst v0  }
0x196: {  	[tilespmem:$0x1238] =	vst v0  }
0x197: {  	[tilespmem:$0x1228] =	vst v0  }
0x198: {  	[tilespmem:$0x1218] =	vst v0  }
0x199: {  	[tilespmem:$0x1208] =	vst v0  }
0x19a: {  	[tilespmem:$0x11F8] =	vst v0  }
0x19b: {  	[tilespmem:$0x11E8] =	vst v0  }
0x19c: {  	[tilespmem:$0x11D8] =	vst v0  }
0x19d: {  	[tilespmem:$0x11C8] =	vst v0  }
0x19e: {  	[tilespmem:$0x11B8] =	vst v0  }
0x19f: {  	[tilespmem:$0x11A8] =	vst v0  }
0x1a0: {  	[tilespmem:$0x1198] =	vst v0  }
0x1a1: {  	[tilespmem:$0x1188] =	vst v0  }
0x1a2: {  	[tilespmem:$0x1178] =	vst v0  }
0x1a3: {  	[tilespmem:$0x1168] =	vst v0  }
0x1a4: {  	[tilespmem:$0x1158] =	vst v0  }
0x1a5: {  	[tilespmem:$0x1148] =	vst v0  }
0x1a6: {  	[tilespmem:$0x1138] =	vst v0  }
0x1a7: {  	s4 =	stileid.u32;
	[tilespmem:$0x1128] =	vst v0  }
0x1a8: {  	s0 =	smul.u32 $0xB, s4;
	[tilespmem:$0x1118] =	vst v0  }
0x1a9: {  	s2 =	smin.u32 s4, $0xA;
	[tilespmem:$0x1108] =	vst v0  }
0x1aa: {  	[tilespmem:$0x10F8] =	vst v0;
	s0 =	sadd.s32 s2, s0  }
0x1ab: {  	p0 =	slt.u32 s4, $0xA;
	[tilespmem:$0x10C8] =	vst v0;
	s2 =	simm.s32 $0x1440;
	s6 =	smul.u32 $0x1B0, s0  }
0x1ac: {  	s2 =	simm.s32 @!p0 $0x1290;
	[tilespmem:$0x10D8] =	vst v0  }
0x1ad: {  	[tilespmem:$0x10B8] =	vst v0;
	s0 =	sadd.s32 s2, s6  }
0x1ae: {  	[tilespmem:$0x1038] =	vst v0;
	s7 =	smin.u32 s0, $0x13880  }
0x1af: {  	s5 =	simm.s32 $0x2;
	s8 =	simm.s32 $0x9;
	[tilespmem:$0x10A8] =	vst v0;
	s0 =	ssub.s32 s7, s6  }
0x1b0: {  	s10 =	simm.s32 $0xA;
	s30 =	simm.s32 $0xB;
	[tilespmem:$0x1098] =	vst v0;
	p0 =	sgt.s32 s0, $0x0  }
0x1b1: {  	s16 =	simm.s32 $0x0;
	p4 =	por $0x0, $0x0;
	[tilespmem:$0x1088] =	vst v0;
	s0 =	simm.s32 @!p0 $0x0  }
0x1b2: {  	s17 =	simm.s32 $0xC;
	s21 =	simm.s32 $0x0;
	[tilespmem:$0x1078] =	vst v0;
	s28 =	smulhi.u32 $0x4BDA12F7, s0  }
0x1b3: {  	s18 =	simm.s32 $0x0;
	s20 =	simm.s32 $0x0;
	s3 =	sand.u32 $0x1, s3;
	[tilespmem:$0x1058] =	vst v0  }
0x1b4: {  	[dreg:$0x6] =	wrdreg s3;
	s3 =	smul.u32 $0x2710, s3;
	[tilespmem:$0x1018] =	vst v0;
	s2 =	sshrl.u32 s28, $0x7  }
0x1b5: {  	s31 =	sshll.u32 s4, $0x5;
	[tilespmem:$0x1008] =	vst v0;
	[sflag:s5] =	ssyncpa.u1 $0x0;
	v0 =	vimm.s32 $0xFFFFFFFF;
	s29 =	smul.u32 $0x1B0, s2  }
.Ltmp0:
0x1b6: {  	[dreg:$0x5] =	wrdreg s31;
	[tilespmem:$0x3648] =	vst v0;
	[sflag:s8] =	ssyncpa.u1 $0x0;
	(pc) =	sbr.rel .LBB2_1-.Ltmp0, $4  }
0x1b7: {  	s3 =	sadd.s32 s3, s11;
	[sflag:s10] =	ssyncpa.u1 $0x0;
	p0 =	sne.s32 s0, s29  }
0x1b8: {  	s11 =	sadd.s32 $0x789A00, s11;
	[sflag:s30] =	ssyncpa.u1 $0x0;
	s12 =	simm.s32 @!p0 $0x0  }
0x1b9: {  	s13 =	sadd.s32 $0x784A00, s3;
	s14 =	sadd.s32 $0x5800, s3;
	s12 =	sadd.s32 s12, s2  }
0x1ba: {  	v0 =	vlaneseq.u32;
	s19 =	smov.u32 s6;
	p0 =	por $0x1, $0x1;
	s15 =	sadd.s32 $0x1, s12  }
.LBB2_18:
0x1bb: {  	s0 =	simm.s32 $0x2  }
0x1bc: {  	_ =	swait.ge [sflag:s0], $0x0  }
0x1bd: {  	[sflag:s0] =	ssyncset.done $0x0;
	s0 =	simm.s32 $0x0  }
.LBB2_19:
0x1be: {  	_ =	swait.ge [sflag:s17], s0  }
0x1bf: {  	s31 =	ssub.s32 $0x0, s0;
	v1 =	vmov s23;
	vm0 =	veq.s32 v0, $0x0;
	[sflag:s17] =	ssyncset.done $0x0  }
0x1c0: {  	vm15 =	veq.s32 v0, $0x2;
	v1 =	vsel vm0, s28, v1;
	[sflag:s17] =	ssyncadd.s32 s31  }
0x1c1: {  	v1 =	vsel vm15, s21, v1;
	[sflag:s17] =	ssyncpa.u1 $0x1  }
0x1c2: {  	[tilespmem:$0x3648] =	vst v1  }
.LBB2_20:
0x1c3: {  	s0 =	sadd.s32 $0x1B0, s19  }
0x1c4: {  	s2 =	smov.u32 s6;
	p1 =	slt.s32 s0, s7  }
0x1c5: {  	s2 =	smov.u32 @p1 s0;
	p1 =	sne.s32 s20, s15  }
.Ltmp1:
0x1c6: {  	_ = 	snop;
	(pc) =	sbr.rel @!p1 .LBB2_21-.Ltmp1, $4  }
0x1c7: {  	_ = 	snop  }
0x1c8: {  	s21 =	smov.u32 s18  }
0x1c9: {  	s31 =	sadd.s32 $0x1, s20;
	s18 =	smov.u32 s19;
	p0 =	por !p0, !p0  }
0x1ca: {  	p4 =	por !p4, !p4;
	s20 =	smov.u32 s31;
	s19 =	smov.u32 s2  }
.LBB2_1:
0x1cb: {  	p2 =	sge.u32 s20, s12  }
0x1cc: {  	s0 =	smulhi.u32 @!p2 $0xAAAAAAAB, s20  }
0x1cd: {  	s2 =	smov.u32 s19;
	p3 =	sgt.s32 @!p2 s19, $0x136D0  }
0x1ce: {  	s3 =	sshra.s32 @!p2 s19, $0x1F;
	p3 =	por !p3, p2;
	s0 =	sshrl.u32 @!p2 s0, $0x1  }
0x1cf: {  	s3 =	sand.u32 @!p2 s3, s19;
	s2 =	simm.s32 @p3 $0x136D0;
	s0 =	smul.u32 @!p2 $0x3, s0  }
0x1d0: {  	s2 =	ssub.s32 @!p2 s2, s3  }
0x1d1: {  	s23 =	sadd.s32 $0xFFFFFFFF, s20;
	s2 =	sadd.s32 @!p2 $0xFFFEC930, s2;
	s0 =	ssub.s32 @!p2 s20, s0  }
0x1d2: {  	s3 =	sshll.u32 @!p2 s2, $0x2;
	p3 =	sgt.s32 @!p2 s2, $0x1AF;
	s0 =	smul.u32 @!p2 $0x6C0, s0  }
0x1d3: {  	s5 =	sand.u32 @!p2 $0x7, s19;
	s2 =	ssub.s32 @!p2 $0x6C0, s3;
	p3 =	por !p3, p2  }
0x1d4: {  	s3 =	sshrl.u32 @!p2 s19, $0x3;
	s2 =	sshrl.u32 @!p2 s2, $0x2;
	s0 =	sshrl.u32 @!p2 s0, $0x2  }
0x1d5: {  	s3 =	sadd.s32 @!p2 s3, s13;
	s2 =	simm.s32 @!p3 $0x0;
	s0 =	sadd.s32 @!p2 $0x3888, s0  }
0x1d6: {  	[tilespmem:s0], [sflag:$0xA] =	stream.linear.gather @!p2 [hbm4b:s3+s5], s2, $0x38;
	[tilespmem:$0x1F0F8] =	vst v63  }
0x1d7: {  	p2 =	sge.u32 s23, s12  }
0x1d8: {  	p3 =	sgt.s32 @!p2 s18, $0x136D0  }
0x1d9: {  	s0 =	smov.u32 s18;
	s2 =	sshra.s32 @!p2 s18, $0x1F;
	p3 =	por !p3, p2  }
0x1da: {  	s2 =	sand.u32 @!p2 s2, s18;
	s0 =	simm.s32 @p3 $0x136D0  }
0x1db: {  	s0 =	ssub.s32 @!p2 s0, s2  }
0x1dc: {  	s0 =	sadd.s32 @!p2 $0xFFFEC930, s0  }
0x1dd: {  	s2 =	sshll.u32 @!p2 s0, $0x2  }
0x1de: {  	p3 =	sgt.s32 @!p2 s0, $0x1AF;
	s0 =	ssub.s32 @!p2 $0x6C0, s2  }
0x1df: {  	s22 =	ssub.s32 @!p2 $0x13880, s18;
	p3 =	por !p3, p2;
	s0 =	sshrl.u32 @!p2 s0, $0x2  }
0x1e0: {  	s2 =	sand.u32 @!p2 $0x1, s23;
	s0 =	simm.s32 @!p3 $0x0;
	p3 =	slt.s32 @!p2 s22, $0x1  }
0x1e1: {  	s3 =	simm.s32 @!p2 $0xA;
	s2 =	smul.u32 @!p2 $0x6C0, s2;
	p3 =	por p2, p3  }
.Ltmp2:
0x1e2: {  	_ =	swait.ge @!p2 [sflag:s3], s0;
	(pc) =	sbr.rel @p3 .LBB2_7-.Ltmp2, $4  }
0x1e3: {  	s5 =	ssub.s32 @!p2 $0x0, s0;
	[sflag:s3] =	ssyncset.done @!p2 $0x0  }
0x1e4: {  	s2 =	sshrl.u32 @!p2 s2, $0x2;
	[sflag:s3] =	ssyncadd.s32 @!p2 s5;
	s3 =	sshrl.u32 @!p2 s18, $0x3  }
0x1e5: {  	s2 =	sadd.s32 @!p2 $0x3D98, s2;
	s5 =	sand.u32 @!p2 $0x7, s18;
	s3 =	sadd.s32 @!p2 s3, s14  }
0x1e6: {  	[tilespmem:s2], [sflag:$0xB] =	stream.linear.gather @!p2 [hbm4b:s3+s5], s0, $0x38;
	[tilespmem:$0x1F0F8] =	vst v63  }
0x1e7: {  	s0 =	smulhi.u32 $0xAAAAAAAB, s23;
	_ =	sdelay $0x1  }
0x1e8: {  	s0 =	sshrl.u32 s0, $0x1  }
0x1e9: {  	s0 =	smul.u32 $0x3, s0;
	_ =	sdelay $0x1  }
0x1ea: {  	s0 =	ssub.s32 s23, s0  }
0x1eb: {  	s2 =	simm.s32 $0x1;
	s0 =	smul.u32 $0x6C0, s0  }
.Ltmp3:
0x1ec: {  	s2 =	simm.s32 @!p0 $0x0;
	(pc) =	sbr.rel .LBB2_4-.Ltmp3, $4  }
0x1ed: {  	s2 =	smul.u32 $0x36000, s2  }
0x1ee: {  	p3 =	slt.s32 @!p2 s22, $0x1B0;
	s0 =	sshrl.u32 s0, $0x2  }
0x1ef: {  	p2 =	por !p3, p2;
	s2 =	sshrl.u32 s2, $0x2;
	s0 =	sadd.s32 $0x3888, s0  }
0x1f0: {  	s24 =	simm.s32 $0x0;
	s22 =	simm.s32 @p2 $0x1B0;
	s23 =	sadd.s32 $0x40F8, s2;
	v1 =	vmov s0  }
.LBB2_3:
0x1f1: {  	p2 =	sge.s32 s24, s22  }
.Ltmp4:
0x1f2: {  	_ = 	snop;
	(pc) =	sbr.rel @p2 .LBB2_7-.Ltmp4, $2  }
0x1f3: {  	_ =	sdelay $0x2  }
0x1f4: {  	s23 =	sadd.s32 $0x800, s23  }
.LBB2_4:
0x1f5: {  	p2 =	sle.s32 s22, s24  }
.Ltmp5:
0x1f6: {  	_ = 	snop;
	(pc) =	sbr.rel @p2 .LBB2_3-.Ltmp5, $2  }
0x1f7: {  	_ =	sdelay $0x2  }
0x1f8: {  	s0 =	smov.u32 s24;
	s24 =	sadd.s32 $0x10, s24  }
0x1f9: {  	s2 =	ssub.s32 s22, s0  }
0x1fa: {  	p2 =	slt.s32 s2, $0x10  }
0x1fb: {  	s2 =	simm.s32 @!p2 $0x10  }
0x1fc: {  	v2 =	vmov s2  }
0x1fd: {  	vm0 =	vgt.s32 v2, v0;
	_ =	sdelay $0x5  }
0x1fe: {  	v2 =	vld.idx.msk [tilespmem:v1+s0+$0x0 ss:$0x1], vm0;
	_ =	sdelay $0x2  }
0x1ff: {  	p2 =	slt.s32 s24, s22;
	s2 =	smov.u32 s22  }
0x200: {  	s3 =	smov.u32 s23;
	s25 =	simm.s32 $0x0;
	s2 =	smov.u32 @p2 s24  }
.LBB2_6:
0x201: {  	(v2sf) =	vpush v2, s25;
	_ =	sdelay $0xc  }
0x202: {  	s25 =	sadd.s32 $0x1, s25  }
0x203: {  	s31 =	sadd.s32 s25, s0  }
0x204: {  	p2 =	slt.s32 s31, s2;
	s5 =	spop (v2sf)  }
.Ltmp6:
0x205: {  	s5 =	sshll.u32 s5, $0x4;
	(pc) =	sbr.rel @p2 .LBB2_6-.Ltmp6, $4  }
0x206: {  	s5 =	sand.u32 $0x1FFFFFF0, s5  }
0x207: {  	s5 =	sadd.s32 s11, s5  }
0x208: {  	[tilespmem:s3], [sflag:$0x9] =	stream.linear.gather [hbm4b:s5+s16], $0x4, $0x38;
	[tilespmem:$0x1F0F8] =	vst v63  }
0x209: {  	s3 =	sadd.s32 $0x80, s3  }
.Ltmp7:
0x20a: {  	_ = 	snop;
	(pc) =	sbr.rel .LBB2_3-.Ltmp7, $1  }
0x20b: {  	_ =	sdelay $0x3  }
.LBB2_7:
0x20c: {  	p2 =	slt.u32 s20, $0x2  }
.Ltmp8:
0x20d: {  	_ = 	snop;
	(pc) =	sbr.rel @p2 .LBB2_20-.Ltmp8, $1  }
0x20e: {  	_ =	sdelay $0x3  }
0x20f: {  	p2 =	sgt.s32 s21, $0x136D0  }
0x210: {  	s0 =	smov.u32 s21;
	s2 =	sshra.s32 s21, $0x1F;
	s3 =	ssub.s32 $0x13880, s21  }
0x211: {  	s0 =	simm.s32 @!p2 $0x136D0;
	s2 =	sand.u32 s2, s21;
	p2 =	slt.s32 s3, $0x1B0  }
0x212: {  	s0 =	ssub.s32 s0, s2;
	s3 =	simm.s32 @!p2 $0x1B0  }
0x213: {  	s0 =	sadd.s32 $0xFFFEC930, s0;
	s24 =	sshll.u32 s3, $0x2  }
0x214: {  	s28 =	simm.s32 $0x9;
	s25 =	sshll.u32 s0, $0x2;
	s2 =	sand.u32 $0x3FFFFFFC, s24  }
0x215: {  	p2 =	sgt.s32 s0, $0x1AF;
	s26 =	ssub.s32 $0x6C0, s25;
	_ =	swait.ge [sflag:s28], s2  }
0x216: {  	s2 =	ssub.s32 $0x0, s2;
	[sflag:s28] =	ssyncset.done $0x0;
	s0 =	sshrl.u32 s26, $0x2  }
0x217: {  	s30 =	simm.s32 $0xB;
	[sflag:s28] =	ssyncadd.s32 s2;
	s0 =	simm.s32 @p2 $0x0  }
0x218: {  	_ =	swait.ge [sflag:s30], s0  }
0x219: {  	s0 =	ssub.s32 $0x0, s0;
	[sflag:s30] =	ssyncset.done $0x0  }
0x21a: {  	[sflag:s30] =	ssyncadd.s32 s0  }
0x21b: {  	v1 =	vld [tilespmem:$0x3648];
	_ =	sdelay $0x4  }
0x21c: {  	(v2sf) =	vpush v1, $0x0  }
0x21d: {  	(v2sf) =	vpush v1, $0x1  }
0x21e: {  	(v2sf) =	vpush v1, $0x2;
	_ =	sdelay $0x3  }
0x21f: {  	s0 =	sadd.s32 $0x1B0, s21  }
0x220: {  	s2 =	ssub.s32 $0x27100, s21;
	p2 =	slt.s32 s7, s0  }
0x221: {  	s0 =	smov.u32 @p2 s7;
	p2 =	sgt.s32 s2, $0x0  }
0x222: {  	s25 =	ssub.s32 s0, s21;
	s2 =	simm.s32 @!p2 $0x0  }
0x223: {  	p2 =	slt.s32 s2, s25  }
0x224: {  	s25 =	smov.u32 @p2 s2  }
0x225: {  	s24 =	simm.s32 $0x1;
	p2 =	slt.s32 s25, $0x1  }
.Ltmp9:
0x226: {  	s24 =	simm.s32 @!p4 $0x0;
	(pc) =	sbr.rel @p2 .LBB2_12-.Ltmp9, $4  }
0x227: {  	s31 =	smul.u32 $0x6C0, s24  }
0x228: {  	s26 =	spop (v2sf)  }
0x229: {  	s0 =	sshrl.u32 s31, $0x2;
	s29 =	spop (v2sf)  }
0x22a: {  	s22 =	sadd.s32 $0x3D98, s0;
	s21 =	spop (v2sf)  }
0x22b: {  	s0 =	smin.u32 s25, $0x10  }
0x22c: {  	v1 =	vmov s0  }
0x22d: {  	p3 =	sgt.s32 s25, $0x10;
	vm1 =	vgt.u32 v1, v0  }
.Ltmp10:
0x22e: {  	_ = 	snop;
	(pc) =	sbr.rel @!p3 .LBB2_11-.Ltmp10, $2  }
0x22f: {  	_ =	sdelay $0x2  }
0x230: {  	s23 =	simm.s32 $0x10;
	s28 =	sadd.s32 $0xFFFFFFF0, s25;
	s0 =	smov.u32 s22;
	vm0 =	vmmov vm1  }
.LBB2_10:
0x231: {  	s2 =	smin.u32 s28, $0x10;
	s23 =	sadd.s32 $0x10, s23;
	v1 =	vld.msk [tilespmem:s0+$0x0 ss:$0x1], vm1  }
0x232: {  	v2 =	vmov s2;
	p3 =	slt.s32 s23, s25  }
0x233: {  	vm1 =	vgt.u32 v2, v0  }
.Ltmp11:
0x234: {  	(pc) =	sbr.rel @p3 .LBB2_10-.Ltmp11, $3  }
0x235: {  	_ =	sdelay $0x1  }
0x236: {  	v1 =	vshll.u32 v1, $0x4  }
0x237: {  	s28 =	sadd.s32 $0xFFFFFFF0, s28;
	[tilespmem:s0+$0x0] =	vst.msk vm0, v1;
	s0 =	sadd.s32 $0x10, s0;
	vm0 =	vmmov vm1  }
.LBB2_11:
0x238: {  	_ =	sdelay $0x4  }
0x239: {  	v1 =	vld.msk [tilespmem:s0+$0x0 ss:$0x1], vm1;
	_ =	sdelay $0x4  }
0x23a: {  	v1 =	vshll.u32 v1, $0x4  }
0x23b: {  	[tilespmem:s0+$0x0] =	vst.msk vm0, v1  }
.LBB2_12:
0x23c: {  	s0 =	sand.u32 $0x1, s20  }
0x23d: {  	s2 =	smul.u32 $0x1B0, s0  }
0x23e: {  	p3 =	sne.s32 s29, $0xFFFFFFFF  }
0x23f: {  	v1 =	vld.msk @!p3 [tilespmem:s2+$0x3D98], $0x1;
	_ =	sdelay $0x4  }
0x240: {  	(v2sf) =	vpush @!p3 v1, $0x0;
	_ =	sdelay $0x9  }
0x241: {  	s0 =	smul.u32 $0xD800, s0;
	_ =	sdelay $0x1  }
0x242: {  	v1 =	vld.msk @!p3 [tilespmem:s0+$0x40F8], $0xf  }
.Ltmp12:
0x243: {  	_ = 	snop;
	(pc) =	sbr.rel @p2 .LBB2_18-.Ltmp12, $4  }
0x244: {  	_ = 	snop  }
0x245: {  	s28 =	spop @!p3 (v2sf)  }
0x246: {  	s21 =	simm.s32 @!p3 $0x0;
	s0 =	simm.s32 @!p3 $0x28;
	s23 =	smov.u32 s28  }
0x247: {  	[tilespmem:s0+$0x0] =	vst.msk @!p3 $0xf, v1;
	[sflag:s17] =	ssyncpa.u1 $0x0;
	s28 =	smov.u32 @p3 s26;
	s23 =	smov.u32 @p3 s29  }
0x248: {  	v1 =	vld.msk [tilespmem:s22+$0x0], $0x1;
	_ =	sdelay $0x4  }
0x249: {  	(v2sf) =	vpush v1, $0x0;
	_ =	sdelay $0xe  }
0x24a: {  	s0 =	simm.s32 @!p4 $0x0;
	s26 =	smul.u32 $0x36000, s24;
	s31 =	spop (v2sf)  }
0x24b: {  	s29 =	ssub.s32 $0x0, s25;
	s0 =	simm.s32 @p4 $0x1;
	p2 =	seq.s32 s28, s31  }
0x24c: {  	s2 =	smov.u32 s28;
	[smem:$0x7FD] =	sst s0;
	p3 =	sgt.s32 @!p2 s28, $0x0  }
0x24d: {  	s0 =	sshrl.u32 s26, $0x2;
	s26 =	sadd.s32 $0x1, s29;
	p3 =	por !p3, p2  }
0x24e: {  	s2 =	simm.s32 @p3 $0x0;
	p3 =	seq.s32 s26, $0x0  }
.Ltmp13:
0x24f: {  	_ = 	snop;
	(pc) =	sbr.rel @p3 .LBB2_15-.Ltmp13, $4  }
0x250: {  	s25 =	simm.s32 $0x0  }
0x251: {  	s24 =	sadd.s32 $0x40F8, s0;
	s0 =	simm.s32 @!p2 $0x1;
	s3 =	smin.u32 @!p2 s2, $0x270FF  }
0x252: {  	s30 =	sadd.s32 $0x1, s22;
	s0 =	smov.u32 @p2 s25;
	s5 =	sand.u32 @!p2 $0x3FFF8, s3  }
0x253: {  	s2 =	simm.s32 @!p2 $0x1B38;
	s3 =	sand.u32 @!p2 $0x7, s3;
	s5 =	sadd.s32 @!p2 s1, s5  }
.LBB2_14:
0x254: {  	s4 =	smov.u32 s0  }
0x255: {  	[tilespmem:s2], [sflag:$0x2] =	stream.linear.gather @!p2 [hbm4b:s5+s3], $0x4, $0x38;
	[tilespmem:$0x1F0F8] =	vst v63  }
0x256: {  	s26 =	sadd.s32 $0x1, s26;
	s3 =	smov.u32 s31;
	v1 =	vld.msk [tilespmem:s30+$0x0], $0x1  }
0x257: {  	p3 =	seq.s32 s26, $0x0;
	_ =	sdelay $0x3  }
0x258: {  	(v2sf) =	vpush v1, $0x0;
	_ =	sdelay $0xe  }
0x259: {  	s31 =	spop (v2sf)  }
0x25a: {  	p2 =	seq.s32 s3, s31  }
0x25b: {  	p4 =	sgt.s32 @!p2 s3, $0x0;
	s2 =	sshll.u32 @!p2 s0, $0x6;
	s0 =	sadd.s32 @!p2 $0x1, s0  }
.Ltmp14:
0x25c: {  	p4 =	por !p4, p2;
	s2 =	sshra.s32 @!p2 s2, $0x2;
	(pc) =	sbr.rel @!p3 .LBB2_14-.Ltmp14, $4  }
0x25d: {  	s0 =	smov.u32 @p2 s4;
	s3 =	simm.s32 @p4 $0x0;
	s2 =	sadd.s32 @!p2 $0x1B38, s2  }
0x25e: {  	s3 =	smin.u32 @!p2 s3, $0x270FF  }
0x25f: {  	s4 =	sand.u32 @!p2 $0x3FFF8, s3;
	s3 =	sand.u32 @!p2 $0x7, s3  }
0x260: {  	s30 =	sadd.s32 $0x1, s30;
	s5 =	sadd.s32 @!p2 s1, s4  }
.LBB2_15:
0x261: {  	[tilespmem:s2], [sflag:$0x2] =	stream.linear.gather @!p2 [hbm4b:s5+s3], $0x4, $0x38;
	[tilespmem:$0x1F0F8] =	vst v63  }
0x262: {  	s0 =	sshll.u32 s0, $0x2  }
0x263: {  	s31 =	simm.s32 $0x2;
	s0 =	sand.u32 $0x3FFFFFFC, s0  }
0x264: {  	_ =	swait.ge [sflag:s31], s0  }
0x265: {  	s0 =	ssub.s32 $0x0, s0;
	[sflag:s31] =	ssyncset.done $0x0  }
0x266: {  	[sflag:s31] =	ssyncadd.s32 s0  }
0x267: {  	v1 =	vld.msk [tilespmem:s22+$0x0], $0x1;
	_ =	sdelay $0x4  }
0x268: {  	(v2sf) =	vpush v1, $0x0;
	_ =	sdelay $0xe  }
0x269: {  	s26 =	spop (v2sf)  }
0x26a: {  	p2 =	sne.s32 s28, s26  }
0x26b: {  	p4 =	sne.s32 @p2 s28, s23  }
0x26c: {  	p3 =	por !p4, !p2  }
0x26d: {  	s0 =	sshll.u32 @!p3 s21, $0x6;
	s2 =	simm.s32 @!p3 $0x0  }
0x26e: {  	s0 =	sshra.s32 @!p3 s0, $0x2;
	v1 =	vld.msk @!p3 [tilespmem:s2+$0x1B38], $0xf  }
0x26f: {  	v2 =	vld.msk @!p3 [tilespmem:s0+$0x28], $0xf;
	_ =	sdelay $0x1  }
0x270: {  	p5 =	sgt.u32 @!p3 s28, $0x270FF  }
0x271: {  	p6 =	por @p2 p5, !p4  }
0x272: {  	p1 =	por p6, !p2;
	p6 =	por p4, !p2  }
0x273: {  	s3 =	sadd.s32 @!p3 $0x28, s0;
	s2 =	sand.u32 @!p1 $0x3FFF8, s28;
	s4 =	sshll.u32 @!p6 s21, $0x6;
	v1 =	vmax.f32 @!p3 v1, v2  }
0x274: {  	s28 =	sand.u32 @!p1 $0x7, s28;
	s2 =	sadd.s32 @!p1 s1, s2;
	[tilespmem:s0+$0x28] =	vst.msk @!p3 $0xf, v1;
	s0 =	sshra.s32 @!p6 s4, $0x2  }
0x275: {  	[hbm4b:s2+s28] =	stream.linear.scatter @!p1 [tilespmem:s3], [sflag:$0xC], $0x4, $0x38;
	[tilespmem:$0x1F0F8] =	vst v63  }
0x276: {  	s5 =	rddreg [dreg:$0x5];
	s0 =	sadd.s32 @!p6 $0x28, s0;
	s2 =	simm.s32 @!p6 $0x1  }
0x277: {  	[spmem:s5] =	stream.linear.scatter @!p6 [tilespmem:s0], [sflag:$0x1], $0x4, $0x38;
	[tilespmem:$0x1F0F8] =	vst v63  }
0x278: {  	s0 =	sadd.s32 @p2 $0x1, s21;
	_ =	swait.ge @!p6 [sflag:s2], $0x4  }
0x279: {  	s3 =	sshrl.u32 @p2 s0, $0x4;
	[sflag:s2] =	ssyncset.done @!p6 $0x0  }
0x27a: {  	s3 =	smulhi.u32 @p2 $0x97B425F, s3;
	[sflag:s2] =	ssyncadd.s32 @!p6 $0xFFFFFFFC  }
0x27b: {  	v1 =	vld.msk @p2 [tilespmem:s24+$0x0], $0xf  }
0x27c: {  	s28 =	sadd.s32 $0x1, s29;
	p1 =	por @p2 !p5, !p4;
	s2 =	smul.u32 @p2 $0x1B0, s3  }
0x27d: {  	p1 =	por !p1, !p2;
	p6 =	seq.s32 s28, $0x0  }
.Ltmp15:
0x27e: {  	s3 =	simm.s32 @!p3 $0x0;
	s2 =	ssub.s32 @p2 s0, s2;
	(pc) =	sbr.rel @p6 .LBB2_17-.Ltmp15, $4  }
0x27f: {  	s3 =	simm.s32 @!p1 $0x10;
	s4 =	sshll.u32 @p2 s2, $0x4  }
0x280: {  	s29 =	simm.s32 $0x0;
	s0 =	sshll.u32 @!p2 s21, $0x6;
	s3 =	sadd.s32 @!p3 $0x0, s3;
	[tilespmem:s4+$0x28] =	vst.msk @p2 $0xf, v1  }
0x281: {  	s5 =	simm.s32 @p2 $0x1;
	s3 =	smov.u32 @p3 s25;
	s0 =	sshra.s32 @!p2 s0, $0x2;
	v1 =	vld.msk @!p2 [tilespmem:s24+$0x0], $0xf  }
0x282: {  	s29 =	smov.u32 @p2 s5;
	s21 =	smov.u32 @p2 s2;
	s25 =	smov.u32 @p2 s3;
	v2 =	vld.msk @!p2 [tilespmem:s0+$0x28], $0xf  }
.LBB2_16:
0x283: {  	_ =	sdelay $0x3  }
0x284: {  	v1 =	vmax.f32 @!p2 v1, v2  }
0x285: {  	s22 =	sadd.s32 $0x1, s22;
	[tilespmem:s0+$0x28] =	vst.msk @!p2 $0xf, v1  }
0x286: {  	v1 =	vld.msk [tilespmem:s22+$0x0], $0x1;
	_ =	sdelay $0x4  }
0x287: {  	(v2sf) =	vpush v1, $0x0;
	_ =	sdelay $0xe  }
0x288: {  	s30 =	smov.u32 s26;
	s26 =	spop (v2sf)  }
0x289: {  	p2 =	sne.s32 s30, s26  }
0x28a: {  	p5 =	sne.s32 @p2 s30, s23  }
0x28b: {  	s0 =	sadd.s32 @p2 $0x1, s21;
	p4 =	por !p5, !p2  }
0x28c: {  	s31 =	sshll.u32 @!p2 s21, $0x6;
	s3 =	sadd.s32 @p2 $0x1, s29;
	s4 =	sshll.u32 @!p4 s29, $0x6  }
0x28d: {  	s2 =	sshrl.u32 @p2 s0, $0x4;
	s5 =	sshll.u32 @!p4 s21, $0x6;
	s4 =	sshra.s32 @!p4 s4, $0x2  }
0x28e: {  	p1 =	sgt.u32 @!p4 s30, $0x270FF;
	s2 =	smulhi.u32 @p2 $0x97B425F, s2;
	s5 =	sshra.s32 @!p4 s5, $0x2;
	v1 =	vld.msk @!p4 [tilespmem:s4+$0x1B38], $0xf  }
0x28f: {  	s8 =	simm.s32 @!p4 $0x0;
	s29 =	smov.u32 @p2 s3;
	p6 =	por @p2 p1, !p5;
	v2 =	vld.msk @!p4 [tilespmem:s5+$0x28], $0xf  }
0x290: {  	p1 =	por @p2 !p1, !p5;
	p5 =	por p5, !p2;
	s4 =	sadd.s32 @!p4 $0x28, s5  }
0x291: {  	p6 =	por p6, !p2;
	p1 =	por !p1, !p2;
	s2 =	smul.u32 @p2 $0x1B0, s2  }
0x292: {  	s10 =	sshll.u32 @!p5 s21, $0x6;
	s9 =	sand.u32 @!p6 $0x3FFF8, s30;
	s8 =	simm.s32 @!p1 $0x10  }
0x293: {  	s30 =	sand.u32 @!p6 $0x7, s30;
	s9 =	sadd.s32 @!p6 s1, s9;
	s3 =	sadd.s32 @!p4 s8, s25  }
0x294: {  	s8 =	rddreg [dreg:$0x5];
	s0 =	ssub.s32 @p2 s0, s2;
	s3 =	smov.u32 @p4 s25;
	v1 =	vmax.f32 @!p4 v1, v2  }
0x295: {  	s2 =	sshll.u32 @p2 s0, $0x4;
	s25 =	smov.u32 @p2 s3;
	s3 =	sshra.s32 @!p5 s10, $0x2;
	[tilespmem:s5+$0x28] =	vst.msk @!p4 $0xf, v1  }
0x296: {  	[hbm4b:s9+s30] =	stream.linear.scatter @!p6 [tilespmem:s4], [sflag:$0xC], $0x4, $0x38;
	[tilespmem:$0x1F0F8] =	vst v63  }
0x297: {  	s21 =	smov.u32 @p2 s0;
	s0 =	sadd.s32 @!p5 $0x28, s3;
	s3 =	simm.s32 @!p5 $0x1  }
0x298: {  	[spmem:s8] =	stream.linear.scatter @!p5 [tilespmem:s0], [sflag:$0x1], $0x4, $0x38;
	[tilespmem:$0x1F0F8] =	vst v63  }
0x299: {  	_ =	swait.ge @!p5 [sflag:s3], $0x4  }
0x29a: {  	[sflag:s3] =	ssyncset.done @!p5 $0x0  }
0x29b: {  	s24 =	sadd.s32 $0x80, s24;
	[sflag:s3] =	ssyncadd.s32 @!p5 $0xFFFFFFFC  }
0x29c: {  	v1 =	vld.msk @p2 [tilespmem:s24+$0x0], $0xf  }
0x29d: {  	s28 =	sadd.s32 $0x1, s28  }
0x29e: {  	p3 =	seq.s32 s28, $0x0  }
.Ltmp16:
0x29f: {  	_ = 	snop;
	(pc) =	sbr.rel @!p3 .LBB2_16-.Ltmp16, $4  }
0x2a0: {  	_ = 	snop  }
0x2a1: {  	[tilespmem:s2+$0x28] =	vst.msk @p2 $0xf, v1  }
0x2a2: {  	s0 =	sshra.s32 @!p2 s31, $0x2;
	v1 =	vld.msk @!p2 [tilespmem:s24+$0x0], $0xf  }
0x2a3: {  	v2 =	vld.msk @!p2 [tilespmem:s0+$0x28], $0xf  }
.LBB2_17:
0x2a4: {  	_ = 	snop  }
.Ltmp17:
0x2a5: {  	_ = 	snop;
	(pc) =	sbr.rel .LBB2_19-.Ltmp17, $3  }
0x2a6: {  	s2 =	sld [smem:$0x7FD];
	_ =	sdelay $0x1  }
0x2a7: {  	v1 =	vmax.f32 @!p2 v1, v2  }
0x2a8: {  	s28 =	smov.u32 s26;
	p4 =	seq.s32 s2, $0x1;
	[tilespmem:s0+$0x28] =	vst.msk @!p2 $0xf, v1;
	s0 =	sshrl.u32 s25, $0x2  }
.LBB2_21:
0x2a9: {  	_ =	sfence.sel $0x180000  }
0x2aa: {  	s0 =	simm.s32 $0x9;
	[bflag:$0x0] =	sbarrier.arrive $0xFFFF  }
0x2ab: {  	s24 =	simm.s32 $0xA;
	[sflag:s0] =	ssyncpa.u1 $0x1  }
0x2ac: {  	s25 =	simm.s32 $0xB;
	[sflag:s24] =	ssyncpa.u1 $0x1  }
0x2ad: {  	s26 =	simm.s32 $0x2;
	[sflag:s25] =	ssyncpa.u1 $0x1  }
0x2ae: {  	[sflag:s26] =	ssyncpa.u1 $0x1  }
0x2af: {  	v0 =	vld [tilespmem:$0x3648];
	_ =	sdelay $0x4  }
0x2b0: {  	(v2sf) =	vpush v0, $0x0  }
0x2b1: {  	(v2sf) =	vpush v0, $0x1;
	_ =	sdelay $0x1  }
0x2b2: {  	(v2sf) =	vpush v0, $0x2;
	_ =	sdelay $0xb  }
0x2b3: {  	s0 =	spop (v2sf)  }
0x2b4: {  	s2 =	spop (v2sf)  }
0x2b5: {  	s3 =	smov.u32 s0;
	p0 =	sne.s32 s0, s2  }
0x2b6: {  	s4 =	spop (v2sf);
	s3 =	simm.s32 @!p0 $0xFFFFFFFF  }
0x2b7: {  	v2 =	vimm.s32 $0x1;
	v3 =	vlaneseq.u32;
	p0 =	seq.s32 s4, $0xFFFFFFFF;
	v1 =	vmov s3  }
0x2b8: {  	s16 =	stileid.u32;
	v0 =	vperm.xlane v0, v2;
	p1 =	sne.s32 @!p0 s0, s2;
	v1 =	vperm.xlane v1, v3  }
0x2b9: {  	vm0 =	vcmask $0x3F04;
	s6 =	simm.s32 $0x3648;
	s0 =	simm.s32 @!p0 $0x1;
	p1 =	por !p1, p0  }
0x2ba: {  	s3 =	sshll.u32 s16, $0x1;
	s2 =	sshll.u32 @!p0 s4, $0x6;
	s0 =	simm.s32 @p1 $0x0;
	v0 =	vsel vm0, v1, v0  }
0x2bb: {  	s5 =	sor.u32 $0x200, s3;
	s2 =	sshra.s32 @!p0 s2, $0x2;
	s0 =	sor.u32 @!p0 s0, s3;
	[tilespmem:$0x3648] =	vst v0  }
0x2bc: {  	[spmem:s5] =	stream.linear.scatter [tilespmem:s6], [sflag:$0x1], $0x2, $0x38;
	[tilespmem:$0x1F0F8] =	vst v63  }
0x2bd: {  	s2 =	sadd.s32 @!p0 $0x28, s2;
	s0 =	sshll.u32 @!p0 s0, $0x4  }
0x2be: {  	[spmem:s0] =	stream.linear.scatter @!p0 [tilespmem:s2], [sflag:$0x1], $0x10, $0x38;
	[tilespmem:$0x1F0F8] =	vst v63  }
0x2bf: {  	s0 =	simm.s32 @!p0 $0x12  }
0x2c0: {  	s28 =	simm.s32 $0x1;
	s0 =	simm.s32 @p0 $0x2  }
0x2c1: {  	_ =	swait.ge [sflag:s28], s0  }
0x2c2: {  	s0 =	ssub.s32 $0x0, s0;
	[sflag:s28] =	ssyncset.done $0x0  }
0x2c3: {  	p0 =	sne.s32 s16, $0x0;
	[sflag:s28] =	ssyncadd.s32 s0  }
.Ltmp18:
0x2c4: {  	_ =	sfence.stream.spmem;
	(pc) =	sbr.rel @p0 .LBB2_38-.Ltmp18, $4  }
0x2c5: {  	s29 =	simm.s32 $0x3;
	[bflag:$0x0] =	sbarrier.arrive $0xFFFF  }
0x2c6: {  	s30 =	simm.s32 $0x4;
	[sflag:s29] =	ssyncpa.u1 $0x1  }
0x2c7: {  	s31 =	simm.s32 $0x3C;
	[sflag:s30] =	ssyncpa.u1 $0x1  }
0x2c8: {  	s17 =	rddreg [dreg:$0x6];
	[sflag:s31] =	ssyncpa.u1 $0x1  }
0x2c9: {  	_ =	sfence.stream.spmem;
	s0 =	simm.s32 $0x5  }
0x2ca: {  	s2 =	simm.s32 $0x200;
	s3 =	simm.s32 $0x3658;
	[sflag:s0] =	ssyncpa.u1 $0x0  }
0x2cb: {  	[tilespmem:s3], [sflag:$0x5] =	stream.linear.gather [spmem:s2], $0x20, $0x38;
	[tilespmem:$0x1F0F8] =	vst v63  }
0x2cc: {  	s26 =	simm.s32 $0x0;
	s28 =	simm.s32 $0x3678  }
0x2cd: {  	[tilespmem:s28], [sflag:$0x5] =	stream.linear.gather [spmem:s26], $0x200, $0x38;
	[tilespmem:$0x1F0F8] =	vst v63  }
0x2ce: {  	_ =	swait.ge [sflag:s0], $0x220  }
0x2cf: {  	[sflag:s0] =	ssyncset.done $0x0  }
0x2d0: {  	s29 =	simm.s32 $0x0;
	[sflag:s0] =	ssyncadd.s32 $0xFFFFFDE0  }
0x2d1: {  	v0 =	vld.msk [tilespmem:s29+$0x3658], $0x1;
	_ =	sdelay $0x1  }
0x2d2: {  	s30 =	simm.s32 $0x1  }
0x2d3: {  	v1 =	vld.msk [tilespmem:s30+$0x3658], $0x1;
	_ =	sdelay $0x1  }
0x2d4: {  	(v2sf) =	vpush v0, $0x0;
	_ =	sdelay $0x2  }
0x2d5: {  	(v2sf) =	vpush v1, $0x0;
	_ =	sdelay $0x2  }
0x2d6: {  	s31 =	simm.s32 $0x2  }
0x2d7: {  	v0 =	vld.msk [tilespmem:s31+$0x3658], $0x1;
	_ =	sdelay $0x2  }
0x2d8: {  	s6 =	simm.s32 $0xFFFFFFFF;
	s2 =	simm.s32 $0xFFFFFFFF;
	s0 =	simm.s32 $0xC  }
.LBB2_23:
0x2d9: {  	s3 =	smov.u32 s6;
	s4 =	smov.u32 s2  }
0x2da: {  	s2 =	sshra.s32 s0, $0x2;
	p1 =	sne.s32 s0, $0x7C;
	s0 =	sadd.s32 $0x4, s0;
	(v2sf) =	vpush v0, $0x0  }
0x2db: {  	v0 =	vld.msk [tilespmem:s2+$0x3658], $0x1  }
.Ltmp19:
0x2dc: {  	(pc) =	sbr.rel @p1 .LBB2_23-.Ltmp19, $4  }
0x2dd: {  	s6 =	spop (v2sf)  }
0x2de: {  	p2 =	sne.s32 s4, $0xFFFFFFFF;
	s2 =	smov.u32 s6  }
0x2df: {  	p3 =	seq.s32 s6, $0xFFFFFFFF;
	s2 =	smov.u32 @p2 s4  }
0x2e0: {  	s6 =	smov.u32 @p3 s3;
	s2 =	smov.u32 @p3 s4  }
0x2e1: {  	(v2sf) =	vpush v0, $0x0;
	_ =	sdelay $0x8  }
0x2e2: {  	s0 =	spop (v2sf)  }
0x2e3: {  	p1 =	sne.s32 s2, $0xFFFFFFFF;
	s3 =	smov.u32 s0  }
0x2e4: {  	s9 =	simm.s32 $0x6;
	p2 =	seq.s32 s0, $0xFFFFFFFF;
	s3 =	smov.u32 @p1 s2  }
0x2e5: {  	s10 =	simm.s32 $0x3638;
	s3 =	smov.u32 @p2 s2;
	s2 =	spop (v2sf)  }
0x2e6: {  	s0 =	smov.u32 @p2 s6;
	p1 =	sne.s32 s3, $0xFFFFFFFF;
	s4 =	smov.u32 s2  }
.Ltmp20:
0x2e7: {  	p2 =	seq.s32 s2, $0xFFFFFFFF;
	s4 =	smov.u32 @p1 s3;
	(pc) =	sbr.rel .LBB2_25-.Ltmp20, $4  }
0x2e8: {  	s11 =	simm.s32 $0x0;
	s4 =	smov.u32 @p2 s3;
	s7 =	spop (v2sf)  }
0x2e9: {  	[sflag:s9] =	ssyncpa.u1 $0x0;
	p1 =	sne.s32 s4, $0xFFFFFFFF;
	s8 =	smov.u32 s7  }
0x2ea: {  	s2 =	smov.u32 @p2 s0;
	p2 =	seq.s32 s7, $0xFFFFFFFF;
	s8 =	smov.u32 @p1 s4  }
0x2eb: {  	s6 =	simm.s32 $0x0;
	s7 =	smov.u32 @p2 s2;
	s8 =	smov.u32 @p2 s4  }
.LBB2_30:
0x2ec: {  	p1 =	sgt.u32 s12, $0x270FF  }
0x2ed: {  	p2 =	seq.s32 @!p1 s12, s8  }
0x2ee: {  	p1 =	por p1, p2  }
0x2ef: {  	p2 =	sne.s32 @!p1 s12, s7  }
0x2f0: {  	p1 =	por p1, !p2  }
0x2f1: {  	s0 =	sshll.u32 @p1 s11, $0x6  }
0x2f2: {  	s0 =	sand.u32 @!p1 $0x3FFF8, s12  }
0x2f3: {  	s2 =	sand.u32 @!p1 $0x7, s12;
	s0 =	sadd.s32 @!p1 s1, s0  }
0x2f4: {  	[tilespmem:s10], [sflag:$0x6] =	stream.linear.gather @!p1 [hbm4b:s0+s2], $0x4, $0x38;
	[tilespmem:$0x1F0F8] =	vst v63  }
0x2f5: {  	_ =	swait.ge @!p1 [sflag:s9], $0x4  }
0x2f6: {  	[sflag:s9] =	ssyncset.done @!p1 $0x0  }
0x2f7: {  	s0 =	sshll.u32 @!p1 s11, $0x6;
	[sflag:s9] =	ssyncadd.s32 @!p1 $0xFFFFFFFC  }
0x2f8: {  	s2 =	sshrl.u32 @!p1 s0, $0x2;
	v1 =	vld @!p1 [tilespmem:$0x3638]  }
0x2f9: {  	v2 =	vld @!p1 [tilespmem:s2+$0x3678];
	_ =	sdelay $0x4  }
0x2fa: {  	v1 =	vmax.f32 @!p1 v1, v2  }
0x2fb: {  	[tilespmem:s2+$0x3678] =	vst @!p1 v1  }
0x2fc: {  	s0 =	sshrl.u32 s0, $0x2;
	[tilespmem:s6+$0x3658] =	vst.msk $0x1, v0  }
0x2fd: {  	v0 =	vld [tilespmem:s0+$0x3678];
	_ =	sdelay $0x2  }
0x2fe: {  	s31 =	sshll.u32 s6, $0x6  }
0x2ff: {  	s0 =	sshra.s32 s31, $0x2  }
0x300: {  	s6 =	sadd.s32 $0x1, s6;
	[tilespmem:s0+$0x3678] =	vst v0  }
.LBB2_32:
0x301: {  	s11 =	sadd.s32 $0x1, s11  }
0x302: {  	p1 =	sne.s32 s11, $0x20  }
.Ltmp21:
0x303: {  	_ = 	snop;
	(pc) =	sbr.rel @!p1 .LBB2_33-.Ltmp21, $1  }
0x304: {  	_ =	sdelay $0x3  }
.LBB2_25:
0x305: {  	v0 =	vld.msk [tilespmem:s11+$0x3658], $0x1;
	_ =	sdelay $0x4  }
0x306: {  	(v2sf) =	vpush v0, $0x0;
	_ =	sdelay $0xe  }
0x307: {  	s12 =	spop (v2sf)  }
0x308: {  	p1 =	seq.s32 s12, $0xFFFFFFFF  }
.Ltmp22:
0x309: {  	_ = 	snop;
	(pc) =	sbr.rel @p1 .LBB2_32-.Ltmp22, $1  }
0x30a: {  	_ =	sdelay $0x3  }
0x30b: {  	p1 =	slt.s32 s6, $0x1  }
.Ltmp23:
0x30c: {  	_ = 	snop;
	(pc) =	sbr.rel @p1 .LBB2_30-.Ltmp23, $1  }
0x30d: {  	_ =	sdelay $0x3  }
0x30e: {  	s13 =	simm.s32 $0x3658;
	p1 =	por $0x0, $0x0  }
0x30f: {  	v1 =	vld.msk @!p1 [tilespmem:s13+$0x0], $0x1;
	_ =	sdelay $0x4  }
0x310: {  	(v2sf) =	vpush @!p1 v1, $0x0;
	_ =	sdelay $0xd  }
0x311: {  	p3 =	sne.s32 s6, $0x1  }
.Ltmp24:
0x312: {  	s0 =	spop @!p1 (v2sf);
	(pc) =	sbr.rel @!p3 .LBB2_29-.Ltmp24, $4  }
0x313: {  	p2 =	seq.s32 @!p1 s12, s0  }
0x314: {  	s14 =	simm.s32 $0x0;
	p2 =	por !p2, p1  }
0x315: {  	s0 =	simm.s32 $0xFFFFFFFF;
	s14 =	simm.s32 @p2 $0xFFFFFFFF  }
0x316: {  	s15 =	simm.s32 $0x1;
	s14 =	smov.u32 @p1 s0  }
.LBB2_28:
0x317: {  	s0 =	smov.u32 s14;
	p1 =	sne.s32 s14, $0xFFFFFFFF  }
0x318: {  	s13 =	sadd.s32 $0x1, s13;
	s14 =	smov.u32 s15;
	s15 =	sadd.s32 $0x1, s15  }
0x319: {  	p2 =	sne.s32 s6, s15;
	v1 =	vld.msk @!p1 [tilespmem:s13+$0x0], $0x1;
	_ =	sdelay $0x4  }
0x31a: {  	(v2sf) =	vpush @!p1 v1, $0x0;
	_ =	sdelay $0xe  }
.Ltmp25:
0x31b: {  	s2 =	spop @!p1 (v2sf);
	(pc) =	sbr.rel @p2 .LBB2_28-.Ltmp25, $4  }
0x31c: {  	p3 =	seq.s32 @!p1 s12, s2  }
0x31d: {  	p3 =	por !p3, p1  }
0x31e: {  	s14 =	simm.s32 @p3 $0xFFFFFFFF  }
0x31f: {  	s14 =	smov.u32 @p1 s0  }
.LBB2_29:
0x320: {  	p1 =	sne.s32 s14, $0xFFFFFFFF  }
.Ltmp26:
0x321: {  	_ = 	snop;
	(pc) =	sbr.rel @!p1 .LBB2_30-.Ltmp26, $1  }
0x322: {  	_ =	sdelay $0x3  }
0x323: {  	s0 =	sshll.u32 s11, $0x4  }
0x324: {  	s2 =	sshll.u32 s14, $0x6;
	s0 =	sand.u32 $0x3FFFFFF0, s0  }
0x325: {  	s31 =	sshra.s32 s2, $0x2;
	v0 =	vld [tilespmem:s0+$0x3678]  }
0x326: {  	v1 =	vld [tilespmem:s31+$0x3678];
	_ =	sdelay $0x1  }
.Ltmp27:
0x327: {  	_ = 	snop;
	(pc) =	sbr.rel .LBB2_32-.Ltmp27, $3  }
0x328: {  	_ =	sdelay $0x1  }
0x329: {  	v0 =	vmax.f32 v0, v1  }
0x32a: {  	[tilespmem:s31+$0x3678] =	vst v0  }
.LBB2_33:
0x32b: {  	s0 =	simm.s32 $0x6;
	p1 =	seq.s32 s6, $0x0  }
0x32c: {  	[sflag:s0] =	ssyncpa.u1 $0x1;
	v0 =	vimm.s32 @p1 $0xFFFFFFFF  }
0x32d: {  	s9 =	sadd.s32 $0xFFFFFFFF, s6;
	[tilespmem:$0x3878] =	vst @p1 v0  }
0x32e: {  	v0 =	vld.msk @!p1 [tilespmem:s9+$0x3658], $0x1;
	_ =	sdelay $0x1  }
0x32f: {  	v1 =	vld.msk @!p1 [tilespmem:$0x3658], $0x1;
	_ =	sdelay $0x2  }
0x330: {  	p2 =	seq.s32 @!p1 s9, $0x0;
	v0 =	vbroadcast @!p1 v0, $0x0  }
0x331: {  	vm0 =	vmmov @!p1 $0x1;
	p2 =	por !p2, p1  }
0x332: {  	v1 =	vnsel @!p1 vm0, $0xFFFFFFFF, v1;
	vm0 =	vcmask @!p1 $0x308;
	v0 =	vpsel !p2, $0xFFFFFFFF, v0  }
0x333: {  	p2 =	sne.s32 @!p1 s8, s7;
	v0 =	vsel @!p1 vm0, v1, v0  }
0x334: {  	s0 =	simm.s32 @!p1 $0x3678;
	s2 =	simm.s32 @!p1 $0x0;
	p3 =	por !p2, p1;
	[tilespmem:$0x3878] =	vst @!p1 v0  }
0x335: {  	[spmem:s2] =	stream.linear.scatter @!p1 [tilespmem:s0], [sflag:$0x1], $0x10, $0x38;
	[tilespmem:$0x1F0F8] =	vst v63  }
0x336: {  	s0 =	sshll.u32 @!p3 s9, $0x6  }
0x337: {  	s0 =	sshra.s32 @!p3 s0, $0x2  }
0x338: {  	s2 =	simm.s32 @!p3 $0x10;
	s0 =	sadd.s32 @!p3 $0x3678, s0  }
0x339: {  	[spmem:s2] =	stream.linear.scatter @!p3 [tilespmem:s0], [sflag:$0x1], $0x10, $0x38;
	[tilespmem:$0x1F0F8] =	vst v63  }
0x33a: {  	s0 =	simm.s32 @!p3 $0x1  }
0x33b: {  	_ =	swait.ge @!p3 [sflag:s0], $0x20  }
0x33c: {  	p1 =	por p2, p1;
	[sflag:s0] =	ssyncset.done @!p3 $0x0  }
0x33d: {  	[sflag:s0] =	ssyncadd.s32 @!p3 $0xFFFFFFE0;
	s0 =	simm.s32 @!p1 $0x1  }
0x33e: {  	_ =	swait.ge @!p1 [sflag:s0], $0x10  }
0x33f: {  	s29 =	simm.s32 $0x3878;
	[sflag:s0] =	ssyncset.done @!p1 $0x0  }
0x340: {  	s30 =	simm.s32 $0x200;
	s31 =	simm.s32 $0x1;
	[sflag:s0] =	ssyncadd.s32 @!p1 $0xFFFFFFF0  }
0x341: {  	[spmem:s30] =	stream.linear.scatter [tilespmem:s29], [sflag:$0x1], $0x10, $0x38;
	[tilespmem:$0x1F0F8] =	vst v63  }
0x342: {  	_ =	swait.ge [sflag:s31], $0x10  }
0x343: {  	[sflag:s31] =	ssyncset.done $0x0  }
0x344: {  	p1 =	seq.s32 s17, $0x0;
	s8 =	rddreg [dreg:$0x2];
	[sflag:s31] =	ssyncadd.s32 $0xFFFFFFF0  }
0x345: {  	s2 =	sshll.u32 @p1 s8, $0xE;
	s7 =	rddreg [dreg:$0x3]  }
0x346: {  	s0 =	sadd.s32 @p1 $0x15C3C, s2;
	s2 =	sshll.u32 @p1 s7, $0x11  }
0x347: {  	_ =	sfence.stream.spmem;
	s0 =	sor.u32 @p1 s2, s0  }
0x348: {  	[sflag:s0] =	ssyncadd.remote.s32 @p1 $0x1;
	s0 =	simm.s32 @p1 $0x4  }
0x349: {  	s3 =	simm.s32 @!p1 $0x3C;
	s2 =	sand.u32 $0xFFFFFFFE, s8;
	_ =	swait.ge @p1 [sflag:s0], $0x6  }
0x34a: {  	s4 =	simm.s32 @!p1 $0x0;
	s2 =	sadd.s32 @!p1 $0x4, s2;
	[sflag:s0] =	ssyncset.done @p1 $0x0  }
0x34b: {  	s5 =	simm.s32 @!p1 $0x20;
	[sflag:s0] =	ssyncadd.s32 @p1 $0xFFFFFFFA;
	s0 =	sshll.u32 @!p1 s2, $0x1A  }
0x34c: {  	s2 =	sshll.u32 @!p1 s2, $0xD;
	s0 =	sor.u32 @!p1 s0, s7;
	_ =	swait.eq @!p1 [sflag:s3], $0x1  }
0x34d: {  	s2 =	sor.u32 @!p1 $0x1C04, s2;
	s3 =	simm.s32 @!p1 $0x1C03;
	s0 =	sor.u32 @!p1 $0x80004000, s0  }
0x34e: {  	[spmem:s5], [sflag:s2] =	dma.general @!p1 [spmem:s4], [sflag:s3], length:$0x4, [dreg:$0x0], stride_count:$0x0, ici_dest:s0, dma_misc:DstOpCode:WRITE  }
0x34f: {  	p2 =	slt.s32 s9, $0x2;
	s4 =	simm.s32 @!p1 $0x40;
	s5 =	simm.s32 @!p1 $0x42  }
0x350: {  	[spmem:s5], [sflag:s2] =	dma.general @!p1 [spmem:s4], [sflag:s3], length:$0x2, [dreg:$0x0], stride_count:$0x0, ici_dest:s0, dma_misc:DstOpCode:WRITE  }
.Ltmp28:
0x351: {  	s0 =	simm.s32 @!p1 $0x3;
	(pc) =	sbr.rel @p2 .LBB2_37-.Ltmp28, $4  }
0x352: {  	s2 =	sshll.u32 @!p1 s8, $0xE;
	_ =	swait.ge @!p1 [sflag:s0], $0x6  }
0x353: {  	s3 =	sshll.u32 @!p1 s7, $0x11;
	s2 =	sadd.s32 @!p1 $0x11C3C, s2;
	[sflag:s0] =	ssyncset.done @!p1 $0x0  }
0x354: {  	[sflag:s0] =	ssyncadd.s32 @!p1 $0xFFFFFFFA;
	s0 =	sor.u32 @!p1 s3, s2  }
0x355: {  	[sflag:s0] =	ssyncadd.remote.s32 @!p1 $0xFFFFFFFF;
	s0 =	simm.s32 $0x0  }
0x356: {  	s0 =	simm.s32 $0x3659  }
0x357: {  	v0 =	vld.msk [tilespmem:s0+$0x0], $0x1;
	_ =	sdelay $0x4  }
0x358: {  	(v2sf) =	vpush v0, $0x0;
	_ =	sdelay $0xd  }
0x359: {  	s3 =	sadd.s32 $0xFFFFFFFE, s6  }
0x35a: {  	s3 =	sadd.s32 $0xFFFFFFFF, s3;
	s0 =	spop (v2sf)  }
0x35b: {  	p2 =	sne.s32 s3, $0x0;
	p1 =	sgt.u32 s0, $0x270FF  }
.Ltmp29:
0x35c: {  	s4 =	sand.u32 @!p1 $0x3FFF8, s0;
	(pc) =	sbr.rel @!p2 .LBB2_36-.Ltmp29, $4  }
0x35d: {  	s2 =	simm.s32 $0x3688;
	s0 =	sand.u32 @!p1 $0x7, s0;
	s4 =	sadd.s32 @!p1 s1, s4  }
0x35e: {  	[hbm4b:s4+s0] =	stream.linear.scatter @!p1 [tilespmem:s2], [sflag:$0x5], $0x4, $0x38;
	[tilespmem:$0x1F0F8] =	vst v63  }
0x35f: {  	s0 =	simm.s32 $0x0  }
0x360: {  	s6 =	simm.s32 $0x0;
	s7 =	simm.s32 $0x365A;
	s0 =	simm.s32 @!p1 $0x10  }
.LBB2_35:
0x361: {  	v0 =	vld.msk [tilespmem:s7+$0x0], $0x1;
	s3 =	sadd.s32 $0xFFFFFFFF, s3;
	s6 =	sadd.s32 s6, s0  }
0x362: {  	p1 =	sne.s32 s3, $0x0;
	_ =	sdelay $0x3  }
0x363: {  	(v2sf) =	vpush v0, $0x0;
	_ =	sdelay $0xe  }
.Ltmp30:
0x364: {  	s4 =	spop (v2sf);
	(pc) =	sbr.rel @p1 .LBB2_35-.Ltmp30, $4  }
0x365: {  	s0 =	simm.s32 $0x0;
	p2 =	sgt.u32 s4, $0x270FF  }
0x366: {  	s2 =	sadd.s32 $0x10, s2;
	s0 =	simm.s32 @!p2 $0x10;
	s5 =	sand.u32 @!p2 $0x3FFF8, s4  }
0x367: {  	s7 =	sadd.s32 $0x1, s7;
	s4 =	sand.u32 @!p2 $0x7, s4;
	s5 =	sadd.s32 @!p2 s1, s5  }
0x368: {  	[hbm4b:s5+s4] =	stream.linear.scatter @!p2 [tilespmem:s2], [sflag:$0x5], $0x4, $0x38;
	[tilespmem:$0x1F0F8] =	vst v63  }
.LBB2_36:
0x369: {  	s0 =	sadd.s32 s6, s0  }
0x36a: {  	s0 =	sshrl.u32 s0, $0x2  }
.LBB2_37:
0x36b: {  	s2 =	simm.s32 $0x5  }
0x36c: {  	_ =	swait.ge [sflag:s2], s0  }
0x36d: {  	s31 =	ssub.s32 $0x0, s0;
	[sflag:s2] =	ssyncset.done $0x0  }
0x36e: {  	[sflag:s2] =	ssyncadd.s32 s31  }
0x36f: {  	[sflag:s2] =	ssyncpa.u1 $0x1  }
.LBB2_38:
0x370: {  	s0 =	sor.u32 s17, s16  }
0x371: {  	p1 =	sne.s32 s0, $0x0  }
.Ltmp31:
0x372: {  	_ = 	snop;
	(pc) =	sbr.rel @p1 .LBB2_53-.Ltmp31, $3  }
0x373: {  	_ =	sdelay $0x1  }
0x374: {  	[bflag:$0x0] =	sbarrier.arrive $0xFFFF  }
0x375: {  	_ =	sfence  }
0x376: {  	s0 =	simm.s32 $0x7  }
0x377: {  	s2 =	simm.s32 $0x200;
	s3 =	simm.s32 $0x3658;
	[sflag:s0] =	ssyncpa.u1 $0x0  }
0x378: {  	[tilespmem:s3], [sflag:$0x7] =	stream.linear.gather [spmem:s2], $0x20, $0x38;
	[tilespmem:$0x1F0F8] =	vst v63  }
0x379: {  	s30 =	simm.s32 $0x3678;
	s2 =	simm.s32 $0x0  }
0x37a: {  	[tilespmem:s30], [sflag:$0x7] =	stream.linear.gather [spmem:s2], $0x200, $0x38;
	[tilespmem:$0x1F0F8] =	vst v63  }
.Ltmp32:
0x37b: {  	_ = 	snop;
	(pc) =	sbr.rel .LBB2_40-.Ltmp32, $4  }
0x37c: {  	_ =	swait.ge [sflag:s0], $0x220  }
0x37d: {  	[sflag:s0] =	ssyncset.done $0x0  }
0x37e: {  	s31 =	simm.s32 $0x8;
	[sflag:s0] =	ssyncadd.s32 $0xFFFFFDE0  }
0x37f: {  	s3 =	simm.s32 $0x0;
	[sflag:s31] =	ssyncpa.u1 $0x0  }
.LBB2_45:
0x380: {  	p1 =	slt.u32 s4, $0x27100  }
0x381: {  	s0 =	sand.u32 @p1 $0x3FFF8, s4  }
0x382: {  	s4 =	sand.u32 @p1 $0x7, s4;
	s5 =	simm.s32 @p1 $0x3638;
	s0 =	sadd.s32 @p1 s1, s0  }
0x383: {  	[tilespmem:s5], [sflag:$0x8] =	stream.linear.gather @p1 [hbm4b:s0+s4], $0x4, $0x38;
	[tilespmem:$0x1F0F8] =	vst v63  }
0x384: {  	s0 =	simm.s32 @p1 $0x8  }
0x385: {  	_ =	swait.ge @p1 [sflag:s0], $0x4  }
0x386: {  	[sflag:s0] =	ssyncset.done @p1 $0x0  }
0x387: {  	[sflag:s0] =	ssyncadd.s32 @p1 $0xFFFFFFFC;
	s0 =	sshll.u32 @p1 s3, $0x6  }
0x388: {  	v1 =	vld @p1 [tilespmem:$0x3638];
	s4 =	sshrl.u32 @p1 s0, $0x2  }
0x389: {  	v2 =	vld @p1 [tilespmem:s4+$0x3678];
	_ =	sdelay $0x4  }
0x38a: {  	s5 =	sshll.u32 @!p1 s3, $0x6;
	v1 =	vmax.f32 @p1 v1, v2  }
0x38b: {  	s5 =	smov.u32 @p1 s0;
	[tilespmem:s4+$0x3678] =	vst @p1 v1  }
0x38c: {  	s0 =	sshrl.u32 s5, $0x2;
	[tilespmem:s2+$0x3658] =	vst.msk $0x1, v0  }
0x38d: {  	v0 =	vld [tilespmem:s0+$0x3678];
	_ =	sdelay $0x2  }
0x38e: {  	s31 =	sshll.u32 s2, $0x6  }
0x38f: {  	s0 =	sshra.s32 s31, $0x2  }
0x390: {  	s2 =	sadd.s32 $0x1, s2;
	[tilespmem:s0+$0x3678] =	vst v0  }
.LBB2_47:
0x391: {  	s3 =	sadd.s32 $0x1, s3  }
0x392: {  	p1 =	sne.s32 s3, $0x20  }
.Ltmp33:
0x393: {  	_ = 	snop;
	(pc) =	sbr.rel @!p1 .LBB2_48-.Ltmp33, $1  }
0x394: {  	_ =	sdelay $0x3  }
.LBB2_40:
0x395: {  	v0 =	vld.msk [tilespmem:s3+$0x3658], $0x1;
	_ =	sdelay $0x4  }
0x396: {  	(v2sf) =	vpush v0, $0x0;
	_ =	sdelay $0xe  }
0x397: {  	s4 =	spop (v2sf)  }
0x398: {  	p1 =	seq.s32 s4, $0xFFFFFFFF  }
.Ltmp34:
0x399: {  	_ = 	snop;
	(pc) =	sbr.rel @p1 .LBB2_47-.Ltmp34, $1  }
0x39a: {  	_ =	sdelay $0x3  }
0x39b: {  	p1 =	slt.s32 s2, $0x1  }
.Ltmp35:
0x39c: {  	_ = 	snop;
	(pc) =	sbr.rel @p1 .LBB2_45-.Ltmp35, $1  }
0x39d: {  	_ =	sdelay $0x3  }
0x39e: {  	s5 =	simm.s32 $0x3658;
	p1 =	por $0x0, $0x0  }
0x39f: {  	v1 =	vld.msk @!p1 [tilespmem:s5+$0x0], $0x1;
	_ =	sdelay $0x4  }
0x3a0: {  	(v2sf) =	vpush @!p1 v1, $0x0;
	_ =	sdelay $0xd  }
0x3a1: {  	p3 =	sne.s32 s2, $0x1  }
.Ltmp36:
0x3a2: {  	s0 =	spop @!p1 (v2sf);
	(pc) =	sbr.rel @!p3 .LBB2_44-.Ltmp36, $4  }
0x3a3: {  	p2 =	seq.s32 @!p1 s4, s0  }
0x3a4: {  	s6 =	simm.s32 $0x0;
	p2 =	por !p2, p1  }
0x3a5: {  	s0 =	simm.s32 $0xFFFFFFFF;
	s6 =	simm.s32 @p2 $0xFFFFFFFF  }
0x3a6: {  	s7 =	simm.s32 $0x1;
	s6 =	smov.u32 @p1 s0  }
.LBB2_43:
0x3a7: {  	s0 =	smov.u32 s6;
	p1 =	sne.s32 s6, $0xFFFFFFFF  }
0x3a8: {  	s5 =	sadd.s32 $0x1, s5;
	s6 =	smov.u32 s7;
	s7 =	sadd.s32 $0x1, s7  }
0x3a9: {  	p2 =	sne.s32 s2, s7;
	v1 =	vld.msk @!p1 [tilespmem:s5+$0x0], $0x1;
	_ =	sdelay $0x4  }
0x3aa: {  	(v2sf) =	vpush @!p1 v1, $0x0;
	_ =	sdelay $0xe  }
.Ltmp37:
0x3ab: {  	s8 =	spop @!p1 (v2sf);
	(pc) =	sbr.rel @p2 .LBB2_43-.Ltmp37, $4  }
0x3ac: {  	p3 =	seq.s32 @!p1 s4, s8  }
0x3ad: {  	p3 =	por !p3, p1  }
0x3ae: {  	s6 =	simm.s32 @p3 $0xFFFFFFFF  }
0x3af: {  	s6 =	smov.u32 @p1 s0  }
.LBB2_44:
0x3b0: {  	p1 =	sne.s32 s6, $0xFFFFFFFF  }
.Ltmp38:
0x3b1: {  	_ = 	snop;
	(pc) =	sbr.rel @!p1 .LBB2_45-.Ltmp38, $1  }
0x3b2: {  	_ =	sdelay $0x3  }
0x3b3: {  	s0 =	sshll.u32 s3, $0x4  }
0x3b4: {  	s4 =	sshll.u32 s6, $0x6;
	s0 =	sand.u32 $0x3FFFFFF0, s0  }
0x3b5: {  	s31 =	sshra.s32 s4, $0x2;
	v0 =	vld [tilespmem:s0+$0x3678]  }
0x3b6: {  	v1 =	vld [tilespmem:s31+$0x3678];
	_ =	sdelay $0x1  }
.Ltmp39:
0x3b7: {  	_ = 	snop;
	(pc) =	sbr.rel .LBB2_47-.Ltmp39, $3  }
0x3b8: {  	_ =	sdelay $0x1  }
0x3b9: {  	v0 =	vmax.f32 v0, v1  }
0x3ba: {  	[tilespmem:s31+$0x3678] =	vst v0  }
.LBB2_48:
0x3bb: {  	p1 =	slt.s32 s2, $0x1  }
.Ltmp40:
0x3bc: {  	_ = 	snop;
	(pc) =	sbr.rel @p1 .LBB2_52-.Ltmp40, $3  }
0x3bd: {  	_ =	sdelay $0x1  }
0x3be: {  	s0 =	simm.s32 $0x8  }
0x3bf: {  	s3 =	simm.s32 $0x0;
	[sflag:s0] =	ssyncpa.u1 $0x1  }
0x3c0: {  	s0 =	simm.s32 $0x3658  }
0x3c1: {  	v0 =	vld.msk [tilespmem:s0+$0x0], $0x1;
	_ =	sdelay $0x4  }
0x3c2: {  	(v2sf) =	vpush v0, $0x0;
	_ =	sdelay $0xe  }
0x3c3: {  	s2 =	sadd.s32 $0xFFFFFFFF, s2;
	s0 =	spop (v2sf)  }
0x3c4: {  	p2 =	sne.s32 s2, $0x0;
	p1 =	sgt.u32 s0, $0x270FF  }
.Ltmp41:
0x3c5: {  	s5 =	sand.u32 @!p1 $0x3FFF8, s0;
	(pc) =	sbr.rel @!p2 .LBB2_51-.Ltmp41, $4  }
0x3c6: {  	s4 =	simm.s32 $0x3678;
	s0 =	sand.u32 @!p1 $0x7, s0;
	s5 =	sadd.s32 @!p1 s1, s5  }
0x3c7: {  	[hbm4b:s5+s0] =	stream.linear.scatter @!p1 [tilespmem:s4], [sflag:$0x7], $0x4, $0x38;
	[tilespmem:$0x1F0F8] =	vst v63  }
0x3c8: {  	s0 =	simm.s32 $0x0  }
0x3c9: {  	s5 =	simm.s32 $0x3659;
	s0 =	simm.s32 @!p1 $0x10  }
.LBB2_50:
0x3ca: {  	v0 =	vld.msk [tilespmem:s5+$0x0], $0x1;
	s2 =	sadd.s32 $0xFFFFFFFF, s2;
	s3 =	sadd.s32 s3, s0  }
0x3cb: {  	p1 =	sne.s32 s2, $0x0;
	_ =	sdelay $0x3  }
0x3cc: {  	(v2sf) =	vpush v0, $0x0;
	_ =	sdelay $0xe  }
.Ltmp42:
0x3cd: {  	s6 =	spop (v2sf);
	(pc) =	sbr.rel @p1 .LBB2_50-.Ltmp42, $4  }
0x3ce: {  	s0 =	simm.s32 $0x0;
	p2 =	sgt.u32 s6, $0x270FF  }
0x3cf: {  	s4 =	sadd.s32 $0x10, s4;
	s0 =	simm.s32 @!p2 $0x10;
	s7 =	sand.u32 @!p2 $0x3FFF8, s6  }
0x3d0: {  	s5 =	sadd.s32 $0x1, s5;
	s6 =	sand.u32 @!p2 $0x7, s6;
	s7 =	sadd.s32 @!p2 s1, s7  }
0x3d1: {  	[hbm4b:s7+s6] =	stream.linear.scatter @!p2 [tilespmem:s4], [sflag:$0x7], $0x4, $0x38;
	[tilespmem:$0x1F0F8] =	vst v63  }
.LBB2_51:
0x3d2: {  	s0 =	sadd.s32 s3, s0  }
0x3d3: {  	s3 =	sshrl.u32 s0, $0x2  }
.LBB2_52:
0x3d4: {  	s0 =	simm.s32 $0x7  }
0x3d5: {  	_ =	swait.ge [sflag:s0], s3  }
0x3d6: {  	s1 =	ssub.s32 $0x0, s3;
	[sflag:s0] =	ssyncset.done $0x0  }
0x3d7: {  	[sflag:s0] =	ssyncadd.s32 s1  }
0x3d8: {  	[sflag:s0] =	ssyncpa.u1 $0x1  }
.LBB2_53:
0x3d9: {  	_ =	sfence;
	s0 =	simm.s32 $0x1  }
0x3da: {  	[sflag:s0] =	ssyncpa.u1 $0x1  }
0x3db: {  	_ =	strace $0x90000047  }
0x3dc: {  	[bflag:$0x2] =	sbarrier.arrive $0xFFFF  }
0x3dd: {  	s0 =	rddreg [dreg:$0x4]  }
0x3de: {  	s0 =	sadd.s32 @!p0 $0x100000, s0  }
0x3df: {  	[sflag:s0] =	ssyncadd.tile.s32 @!p0 $0x1;
	_ =	shalt  }
.Lfunc_end2:
_tile_overlayer_lowered:
.L_overlay_start_2:
0x3e0: {  	(tag) =	ssettag $0x2  }
0x3e1: {  	s0 =	rddreg [dreg:$0x0];
	s2 =	stileid.u32  }
0x3e2: {  	s1 =	rddreg [dreg:$0x1];
	p0 =	sne.s32 s2, $0x0  }
0x3e3: {  	s3 =	rddreg [dreg:$0x2];
	[bflag:$0x3] =	sbarrier.arrive $0xFFFF;
	s2 =	simm.s32 @!p0 $0x1C01  }
0x3e4: {  	[timem:s3], [sflag:s2] =	dma.local @!p0 [hbm:s0], s1  }
0x3e5: {  	s0 =	simm.s32 @!p0 $0x1  }
0x3e6: {  	_ =	swait.ge @!p0 [sflag:s0], s1  }
0x3e7: {  	s1 =	ssub.s32 @!p0 $0x0, s1;
	[sflag:s0] =	ssyncset.done @!p0 $0x0  }
0x3e8: {  	[sflag:s0] =	ssyncadd.s32 @!p0 s1  }
0x3e9: {  	[bflag:$0x3] =	sbarrier.arrive $0xFFFF  }
0x3ea: {  	_ =	shalt  }

</sc_bundles>
